<compile_context>
chip_gen: v7x
topology: tpu7x:2x2x1
jax: 0.10.2.dev20260603
libtpu: 0.0.44.dev20260713+nightly
codegen_flags: <defaults>
</compile_context>

<pallas_src>
import functools

import jax
import jax.numpy as jnp
from jax import lax
from jax.experimental import pallas as pl
from jax.experimental.pallas import tpu as pltpu
from jax.experimental.pallas import tpu_sc as plsc

NC = 2
NS = 16
L = 16
B = 128
NBC = 8

def _mesh():
    return plsc.VectorSubcoreMesh(core_axis_name="c", subcore_axis_name="s",
                                  num_cores=NC, num_subcores=NS)



def _degree_body(nch, np_, src_hbm, dst_hbm, out_hbm,
                 idx_s, idx_d, ones_v, zrow_v, acc_o, acc_i):
    c = lax.axis_index("c")
    s = lax.axis_index("s")
    npt = np_ // NS

    for i in range(B // L):
        ones_v[pl.ds(i * L, L)] = jnp.ones((L,), jnp.float32)
    for i in range(npt // L):
        zrow_v[pl.ds(i * L, L)] = jnp.zeros((L,), jnp.float32)

    pltpu.sync_copy(zrow_v, acc_o.at[pl.ds(s * npt, npt)])
    pltpu.sync_copy(zrow_v, acc_i.at[pl.ds(s * npt, npt)])
    plsc.subcore_barrier()

    def chunk(k, carry):
        pltpu.sync_copy(src_hbm.at[c, s, k], idx_s)
        pltpu.sync_copy(dst_hbm.at[c, s, k], idx_d)

        def body(j, carry2):
            pltpu.sync_copy(ones_v, acc_o.at[idx_s.at[j]], add=True)
            pltpu.sync_copy(ones_v, acc_i.at[idx_d.at[j]], add=True)
            return carry2

        return lax.fori_loop(0, NBC, body, carry)

    lax.fori_loop(0, nch, chunk, 0)
    plsc.subcore_barrier()

    pltpu.sync_copy(acc_o.at[pl.ds(s * npt, npt)],
                    out_hbm.at[c, 0, pl.ds(s * npt, npt)])
    pltpu.sync_copy(acc_i.at[pl.ds(s * npt, npt)],
                    out_hbm.at[c, 1, pl.ds(s * npt, npt)])


def _degree_call(src_r, dst_r, np_):
    nch = src_r.shape[2]
    body = functools.partial(_degree_body, nch, np_)
    return pl.kernel(
        body,
        out_type=jax.ShapeDtypeStruct((NC, 2, np_), jnp.float32),
        mesh=_mesh(),
        compiler_params=pltpu.CompilerParams(use_tc_tiling_on_sc=False),
        scratch_types=[
            pltpu.VMEM((NBC, B), jnp.int32),
            pltpu.VMEM((NBC, B), jnp.int32),
            pltpu.VMEM((B,), jnp.float32),
            pltpu.VMEM((np_ // NS,), jnp.float32),
            pltpu.VMEM_SHARED((np_,), jnp.float32),
            pltpu.VMEM_SHARED((np_,), jnp.float32),
        ],
    )(src_r, dst_r)


def _segsum_body(nch, np_, d, stage, feat, table_hbm, src_hbm, dst_hbm,
                 out_hbm, *refs):
    if stage:
        table_sh, idx_s, idx_d, rows, acc, gsem, ssem = refs
    else:
        idx_s, idx_d, rows, acc, gsem, ssem = refs
        table_sh = table_hbm
    c = lax.axis_index("c")
    s = lax.axis_index("s")
    npt = np_ // NS

    if stage:
        tsrc = table_hbm.at[c] if feat else table_hbm
        pltpu.sync_copy(tsrc.at[pl.ds(s * npt, npt)],
                        table_sh.at[pl.ds(s * npt, npt)])

    def zrow(i, carry):
        for k in range(d // L):
            rows[0, i, pl.ds(k * L, L)] = jnp.zeros((L,), jnp.float32)
        return carry

    lax.fori_loop(0, B, zrow, 0)
    for k in range(npt // B):
        pltpu.sync_copy(rows.at[0], acc.at[pl.ds(s * npt + k * B, B)])
    plsc.subcore_barrier()

    nb = nch * NBC

    def jbody(j, carry):
        k = j // NBC
        jj = j - k * NBC
        kb = lax.rem(k, 2)
        bg = lax.rem(j, 3)

        @pl.when(j >= 3)
        def _():
            jr = j - 3
            kr = jr // NBC
            jjr = jr - kr * NBC
            kbr = lax.rem(kr, 2)
            pltpu.make_async_copy(rows.at[bg], acc.at[idx_d.at[kbr, jjr]],
                                  ssem.at[bg]).wait()

        @pl.when(jj == 0)
        def _():
            isrc = src_hbm.at[s, k] if feat else src_hbm.at[c, s, k]
            idst = dst_hbm.at[s, k] if feat else dst_hbm.at[c, s, k]
            pltpu.sync_copy(isrc, idx_s.at[kb])
            pltpu.sync_copy(idst, idx_d.at[kb])

        pltpu.async_copy(table_sh.at[idx_s.at[kb, jj]], rows.at[bg],
                         gsem.at[bg])

        @pl.when(j >= 1)
        def _():
            jp = j - 1
            kp = jp // NBC
            jjp = jp - kp * NBC
            kbp = lax.rem(kp, 2)
            bs = lax.rem(jp, 3)
            pltpu.make_async_copy(table_sh.at[idx_s.at[kbp, jjp]],
                                  rows.at[bs], gsem.at[bs]).wait()
            pltpu.async_copy(rows.at[bs], acc.at[idx_d.at[kbp, jjp]],
                             ssem.at[bs], add=True)

        return carry

    lax.fori_loop(0, nb, jbody, 0)

    jp = nb - 1
    kp = jp // NBC
    jjp = jp - kp * NBC
    kbp = kp % 2
    bs = jp % 3
    pltpu.make_async_copy(table_sh.at[idx_s.at[kbp, jjp]],
                          rows.at[bs], gsem.at[bs]).wait()
    pltpu.async_copy(rows.at[bs], acc.at[idx_d.at[kbp, jjp]],
                     ssem.at[bs], add=True)
    for m in (nb - 1, nb - 2, nb - 3):
        km = m // NBC
        pltpu.make_async_copy(rows.at[m % 3],
                              acc.at[idx_d.at[km % 2, m - km * NBC]],
                              ssem.at[m % 3]).wait()

    plsc.subcore_barrier()

    for k in range(npt // B):
        pltpu.sync_copy(acc.at[pl.ds(s * npt + k * B, B)],
                        out_hbm.at[c, pl.ds(s * npt + k * B, B)])


def _segsum_call(table, src_r, dst_r, np_, stage, feat=False):
    nch = src_r.shape[-3]
    d = table.shape[-1]
    body = functools.partial(_segsum_body, nch, np_, d, stage, feat)
    scratch = [
        pltpu.VMEM((2, NBC, B), jnp.int32),
        pltpu.VMEM((2, NBC, B), jnp.int32),
        pltpu.VMEM((3, B, d), jnp.float32),
        pltpu.VMEM_SHARED((np_, d), jnp.float32),
        pltpu.SemaphoreType.DMA((3,)),
        pltpu.SemaphoreType.DMA((3,)),
    ]
    if stage:
        scratch.insert(0, pltpu.VMEM_SHARED((np_, d), jnp.float32))
    return pl.kernel(
        body,
        out_type=jax.ShapeDtypeStruct((NC, np_, d), jnp.float32),
        mesh=_mesh(),
        compiler_params=pltpu.CompilerParams(use_tc_tiling_on_sc=False),
        scratch_types=scratch,
    )(table, src_r, dst_r)



def _rs_out(degs):
    return lax.rsqrt(jnp.maximum(degs[:, 0:1] + degs[:, 2:3], 1.0))


def _rs_in(degs):
    return lax.rsqrt(jnp.maximum(degs[:, 1:2] + degs[:, 3:4], 1.0))


def _l1_body(x_ref, w1_ref, degs_ref, out_ref):
    y = jnp.dot(x_ref[...], w1_ref[...], preferred_element_type=jnp.float32)
    out_ref[...] = y * _rs_out(degs_ref[...])


def _mid_body(s1_ref, degs_ref, b1_ref, w2_ref, out_ref):
    degs = degs_ref[...]
    agg = s1_ref[...] * _rs_in(degs)
    h = jnp.maximum(agg + b1_ref[...], 0.0)
    out_ref[...] = jnp.dot(h * _rs_out(degs), w2_ref[...],
                           preferred_element_type=jnp.float32)


def _out_body(p_ref, degs_ref, b2_ref, out_ref):
    out_ref[...] = ((p_ref[0] + p_ref[1]) * _rs_in(degs_ref[...])
                    + b2_ref[...])


def _tc_call(body, out_shape, *args):
    return pl.pallas_call(
        body, out_shape=jax.ShapeDtypeStruct(out_shape, jnp.float32))(*args)



def kernel(in_feat, edge_index, W1, b1, W2, b2):
    n = in_feat.shape[0]
    e = edge_index.shape[1]
    d_in = W1.shape[0]
    d_h = W1.shape[1]
    d_out = W2.shape[1]

    np_ = -(-(n + 1) // (NS * B)) * (NS * B)
    unit = NC * NS * B * NBC
    ep = -(-e // unit) * unit
    nch = ep // unit

    src = edge_index[0].astype(jnp.int32)
    dst = edge_index[1].astype(jnp.int32)
    fill = jnp.full((ep - e,), np_ - 1, jnp.int32)
    src_flat = jnp.concatenate([src, fill])
    dst_flat = jnp.concatenate([dst, fill])
    src_r = src_flat.reshape(NC, NS, nch, NBC, B)
    dst_r = dst_flat.reshape(NC, NS, nch, NBC, B)
    src_f = src_flat.reshape(NS, NC * nch, NBC, B)
    dst_f = dst_flat.reshape(NS, NC * nch, NBC, B)

    x_pad = jnp.pad(in_feat, ((0, np_ - n), (0, 0)))

    deg2 = _degree_call(src_r, dst_r, np_)
    degs_t = jnp.transpose(deg2.reshape(2 * NC, np_))

    xt1 = _tc_call(_l1_body, (np_, d_h), x_pad, W1, degs_t)
    dhh = d_h // NC
    xt1_sp = xt1.reshape(np_, NC, dhh).transpose(1, 0, 2)
    p1 = _segsum_call(xt1_sp, src_f, dst_f, np_, stage=True, feat=True)
    s1 = p1.transpose(1, 0, 2).reshape(np_, d_h)
    xt2 = _tc_call(_mid_body, (np_, d_out), s1, degs_t,
                   b1.reshape(1, d_h), W2)
    p2 = _segsum_call(xt2, src_r, dst_r, np_, stage=True)
    out = _tc_call(_out_body, (np_, d_out), p2, degs_t, b2.reshape(1, d_out))
    return out[:n]

# --- scband reference (transcript-rebuilt; emitter-appended) ---
"""Pipeline reference for scband-gcnmodel-4080218931695 (READ-ONLY COPY).

The authoritative reference and input builder live on the scoring server;
editing this copy changes nothing except your own understanding.
"""

import jax, jax.numpy as jnp
import numpy as np

N_NODES = 10000
N_EDGES = 320000
D_IN = 128
D_H = 128
D_OUT = 64


def setup_inputs(seed: int = 0) -> dict:
    key = jax.random.key(seed)
    k1, k2, k3, k4, k5, k6 = jax.random.split(key, 6)
    in_feat = jax.random.normal(k1, (N_NODES, D_IN), dtype=jnp.float32)
    edge_index = jax.random.randint(k2, (2, N_EDGES), 0, N_NODES, dtype=jnp.int64)
    # Glorot-style init for GCN layer weights
    W1 = jax.random.normal(k3, (D_IN, D_H), dtype=jnp.float32) * (1.0 / np.sqrt(D_IN))
    b1 = jnp.zeros((D_H,), dtype=jnp.float32)
    W2 = jax.random.normal(k4, (D_H, D_OUT), dtype=jnp.float32) * (1.0 / np.sqrt(D_H))
    b2 = jnp.zeros((D_OUT,), dtype=jnp.float32)
    return {"in_feat": in_feat, "edge_index": edge_index, "W1": W1, "b1": b1, "W2": W2, "b2": b2}


def _gcn_layer(x, src, dst, W, b, n_nodes):
    # Symmetric-normalized GCN aggregation: h = D^{-1/2} A D^{-1/2} x, then linear.
    deg_out = jnp.zeros((n_nodes,), dtype=jnp.float32).at[src].add(1.0)
    deg_in = jnp.zeros((n_nodes,), dtype=jnp.float32).at[dst].add(1.0)
    deg_out = jnp.clip(deg_out, 1.0)
    deg_in = jnp.clip(deg_in, 1.0)
    norm = jax.lax.rsqrt(deg_out[src]) * jax.lax.rsqrt(deg_in[dst])  # [E]
    msgs = x[src] * norm[:, None]  # gather + scale
    agg = jax.ops.segment_sum(msgs, dst, num_segments=n_nodes)  # scatter-add
    return agg @ W + b


def reference(in_feat, edge_index, W1, b1, W2, b2):
    src = edge_index[0]
    dst = edge_index[1]
    h = _gcn_layer(in_feat, src, dst, W1, b1, N_NODES)
    h = jax.nn.relu(h)
    h = _gcn_layer(h, src, dst, W2, b2, N_NODES)
    return h

if __name__ == "__main__":
    import jax
    _d = setup_inputs()
    print(jax.jit(kernel)(*tuple(_d.values())))

</pallas_src>

<mosaic_0001>
#map = affine_map<(d0, d1) -> (0, 0, 0)>
#map1 = affine_map<(d0, d1) -> (0, 0, 0, 0)>
module attributes {stable_mosaic.version = 14 : i64} {
  func.func @_segsum_body(%arg0: i32, %arg1: i32, %arg2: memref<2x10240x64xf32, #tpu.memory_space<hbm>>, %arg3: memref<16x20x8x128xi32, #tpu.memory_space<hbm>>, %arg4: memref<16x20x8x128xi32, #tpu.memory_space<hbm>>, %arg5: memref<2x10240x64xf32, #tpu.memory_space<hbm>>, %arg6: memref<10240x64xf32, #tpu.memory_space<vmem_shared>>, %arg7: memref<2x8x128xi32, #tpu.memory_space<vmem>>, %arg8: memref<2x8x128xi32, #tpu.memory_space<vmem>>, %arg9: memref<3x128x64xf32, #tpu.memory_space<vmem>>, %arg10: memref<10240x64xf32, #tpu.memory_space<vmem_shared>>, %arg11: memref<3x!tpu.dma_semaphore, #tpu.memory_space<semaphore_mem>>, %arg12: memref<3x!tpu.dma_semaphore, #tpu.memory_space<semaphore_mem>>) attributes {dimension_semantics = [#tpu.dimension_semantics<core_parallel>, #tpu.dimension_semantics<subcore_parallel>], iteration_bounds = array<i64: 2, 16>, scalar_prefetch = 0 : i64, scratch_operands = 7 : i64, tpu.core_type = #tpu.core_type<sc_vector_subcore>, window_params = [{transform_indices = #map}, {transform_indices = #map1}, {transform_indices = #map1}, {transform_indices = #map}]} {
    %mul3A = arith.constant 640 : i32
    %mul3A_0 = arith.muli %arg1, %mul3A : i32
    %mul3A_1 = arith.constant 640 : i32
    %mul3A_2 = arith.muli %arg1, %mul3A_1 : i32
    "tpu.region"() ({
      %run_scoped3A_156 = tpu.sem_alloc : memref<!tpu.dma_semaphore, #tpu.memory_space<semaphore_mem>>
      %dma_start3A_157 = arith.constant 0 : i32
      %dma_start3A_158 = tpu.memref_slice %arg6[%mul3A_2, %dma_start3A_157] : memref<10240x64xf32, #tpu.memory_space<vmem_shared>> -> memref<640x64xf32, #tpu.memory_space<vmem_shared>>
      %dma_start3A_159 = arith.constant 0 : i32
      %dma_start3A_160 = arith.constant 0 : i32
      %dma_start3A_161 = tpu.memref_slice %arg2[%arg0, %dma_start3A_159, %dma_start3A_160] : memref<2x10240x64xf32, #tpu.memory_space<hbm>> -> memref<1x10240x64xf32, #tpu.memory_space<hbm>>
      %dma_start3A_162 = tpu.memref_squeeze %dma_start3A_161 : memref<1x10240x64xf32, #tpu.memory_space<hbm>> -> memref<10240x64xf32, #tpu.memory_space<hbm>>
      %dma_start3A_163 = arith.constant 0 : i32
      %dma_start3A_164 = tpu.memref_slice %dma_start3A_162[%mul3A_0, %dma_start3A_163] : memref<10240x64xf32, #tpu.memory_space<hbm>> -> memref<640x64xf32, #tpu.memory_space<hbm>>
      tpu.enqueue_dma source(%dma_start3A_164 : memref<640x64xf32, #tpu.memory_space<hbm>>) target(%dma_start3A_158 : memref<640x64xf32, #tpu.memory_space<vmem_shared>>) target_semaphore(%run_scoped3A_156 : memref<!tpu.dma_semaphore, #tpu.memory_space<semaphore_mem>>)
      %dma_wait3A_165 = arith.constant 0 : i32
      %dma_wait3A_166 = tpu.memref_slice %arg6[%mul3A_2, %dma_wait3A_165] : memref<10240x64xf32, #tpu.memory_space<vmem_shared>> -> memref<640x64xf32, #tpu.memory_space<vmem_shared>>
      %dma_wait3A_167 = arith.constant 0 : i32
      %dma_wait3A_168 = arith.constant 0 : i32
      %dma_wait3A_169 = tpu.memref_slice %arg2[%arg0, %dma_wait3A_167, %dma_wait3A_168] : memref<2x10240x64xf32, #tpu.memory_space<hbm>> -> memref<1x10240x64xf32, #tpu.memory_space<hbm>>
      %dma_wait3A_170 = tpu.memref_squeeze %dma_wait3A_169 : memref<1x10240x64xf32, #tpu.memory_space<hbm>> -> memref<10240x64xf32, #tpu.memory_space<hbm>>
      %dma_wait3A_171 = arith.constant 0 : i32
      %dma_wait3A_172 = tpu.memref_slice %dma_wait3A_170[%mul3A_0, %dma_wait3A_171] : memref<10240x64xf32, #tpu.memory_space<hbm>> -> memref<640x64xf32, #tpu.memory_space<hbm>>
      tpu.wait_dma2 semaphore(%run_scoped3A_156 : memref<!tpu.dma_semaphore, #tpu.memory_space<semaphore_mem>>) src(%dma_wait3A_172 : memref<640x64xf32, #tpu.memory_space<hbm>>) dst(%dma_wait3A_166 : memref<640x64xf32, #tpu.memory_space<vmem_shared>>)
      tpu.yield
    }) : () -> ()
    %scan3A = arith.constant 0 : i32
    %scan3A_3 = arith.constant 0 : i32
    %scan3A_4 = arith.constant 128 : i32
    %scan3A_5 = arith.addi %scan3A_3, %scan3A_4 : i32
    %scan3A_6 = arith.constant 1 : i32
    scf.for %scan3A_156 = %scan3A_3 to %scan3A_5 step %scan3A_6  : i32 {
      %broadcast_in_dim3A = arith.constant 0.000000e+00 : f32
      %broadcast_in_dim3A_157 = vector.broadcast %broadcast_in_dim3A : f32 to vector<16xf32>
      %swap3A = arith.constant 0 : i32
      %swap3A_158 = arith.index_cast %swap3A : i32 to index
      %swap3A_159 = arith.index_cast %scan3A_156 : i32 to index
      %swap3A_160 = arith.constant 0 : index
      %swap3A_161 = tpu.vector_load %arg9[%swap3A_158, %swap3A_159, %swap3A_160] {strides = array<i32>} : memref<3x128x64xf32, #tpu.memory_space<vmem>>, vector<1x1x16xf32>,
      %swap3A_162 = vector.shape_cast %swap3A_161 : vector<1x1x16xf32> to vector<16xf32>
      %swap3A_163 = vector.shape_cast %broadcast_in_dim3A_157 : vector<16xf32> to vector<1x1x16xf32>
      tpu.vector_store %arg9[%swap3A_158, %swap3A_159, %swap3A_160], %swap3A_163 {strides = array<i32>} : memref<3x128x64xf32, #tpu.memory_space<vmem>>, vector<1x1x16xf32>,
      %broadcast_in_dim3A_164 = arith.constant 0.000000e+00 : f32
      %broadcast_in_dim3A_165 = vector.broadcast %broadcast_in_dim3A_164 : f32 to vector<16xf32>
      %swap3A_166 = arith.constant 0 : i32
      %swap3A_167 = arith.index_cast %swap3A_166 : i32 to index
      %swap3A_168 = arith.index_cast %scan3A_156 : i32 to index
      %swap3A_169 = arith.constant 16 : index
      %swap3A_170 = tpu.vector_load %arg9[%swap3A_167, %swap3A_168, %swap3A_169] {strides = array<i32>} : memref<3x128x64xf32, #tpu.memory_space<vmem>>, vector<1x1x16xf32>,
      %swap3A_171 = vector.shape_cast %swap3A_170 : vector<1x1x16xf32> to vector<16xf32>
      %swap3A_172 = vector.shape_cast %broadcast_in_dim3A_165 : vector<16xf32> to vector<1x1x16xf32>
      tpu.vector_store %arg9[%swap3A_167, %swap3A_168, %swap3A_169], %swap3A_172 {strides = array<i32>} : memref<3x128x64xf32, #tpu.memory_space<vmem>>, vector<1x1x16xf32>,
      %broadcast_in_dim3A_173 = arith.constant 0.000000e+00 : f32
      %broadcast_in_dim3A_174 = vector.broadcast %broadcast_in_dim3A_173 : f32 to vector<16xf32>
      %swap3A_175 = arith.constant 0 : i32
      %swap3A_176 = arith.index_cast %swap3A_175 : i32 to index
      %swap3A_177 = arith.index_cast %scan3A_156 : i32 to index
      %swap3A_178 = arith.constant 32 : index
      %swap3A_179 = tpu.vector_load %arg9[%swap3A_176, %swap3A_177, %swap3A_178] {strides = array<i32>} : memref<3x128x64xf32, #tpu.memory_space<vmem>>, vector<1x1x16xf32>,
      %swap3A_180 = vector.shape_cast %swap3A_179 : vector<1x1x16xf32> to vector<16xf32>
      %swap3A_181 = vector.shape_cast %broadcast_in_dim3A_174 : vector<16xf32> to vector<1x1x16xf32>
      tpu.vector_store %arg9[%swap3A_176, %swap3A_177, %swap3A_178], %swap3A_181 {strides = array<i32>} : memref<3x128x64xf32, #tpu.memory_space<vmem>>, vector<1x1x16xf32>,
      %broadcast_in_dim3A_182 = arith.constant 0.000000e+00 : f32
      %broadcast_in_dim3A_183 = vector.broadcast %broadcast_in_dim3A_182 : f32 to vector<16xf32>
      %swap3A_184 = arith.constant 0 : i32
      %swap3A_185 = arith.index_cast %swap3A_184 : i32 to index
      %swap3A_186 = arith.index_cast %scan3A_156 : i32 to index
      %swap3A_187 = arith.constant 48 : index
      %swap3A_188 = tpu.vector_load %arg9[%swap3A_185, %swap3A_186, %swap3A_187] {strides = array<i32>} : memref<3x128x64xf32, #tpu.memory_space<vmem>>, vector<1x1x16xf32>,
      %swap3A_189 = vector.shape_cast %swap3A_188 : vector<1x1x16xf32> to vector<16xf32>
      %swap3A_190 = vector.shape_cast %broadcast_in_dim3A_183 : vector<16xf32> to vector<1x1x16xf32>
      tpu.vector_store %arg9[%swap3A_185, %swap3A_186, %swap3A_187], %swap3A_190 {strides = array<i32>} : memref<3x128x64xf32, #tpu.memory_space<vmem>>, vector<1x1x16xf32>,
    }
    %scan3A_7 = arith.constant 128 : i32
    %mul3A_8 = arith.constant 640 : i32
    %mul3A_9 = arith.muli %arg1, %mul3A_8 : i32
    %add3A = arith.constant 0 : i32
    %add3A_10 = arith.addi %mul3A_9, %add3A : i32
    %run_scoped3A = arith.constant 0 : i32
    "tpu.region"() ({
      %run_scoped3A_156 = tpu.sem_alloc : memref<!tpu.dma_semaphore, #tpu.memory_space<semaphore_mem>>
      %dma_start3A_157 = arith.constant 0 : i32
      %dma_start3A_158 = arith.constant 0 : i32
      %dma_start3A_159 = tpu.memref_slice %arg9[%run_scoped3A, %dma_start3A_157, %dma_start3A_158] : memref<3x128x64xf32, #tpu.memory_space<vmem>> -> memref<1x128x64xf32, #tpu.memory_space<vmem>>
      %dma_start3A_160 = tpu.memref_squeeze %dma_start3A_159 : memref<1x128x64xf32, #tpu.memory_space<vmem>> -> memref<128x64xf32, #tpu.memory_space<vmem>>
      %dma_start3A_161 = arith.constant 0 : i32
      %dma_start3A_162 = tpu.memref_slice %arg10[%add3A_10, %dma_start3A_161] : memref<10240x64xf32, #tpu.memory_space<vmem_shared>> -> memref<128x64xf32, #tpu.memory_space<vmem_shared>>
      %dma_start3A_163 = arith.constant 0 : i32
      %dma_start3A_164 = tpu.memref_slice %arg10[%add3A_10, %dma_start3A_163] : memref<10240x64xf32, #tpu.memory_space<vmem_shared>> -> memref<128x64xf32, #tpu.memory_space<vmem_shared>>
      %dma_start3A_165 = arith.constant 0 : i32
      %dma_start3A_166 = arith.constant 0 : i32
      %dma_start3A_167 = tpu.memref_slice %arg9[%run_scoped3A, %dma_start3A_165, %dma_start3A_166] : memref<3x128x64xf32, #tpu.memory_space<vmem>> -> memref<1x128x64xf32, #tpu.memory_space<vmem>>
      %dma_start3A_168 = tpu.memref_squeeze %dma_start3A_167 : memref<1x128x64xf32, #tpu.memory_space<vmem>> -> memref<128x64xf32, #tpu.memory_space<vmem>>
      tpu.enqueue_dma source(%dma_start3A_168 : memref<128x64xf32, #tpu.memory_space<vmem>>) target(%dma_start3A_164 : memref<128x64xf32, #tpu.memory_space<vmem_shared>>) target_semaphore(%run_scoped3A_156 : memref<!tpu.dma_semaphore, #tpu.memory_space<semaphore_mem>>)
      %dma_wait3A_169 = arith.constant 0 : i32
      %dma_wait3A_170 = arith.constant 0 : i32
      %dma_wait3A_171 = tpu.memref_slice %arg9[%run_scoped3A, %dma_wait3A_169, %dma_wait3A_170] : memref<3x128x64xf32, #tpu.memory_space<vmem>> -> memref<1x128x64xf32, #tpu.memory_space<vmem>>
      %dma_wait3A_172 = tpu.memref_squeeze %dma_wait3A_171 : memref<1x128x64xf32, #tpu.memory_space<vmem>> -> memref<128x64xf32, #tpu.memory_space<vmem>>
      %dma_wait3A_173 = arith.constant 0 : i32
      %dma_wait3A_174 = tpu.memref_slice %arg10[%add3A_10, %dma_wait3A_173] : memref<10240x64xf32, #tpu.memory_space<vmem_shared>> -> memref<128x64xf32, #tpu.memory_space<vmem_shared>>
      %dma_wait3A_175 = arith.constant 0 : i32
      %dma_wait3A_176 = tpu.memref_slice %arg10[%add3A_10, %dma_wait3A_175] : memref<10240x64xf32, #tpu.memory_space<vmem_shared>> -> memref<128x64xf32, #tpu.memory_space<vmem_shared>>
      %dma_wait3A_177 = arith.constant 0 : i32
      %dma_wait3A_178 = arith.constant 0 : i32
      %dma_wait3A_179 = tpu.memref_slice %arg9[%run_scoped3A, %dma_wait3A_177, %dma_wait3A_178] : memref<3x128x64xf32, #tpu.memory_space<vmem>> -> memref<1x128x64xf32, #tpu.memory_space<vmem>>
      %dma_wait3A_180 = tpu.memref_squeeze %dma_wait3A_179 : memref<1x128x64xf32, #tpu.memory_space<vmem>> -> memref<128x64xf32, #tpu.memory_space<vmem>>
      tpu.wait_dma2 semaphore(%run_scoped3A_156 : memref<!tpu.dma_semaphore, #tpu.memory_space<semaphore_mem>>) src(%dma_wait3A_180 : memref<128x64xf32, #tpu.memory_space<vmem>>) dst(%dma_wait3A_176 : memref<128x64xf32, #tpu.memory_space<vmem_shared>>)
      tpu.yield
    }) : () -> ()
    %mul3A_11 = arith.constant 640 : i32
    %mul3A_12 = arith.muli %arg1, %mul3A_11 : i32
    %add3A_13 = arith.constant 128 : i32
    %add3A_14 = arith.addi %mul3A_12, %add3A_13 : i32
    %run_scoped3A_15 = arith.constant 0 : i32
    "tpu.region"() ({
      %run_scoped3A_156 = tpu.sem_alloc : memref<!tpu.dma_semaphore, #tpu.memory_space<semaphore_mem>>
      %dma_start3A_157 = arith.constant 0 : i32
      %dma_start3A_158 = arith.constant 0 : i32
      %dma_start3A_159 = tpu.memref_slice %arg9[%run_scoped3A_15, %dma_start3A_157, %dma_start3A_158] : memref<3x128x64xf32, #tpu.memory_space<vmem>> -> memref<1x128x64xf32, #tpu.memory_space<vmem>>
      %dma_start3A_160 = tpu.memref_squeeze %dma_start3A_159 : memref<1x128x64xf32, #tpu.memory_space<vmem>> -> memref<128x64xf32, #tpu.memory_space<vmem>>
      %dma_start3A_161 = arith.constant 0 : i32
      %dma_start3A_162 = tpu.memref_slice %arg10[%add3A_14, %dma_start3A_161] : memref<10240x64xf32, #tpu.memory_space<vmem_shared>> -> memref<128x64xf32, #tpu.memory_space<vmem_shared>>
      %dma_start3A_163 = arith.constant 0 : i32
      %dma_start3A_164 = tpu.memref_slice %arg10[%add3A_14, %dma_start3A_163] : memref<10240x64xf32, #tpu.memory_space<vmem_shared>> -> memref<128x64xf32, #tpu.memory_space<vmem_shared>>
      %dma_start3A_165 = arith.constant 0 : i32
      %dma_start3A_166 = arith.constant 0 : i32
      %dma_start3A_167 = tpu.memref_slice %arg9[%run_scoped3A_15, %dma_start3A_165, %dma_start3A_166] : memref<3x128x64xf32, #tpu.memory_space<vmem>> -> memref<1x128x64xf32, #tpu.memory_space<vmem>>
      %dma_start3A_168 = tpu.memref_squeeze %dma_start3A_167 : memref<1x128x64xf32, #tpu.memory_space<vmem>> -> memref<128x64xf32, #tpu.memory_space<vmem>>
      tpu.enqueue_dma source(%dma_start3A_168 : memref<128x64xf32, #tpu.memory_space<vmem>>) target(%dma_start3A_164 : memref<128x64xf32, #tpu.memory_space<vmem_shared>>) target_semaphore(%run_scoped3A_156 : memref<!tpu.dma_semaphore, #tpu.memory_space<semaphore_mem>>)
      %dma_wait3A_169 = arith.constant 0 : i32
      %dma_wait3A_170 = arith.constant 0 : i32
      %dma_wait3A_171 = tpu.memref_slice %arg9[%run_scoped3A_15, %dma_wait3A_169, %dma_wait3A_170] : memref<3x128x64xf32, #tpu.memory_space<vmem>> -> memref<1x128x64xf32, #tpu.memory_space<vmem>>
      %dma_wait3A_172 = tpu.memref_squeeze %dma_wait3A_171 : memref<1x128x64xf32, #tpu.memory_space<vmem>> -> memref<128x64xf32, #tpu.memory_space<vmem>>
      %dma_wait3A_173 = arith.constant 0 : i32
      %dma_wait3A_174 = tpu.memref_slice %arg10[%add3A_14, %dma_wait3A_173] : memref<10240x64xf32, #tpu.memory_space<vmem_shared>> -> memref<128x64xf32, #tpu.memory_space<vmem_shared>>
      %dma_wait3A_175 = arith.constant 0 : i32
      %dma_wait3A_176 = tpu.memref_slice %arg10[%add3A_14, %dma_wait3A_175] : memref<10240x64xf32, #tpu.memory_space<vmem_shared>> -> memref<128x64xf32, #tpu.memory_space<vmem_shared>>
      %dma_wait3A_177 = arith.constant 0 : i32
      %dma_wait3A_178 = arith.constant 0 : i32
      %dma_wait3A_179 = tpu.memref_slice %arg9[%run_scoped3A_15, %dma_wait3A_177, %dma_wait3A_178] : memref<3x128x64xf32, #tpu.memory_space<vmem>> -> memref<1x128x64xf32, #tpu.memory_space<vmem>>
      %dma_wait3A_180 = tpu.memref_squeeze %dma_wait3A_179 : memref<1x128x64xf32, #tpu.memory_space<vmem>> -> memref<128x64xf32, #tpu.memory_space<vmem>>
      tpu.wait_dma2 semaphore(%run_scoped3A_156 : memref<!tpu.dma_semaphore, #tpu.memory_space<semaphore_mem>>) src(%dma_wait3A_180 : memref<128x64xf32, #tpu.memory_space<vmem>>) dst(%dma_wait3A_176 : memref<128x64xf32, #tpu.memory_space<vmem_shared>>)
      tpu.yield
    }) : () -> ()
    %mul3A_16 = arith.constant 640 : i32
    %mul3A_17 = arith.muli %arg1, %mul3A_16 : i32
    %add3A_18 = arith.constant 256 : i32
    %add3A_19 = arith.addi %mul3A_17, %add3A_18 : i32
    %run_scoped3A_20 = arith.constant 0 : i32
    "tpu.region"() ({
      %run_scoped3A_156 = tpu.sem_alloc : memref<!tpu.dma_semaphore, #tpu.memory_space<semaphore_mem>>
      %dma_start3A_157 = arith.constant 0 : i32
      %dma_start3A_158 = arith.constant 0 : i32
      %dma_start3A_159 = tpu.memref_slice %arg9[%run_scoped3A_20, %dma_start3A_157, %dma_start3A_158] : memref<3x128x64xf32, #tpu.memory_space<vmem>> -> memref<1x128x64xf32, #tpu.memory_space<vmem>>
      %dma_start3A_160 = tpu.memref_squeeze %dma_start3A_159 : memref<1x128x64xf32, #tpu.memory_space<vmem>> -> memref<128x64xf32, #tpu.memory_space<vmem>>
      %dma_start3A_161 = arith.constant 0 : i32
      %dma_start3A_162 = tpu.memref_slice %arg10[%add3A_19, %dma_start3A_161] : memref<10240x64xf32, #tpu.memory_space<vmem_shared>> -> memref<128x64xf32, #tpu.memory_space<vmem_shared>>
      %dma_start3A_163 = arith.constant 0 : i32
      %dma_start3A_164 = tpu.memref_slice %arg10[%add3A_19, %dma_start3A_163] : memref<10240x64xf32, #tpu.memory_space<vmem_shared>> -> memref<128x64xf32, #tpu.memory_space<vmem_shared>>
      %dma_start3A_165 = arith.constant 0 : i32
      %dma_start3A_166 = arith.constant 0 : i32
      %dma_start3A_167 = tpu.memref_slice %arg9[%run_scoped3A_20, %dma_start3A_165, %dma_start3A_166] : memref<3x128x64xf32, #tpu.memory_space<vmem>> -> memref<1x128x64xf32, #tpu.memory_space<vmem>>
      %dma_start3A_168 = tpu.memref_squeeze %dma_start3A_167 : memref<1x128x64xf32, #tpu.memory_space<vmem>> -> memref<128x64xf32, #tpu.memory_space<vmem>>
      tpu.enqueue_dma source(%dma_start3A_168 : memref<128x64xf32, #tpu.memory_space<vmem>>) target(%dma_start3A_164 : memref<128x64xf32, #tpu.memory_space<vmem_shared>>) target_semaphore(%run_scoped3A_156 : memref<!tpu.dma_semaphore, #tpu.memory_space<semaphore_mem>>)
      %dma_wait3A_169 = arith.constant 0 : i32
      %dma_wait3A_170 = arith.constant 0 : i32
      %dma_wait3A_171 = tpu.memref_slice %arg9[%run_scoped3A_20, %dma_wait3A_169, %dma_wait3A_170] : memref<3x128x64xf32, #tpu.memory_space<vmem>> -> memref<1x128x64xf32, #tpu.memory_space<vmem>>
      %dma_wait3A_172 = tpu.memref_squeeze %dma_wait3A_171 : memref<1x128x64xf32, #tpu.memory_space<vmem>> -> memref<128x64xf32, #tpu.memory_space<vmem>>
      %dma_wait3A_173 = arith.constant 0 : i32
      %dma_wait3A_174 = tpu.memref_slice %arg10[%add3A_19, %dma_wait3A_173] : memref<10240x64xf32, #tpu.memory_space<vmem_shared>> -> memref<128x64xf32, #tpu.memory_space<vmem_shared>>
      %dma_wait3A_175 = arith.constant 0 : i32
      %dma_wait3A_176 = tpu.memref_slice %arg10[%add3A_19, %dma_wait3A_175] : memref<10240x64xf32, #tpu.memory_space<vmem_shared>> -> memref<128x64xf32, #tpu.memory_space<vmem_shared>>
      %dma_wait3A_177 = arith.constant 0 : i32
      %dma_wait3A_178 = arith.constant 0 : i32
      %dma_wait3A_179 = tpu.memref_slice %arg9[%run_scoped3A_20, %dma_wait3A_177, %dma_wait3A_178] : memref<3x128x64xf32, #tpu.memory_space<vmem>> -> memref<1x128x64xf32, #tpu.memory_space<vmem>>
      %dma_wait3A_180 = tpu.memref_squeeze %dma_wait3A_179 : memref<1x128x64xf32, #tpu.memory_space<vmem>> -> memref<128x64xf32, #tpu.memory_space<vmem>>
      tpu.wait_dma2 semaphore(%run_scoped3A_156 : memref<!tpu.dma_semaphore, #tpu.memory_space<semaphore_mem>>) src(%dma_wait3A_180 : memref<128x64xf32, #tpu.memory_space<vmem>>) dst(%dma_wait3A_176 : memref<128x64xf32, #tpu.memory_space<vmem_shared>>)
      tpu.yield
    }) : () -> ()
    %mul3A_21 = arith.constant 640 : i32
    %mul3A_22 = arith.muli %arg1, %mul3A_21 : i32
    %add3A_23 = arith.constant 384 : i32
    %add3A_24 = arith.addi %mul3A_22, %add3A_23 : i32
    %run_scoped3A_25 = arith.constant 0 : i32
    "tpu.region"() ({
      %run_scoped3A_156 = tpu.sem_alloc : memref<!tpu.dma_semaphore, #tpu.memory_space<semaphore_mem>>
      %dma_start3A_157 = arith.constant 0 : i32
      %dma_start3A_158 = arith.constant 0 : i32
      %dma_start3A_159 = tpu.memref_slice %arg9[%run_scoped3A_25, %dma_start3A_157, %dma_start3A_158] : memref<3x128x64xf32, #tpu.memory_space<vmem>> -> memref<1x128x64xf32, #tpu.memory_space<vmem>>
      %dma_start3A_160 = tpu.memref_squeeze %dma_start3A_159 : memref<1x128x64xf32, #tpu.memory_space<vmem>> -> memref<128x64xf32, #tpu.memory_space<vmem>>
      %dma_start3A_161 = arith.constant 0 : i32
      %dma_start3A_162 = tpu.memref_slice %arg10[%add3A_24, %dma_start3A_161] : memref<10240x64xf32, #tpu.memory_space<vmem_shared>> -> memref<128x64xf32, #tpu.memory_space<vmem_shared>>
      %dma_start3A_163 = arith.constant 0 : i32
      %dma_start3A_164 = tpu.memref_slice %arg10[%add3A_24, %dma_start3A_163] : memref<10240x64xf32, #tpu.memory_space<vmem_shared>> -> memref<128x64xf32, #tpu.memory_space<vmem_shared>>
      %dma_start3A_165 = arith.constant 0 : i32
      %dma_start3A_166 = arith.constant 0 : i32
      %dma_start3A_167 = tpu.memref_slice %arg9[%run_scoped3A_25, %dma_start3A_165, %dma_start3A_166] : memref<3x128x64xf32, #tpu.memory_space<vmem>> -> memref<1x128x64xf32, #tpu.memory_space<vmem>>
      %dma_start3A_168 = tpu.memref_squeeze %dma_start3A_167 : memref<1x128x64xf32, #tpu.memory_space<vmem>> -> memref<128x64xf32, #tpu.memory_space<vmem>>
      tpu.enqueue_dma source(%dma_start3A_168 : memref<128x64xf32, #tpu.memory_space<vmem>>) target(%dma_start3A_164 : memref<128x64xf32, #tpu.memory_space<vmem_shared>>) target_semaphore(%run_scoped3A_156 : memref<!tpu.dma_semaphore, #tpu.memory_space<semaphore_mem>>)
      %dma_wait3A_169 = arith.constant 0 : i32
      %dma_wait3A_170 = arith.constant 0 : i32
      %dma_wait3A_171 = tpu.memref_slice %arg9[%run_scoped3A_25, %dma_wait3A_169, %dma_wait3A_170] : memref<3x128x64xf32, #tpu.memory_space<vmem>> -> memref<1x128x64xf32, #tpu.memory_space<vmem>>
      %dma_wait3A_172 = tpu.memref_squeeze %dma_wait3A_171 : memref<1x128x64xf32, #tpu.memory_space<vmem>> -> memref<128x64xf32, #tpu.memory_space<vmem>>
      %dma_wait3A_173 = arith.constant 0 : i32
      %dma_wait3A_174 = tpu.memref_slice %arg10[%add3A_24, %dma_wait3A_173] : memref<10240x64xf32, #tpu.memory_space<vmem_shared>> -> memref<128x64xf32, #tpu.memory_space<vmem_shared>>
      %dma_wait3A_175 = arith.constant 0 : i32
      %dma_wait3A_176 = tpu.memref_slice %arg10[%add3A_24, %dma_wait3A_175] : memref<10240x64xf32, #tpu.memory_space<vmem_shared>> -> memref<128x64xf32, #tpu.memory_space<vmem_shared>>
      %dma_wait3A_177 = arith.constant 0 : i32
      %dma_wait3A_178 = arith.constant 0 : i32
      %dma_wait3A_179 = tpu.memref_slice %arg9[%run_scoped3A_25, %dma_wait3A_177, %dma_wait3A_178] : memref<3x128x64xf32, #tpu.memory_space<vmem>> -> memref<1x128x64xf32, #tpu.memory_space<vmem>>
      %dma_wait3A_180 = tpu.memref_squeeze %dma_wait3A_179 : memref<1x128x64xf32, #tpu.memory_space<vmem>> -> memref<128x64xf32, #tpu.memory_space<vmem>>
      tpu.wait_dma2 semaphore(%run_scoped3A_156 : memref<!tpu.dma_semaphore, #tpu.memory_space<semaphore_mem>>) src(%dma_wait3A_180 : memref<128x64xf32, #tpu.memory_space<vmem>>) dst(%dma_wait3A_176 : memref<128x64xf32, #tpu.memory_space<vmem_shared>>)
      tpu.yield
    }) : () -> ()
    %mul3A_26 = arith.constant 640 : i32
    %mul3A_27 = arith.muli %arg1, %mul3A_26 : i32
    %add3A_28 = arith.constant 512 : i32
    %add3A_29 = arith.addi %mul3A_27, %add3A_28 : i32
    %run_scoped3A_30 = arith.constant 0 : i32
    "tpu.region"() ({
      %run_scoped3A_156 = tpu.sem_alloc : memref<!tpu.dma_semaphore, #tpu.memory_space<semaphore_mem>>
      %dma_start3A_157 = arith.constant 0 : i32
      %dma_start3A_158 = arith.constant 0 : i32
      %dma_start3A_159 = tpu.memref_slice %arg9[%run_scoped3A_30, %dma_start3A_157, %dma_start3A_158] : memref<3x128x64xf32, #tpu.memory_space<vmem>> -> memref<1x128x64xf32, #tpu.memory_space<vmem>>
      %dma_start3A_160 = tpu.memref_squeeze %dma_start3A_159 : memref<1x128x64xf32, #tpu.memory_space<vmem>> -> memref<128x64xf32, #tpu.memory_space<vmem>>
      %dma_start3A_161 = arith.constant 0 : i32
      %dma_start3A_162 = tpu.memref_slice %arg10[%add3A_29, %dma_start3A_161] : memref<10240x64xf32, #tpu.memory_space<vmem_shared>> -> memref<128x64xf32, #tpu.memory_space<vmem_shared>>
      %dma_start3A_163 = arith.constant 0 : i32
      %dma_start3A_164 = tpu.memref_slice %arg10[%add3A_29, %dma_start3A_163] : memref<10240x64xf32, #tpu.memory_space<vmem_shared>> -> memref<128x64xf32, #tpu.memory_space<vmem_shared>>
      %dma_start3A_165 = arith.constant 0 : i32
      %dma_start3A_166 = arith.constant 0 : i32
      %dma_start3A_167 = tpu.memref_slice %arg9[%run_scoped3A_30, %dma_start3A_165, %dma_start3A_166] : memref<3x128x64xf32, #tpu.memory_space<vmem>> -> memref<1x128x64xf32, #tpu.memory_space<vmem>>
      %dma_start3A_168 = tpu.memref_squeeze %dma_start3A_167 : memref<1x128x64xf32, #tpu.memory_space<vmem>> -> memref<128x64xf32, #tpu.memory_space<vmem>>
      tpu.enqueue_dma source(%dma_start3A_168 : memref<128x64xf32, #tpu.memory_space<vmem>>) target(%dma_start3A_164 : memref<128x64xf32, #tpu.memory_space<vmem_shared>>) target_semaphore(%run_scoped3A_156 : memref<!tpu.dma_semaphore, #tpu.memory_space<semaphore_mem>>)
      %dma_wait3A_169 = arith.constant 0 : i32
      %dma_wait3A_170 = arith.constant 0 : i32
      %dma_wait3A_171 = tpu.memref_slice %arg9[%run_scoped3A_30, %dma_wait3A_169, %dma_wait3A_170] : memref<3x128x64xf32, #tpu.memory_space<vmem>> -> memref<1x128x64xf32, #tpu.memory_space<vmem>>
      %dma_wait3A_172 = tpu.memref_squeeze %dma_wait3A_171 : memref<1x128x64xf32, #tpu.memory_space<vmem>> -> memref<128x64xf32, #tpu.memory_space<vmem>>
      %dma_wait3A_173 = arith.constant 0 : i32
      %dma_wait3A_174 = tpu.memref_slice %arg10[%add3A_29, %dma_wait3A_173] : memref<10240x64xf32, #tpu.memory_space<vmem_shared>> -> memref<128x64xf32, #tpu.memory_space<vmem_shared>>
      %dma_wait3A_175 = arith.constant 0 : i32
      %dma_wait3A_176 = tpu.memref_slice %arg10[%add3A_29, %dma_wait3A_175] : memref<10240x64xf32, #tpu.memory_space<vmem_shared>> -> memref<128x64xf32, #tpu.memory_space<vmem_shared>>
      %dma_wait3A_177 = arith.constant 0 : i32
      %dma_wait3A_178 = arith.constant 0 : i32
      %dma_wait3A_179 = tpu.memref_slice %arg9[%run_scoped3A_30, %dma_wait3A_177, %dma_wait3A_178] : memref<3x128x64xf32, #tpu.memory_space<vmem>> -> memref<1x128x64xf32, #tpu.memory_space<vmem>>
      %dma_wait3A_180 = tpu.memref_squeeze %dma_wait3A_179 : memref<1x128x64xf32, #tpu.memory_space<vmem>> -> memref<128x64xf32, #tpu.memory_space<vmem>>
      tpu.wait_dma2 semaphore(%run_scoped3A_156 : memref<!tpu.dma_semaphore, #tpu.memory_space<semaphore_mem>>) src(%dma_wait3A_180 : memref<128x64xf32, #tpu.memory_space<vmem>>) dst(%dma_wait3A_176 : memref<128x64xf32, #tpu.memory_space<vmem_shared>>)
      tpu.yield
    }) : () -> ()
    %barrier3A = arith.constant 0 : index
    tpu.barrier barrier_id(%barrier3A)
    %scan3A_31 = arith.constant 0 : i32
    %scan3A_32 = arith.constant 0 : i32
    %scan3A_33 = arith.constant 160 : i32
    %scan3A_34 = arith.addi %scan3A_32, %scan3A_33 : i32
    %scan3A_35 = arith.constant 1 : i32
    scf.for %scan3A_156 = %scan3A_32 to %scan3A_34 step %scan3A_35  : i32 {
      %jit3A = arith.constant 8 : i32
      %div3A = arith.divsi %scan3A_156, %jit3A : i32
      %sign3A = arith.constant 0 : i32
      %sign3A_157 = arith.cmpi sgt, %scan3A_156, %sign3A : i32
      %sign3A_158 = arith.extui %sign3A_157 : i1 to i32
      %sign3A_159 = arith.constant 0 : i32
      %sign3A_160 = arith.cmpi slt, %scan3A_156, %sign3A_159 : i32
      %sign3A_161 = arith.extui %sign3A_160 : i1 to i32
      %sign3A_162 = arith.subi %sign3A_158, %sign3A_161 : i32
      %sign3A_163 = arith.constant 0 : i32
      %sign3A_164 = arith.cmpi sgt, %jit3A, %sign3A_163 : i32
      %sign3A_165 = arith.extui %sign3A_164 : i1 to i32
      %sign3A_166 = arith.constant 0 : i32
      %sign3A_167 = arith.cmpi slt, %jit3A, %sign3A_166 : i32
      %sign3A_168 = arith.extui %sign3A_167 : i1 to i32
      %sign3A_169 = arith.subi %sign3A_165, %sign3A_168 : i32
      %ne3A = arith.cmpi ne, %sign3A_162, %sign3A_169 : i32
      %rem3A = arith.remsi %scan3A_156, %jit3A : i32
      %ne3A_170 = arith.constant 0 : i32
      %ne3A_171 = arith.cmpi ne, %rem3A, %ne3A_170 : i32
      %and3A = arith.andi %ne3A, %ne3A_171 : i1
      %sub3A = arith.constant 1 : i32
      %sub3A_172 = arith.subi %div3A, %sub3A : i32
      %select_n3A = arith.select %and3A, %sub3A_172, %div3A : i32
      %mul3A_173 = arith.constant 8 : i32
      %mul3A_174 = arith.muli %select_n3A, %mul3A_173 : i32
      %sub3A_175 = arith.subi %scan3A_156, %mul3A_174 : i32
      %rem3A_176 = arith.constant 2 : i32
      %rem3A_177 = arith.remsi %select_n3A, %rem3A_176 : i32
      %rem3A_178 = arith.constant 3 : i32
      %rem3A_179 = arith.remsi %scan3A_156, %rem3A_178 : i32
      %ge3A = arith.constant 3 : i32
      %ge3A_180 = arith.cmpi sge, %scan3A_156, %ge3A : i32
      %convert_element_type3A = arith.extui %ge3A_180 : i1 to i32
      %cond3A = arith.constant 0 : i32
      %cond3A_181 = arith.cmpi ne, %convert_element_type3A, %cond3A : i32
      scf.if %cond3A_181 {
        %sub3A_203 = arith.constant 3 : i32
        %sub3A_204 = arith.subi %scan3A_156, %sub3A_203 : i32
        %jit3A_205 = arith.constant 8 : i32
        %div3A_206 = arith.divsi %sub3A_204, %jit3A_205 : i32
        %sign3A_207 = arith.constant 0 : i32
        %sign3A_208 = arith.cmpi sgt, %sub3A_204, %sign3A_207 : i32
        %sign3A_209 = arith.extui %sign3A_208 : i1 to i32
        %sign3A_210 = arith.constant 0 : i32
        %sign3A_211 = arith.cmpi slt, %sub3A_204, %sign3A_210 : i32
        %sign3A_212 = arith.extui %sign3A_211 : i1 to i32
        %sign3A_213 = arith.subi %sign3A_209, %sign3A_212 : i32
        %sign3A_214 = arith.constant 0 : i32
        %sign3A_215 = arith.cmpi sgt, %jit3A_205, %sign3A_214 : i32
        %sign3A_216 = arith.extui %sign3A_215 : i1 to i32
        %sign3A_217 = arith.constant 0 : i32
        %sign3A_218 = arith.cmpi slt, %jit3A_205, %sign3A_217 : i32
        %sign3A_219 = arith.extui %sign3A_218 : i1 to i32
        %sign3A_220 = arith.subi %sign3A_216, %sign3A_219 : i32
        %ne3A_221 = arith.cmpi ne, %sign3A_213, %sign3A_220 : i32
        %rem3A_222 = arith.remsi %sub3A_204, %jit3A_205 : i32
        %ne3A_223 = arith.constant 0 : i32
        %ne3A_224 = arith.cmpi ne, %rem3A_222, %ne3A_223 : i32
        %and3A_225 = arith.andi %ne3A_221, %ne3A_224 : i1
        %sub3A_226 = arith.constant 1 : i32
        %sub3A_227 = arith.subi %div3A_206, %sub3A_226 : i32
        %select_n3A_228 = arith.select %and3A_225, %sub3A_227, %div3A_206 : i32
        %mul3A_229 = arith.constant 8 : i32
        %mul3A_230 = arith.muli %select_n3A_228, %mul3A_229 : i32
        %sub3A_231 = arith.subi %sub3A_204, %mul3A_230 : i32
        %rem3A_232 = arith.constant 2 : i32
        %rem3A_233 = arith.remsi %select_n3A_228, %rem3A_232 : i32
        %dma_wait3A_234 = arith.constant 0 : i32
        %dma_wait3A_235 = arith.constant 0 : i32
        %dma_wait3A_236 = tpu.memref_slice %arg9[%rem3A_179, %dma_wait3A_234, %dma_wait3A_235] : memref<3x128x64xf32, #tpu.memory_space<vmem>> -> memref<1x128x64xf32, #tpu.memory_space<vmem>>
        %dma_wait3A_237 = tpu.memref_squeeze %dma_wait3A_236 : memref<1x128x64xf32, #tpu.memory_space<vmem>> -> memref<128x64xf32, #tpu.memory_space<vmem>>
        %dma_wait3A_238 = arith.constant 0 : i32
        %dma_wait3A_239 = tpu.memref_slice %arg8[%rem3A_233, %sub3A_231, %dma_wait3A_238] : memref<2x8x128xi32, #tpu.memory_space<vmem>> -> memref<1x1x128xi32, #tpu.memory_space<vmem>>
        %dma_wait3A_240 = tpu.memref_squeeze %dma_wait3A_239 : memref<1x1x128xi32, #tpu.memory_space<vmem>> -> memref<128xi32, #tpu.memory_space<vmem>>
        %dma_wait3A_241 = arith.constant 0 : i32
        %dma_wait3A_242 = arith.constant 0 : i32
        %dma_wait3A_243 = tpu.memref_slice %arg10[%dma_wait3A_241, %dma_wait3A_242] : memref<10240x64xf32, #tpu.memory_space<vmem_shared>> -> memref<10240x64xf32, #tpu.memory_space<vmem_shared>>
        %dma_wait3A_244 = tpu.memref_slice %arg12[%rem3A_179] : memref<3x!tpu.dma_semaphore, #tpu.memory_space<semaphore_mem>> -> memref<1x!tpu.dma_semaphore, #tpu.memory_space<semaphore_mem>>
        %dma_wait3A_245 = tpu.memref_squeeze %dma_wait3A_244 : memref<1x!tpu.dma_semaphore, #tpu.memory_space<semaphore_mem>> -> memref<!tpu.dma_semaphore, #tpu.memory_space<semaphore_mem>>
        tpu.wait_indirect_dma semaphore(%dma_wait3A_245 : memref<!tpu.dma_semaphore, #tpu.memory_space<semaphore_mem>>) src(%dma_wait3A_237 : memref<128x64xf32, #tpu.memory_space<vmem>>) dst(%dma_wait3A_243 : memref<10240x64xf32, #tpu.memory_space<vmem_shared>>)
      } else {
      }
      %eq3A = arith.constant 0 : i32
      %eq3A_182 = arith.cmpi eq, %sub3A_175, %eq3A : i32
      %convert_element_type3A_183 = arith.extui %eq3A_182 : i1 to i32
      %cond3A_184 = arith.constant 0 : i32
      %cond3A_185 = arith.cmpi ne, %convert_element_type3A_183, %cond3A_184 : i32
      scf.if %cond3A_185 {
        "tpu.region"() ({
          %run_scoped3A_203 = tpu.sem_alloc : memref<!tpu.dma_semaphore, #tpu.memory_space<semaphore_mem>>
          %dma_start3A_204 = arith.constant 0 : i32
          %dma_start3A_205 = arith.constant 0 : i32
          %dma_start3A_206 = tpu.memref_slice %arg7[%rem3A_177, %dma_start3A_204, %dma_start3A_205] : memref<2x8x128xi32, #tpu.memory_space<vmem>> -> memref<1x8x128xi32, #tpu.memory_space<vmem>>
          %dma_start3A_207 = tpu.memref_squeeze %dma_start3A_206 : memref<1x8x128xi32, #tpu.memory_space<vmem>> -> memref<8x128xi32, #tpu.memory_space<vmem>>
          %dma_start3A_208 = arith.constant 0 : i32
          %dma_start3A_209 = arith.constant 0 : i32
          %dma_start3A_210 = tpu.memref_slice %arg3[%arg1, %select_n3A, %dma_start3A_208, %dma_start3A_209] : memref<16x20x8x128xi32, #tpu.memory_space<hbm>> -> memref<1x1x8x128xi32, #tpu.memory_space<hbm>>
          %dma_start3A_211 = tpu.memref_squeeze %dma_start3A_210 : memref<1x1x8x128xi32, #tpu.memory_space<hbm>> -> memref<8x128xi32, #tpu.memory_space<hbm>>
          %dma_start3A_212 = arith.constant 0 : i32
          %dma_start3A_213 = arith.constant 0 : i32
          %dma_start3A_214 = tpu.memref_slice %arg7[%rem3A_177, %dma_start3A_212, %dma_start3A_213] : memref<2x8x128xi32, #tpu.memory_space<vmem>> -> memref<1x8x128xi32, #tpu.memory_space<vmem>>
          %dma_start3A_215 = tpu.memref_squeeze %dma_start3A_214 : memref<1x8x128xi32, #tpu.memory_space<vmem>> -> memref<8x128xi32, #tpu.memory_space<vmem>>
          %dma_start3A_216 = arith.constant 0 : i32
          %dma_start3A_217 = arith.constant 0 : i32
          %dma_start3A_218 = tpu.memref_slice %arg3[%arg1, %select_n3A, %dma_start3A_216, %dma_start3A_217] : memref<16x20x8x128xi32, #tpu.memory_space<hbm>> -> memref<1x1x8x128xi32, #tpu.memory_space<hbm>>
          %dma_start3A_219 = tpu.memref_squeeze %dma_start3A_218 : memref<1x1x8x128xi32, #tpu.memory_space<hbm>> -> memref<8x128xi32, #tpu.memory_space<hbm>>
          tpu.enqueue_dma source(%dma_start3A_219 : memref<8x128xi32, #tpu.memory_space<hbm>>) target(%dma_start3A_215 : memref<8x128xi32, #tpu.memory_space<vmem>>) target_semaphore(%run_scoped3A_203 : memref<!tpu.dma_semaphore, #tpu.memory_space<semaphore_mem>>)
          %dma_wait3A_220 = arith.constant 0 : i32
          %dma_wait3A_221 = arith.constant 0 : i32
          %dma_wait3A_222 = tpu.memref_slice %arg7[%rem3A_177, %dma_wait3A_220, %dma_wait3A_221] : memref<2x8x128xi32, #tpu.memory_space<vmem>> -> memref<1x8x128xi32, #tpu.memory_space<vmem>>
          %dma_wait3A_223 = tpu.memref_squeeze %dma_wait3A_222 : memref<1x8x128xi32, #tpu.memory_space<vmem>> -> memref<8x128xi32, #tpu.memory_space<vmem>>
          %dma_wait3A_224 = arith.constant 0 : i32
          %dma_wait3A_225 = arith.constant 0 : i32
          %dma_wait3A_226 = tpu.memref_slice %arg3[%arg1, %select_n3A, %dma_wait3A_224, %dma_wait3A_225] : memref<16x20x8x128xi32, #tpu.memory_space<hbm>> -> memref<1x1x8x128xi32, #tpu.memory_space<hbm>>
          %dma_wait3A_227 = tpu.memref_squeeze %dma_wait3A_226 : memref<1x1x8x128xi32, #tpu.memory_space<hbm>> -> memref<8x128xi32, #tpu.memory_space<hbm>>
          %dma_wait3A_228 = arith.constant 0 : i32
          %dma_wait3A_229 = arith.constant 0 : i32
          %dma_wait3A_230 = tpu.memref_slice %arg7[%rem3A_177, %dma_wait3A_228, %dma_wait3A_229] : memref<2x8x128xi32, #tpu.memory_space<vmem>> -> memref<1x8x128xi32, #tpu.memory_space<vmem>>
          %dma_wait3A_231 = tpu.memref_squeeze %dma_wait3A_230 : memref<1x8x128xi32, #tpu.memory_space<vmem>> -> memref<8x128xi32, #tpu.memory_space<vmem>>
          %dma_wait3A_232 = arith.constant 0 : i32
          %dma_wait3A_233 = arith.constant 0 : i32
          %dma_wait3A_234 = tpu.memref_slice %arg3[%arg1, %select_n3A, %dma_wait3A_232, %dma_wait3A_233] : memref<16x20x8x128xi32, #tpu.memory_space<hbm>> -> memref<1x1x8x128xi32, #tpu.memory_space<hbm>>
          %dma_wait3A_235 = tpu.memref_squeeze %dma_wait3A_234 : memref<1x1x8x128xi32, #tpu.memory_space<hbm>> -> memref<8x128xi32, #tpu.memory_space<hbm>>
          tpu.wait_dma2 semaphore(%run_scoped3A_203 : memref<!tpu.dma_semaphore, #tpu.memory_space<semaphore_mem>>) src(%dma_wait3A_235 : memref<8x128xi32, #tpu.memory_space<hbm>>) dst(%dma_wait3A_231 : memref<8x128xi32, #tpu.memory_space<vmem>>)
          tpu.yield
        }) : () -> ()
        "tpu.region"() ({
          %run_scoped3A_203 = tpu.sem_alloc : memref<!tpu.dma_semaphore, #tpu.memory_space<semaphore_mem>>
          %dma_start3A_204 = arith.constant 0 : i32
          %dma_start3A_205 = arith.constant 0 : i32
          %dma_start3A_206 = tpu.memref_slice %arg8[%rem3A_177, %dma_start3A_204, %dma_start3A_205] : memref<2x8x128xi32, #tpu.memory_space<vmem>> -> memref<1x8x128xi32, #tpu.memory_space<vmem>>
          %dma_start3A_207 = tpu.memref_squeeze %dma_start3A_206 : memref<1x8x128xi32, #tpu.memory_space<vmem>> -> memref<8x128xi32, #tpu.memory_space<vmem>>
          %dma_start3A_208 = arith.constant 0 : i32
          %dma_start3A_209 = arith.constant 0 : i32
          %dma_start3A_210 = tpu.memref_slice %arg4[%arg1, %select_n3A, %dma_start3A_208, %dma_start3A_209] : memref<16x20x8x128xi32, #tpu.memory_space<hbm>> -> memref<1x1x8x128xi32, #tpu.memory_space<hbm>>
          %dma_start3A_211 = tpu.memref_squeeze %dma_start3A_210 : memref<1x1x8x128xi32, #tpu.memory_space<hbm>> -> memref<8x128xi32, #tpu.memory_space<hbm>>
          %dma_start3A_212 = arith.constant 0 : i32
          %dma_start3A_213 = arith.constant 0 : i32
          %dma_start3A_214 = tpu.memref_slice %arg8[%rem3A_177, %dma_start3A_212, %dma_start3A_213] : memref<2x8x128xi32, #tpu.memory_space<vmem>> -> memref<1x8x128xi32, #tpu.memory_space<vmem>>
          %dma_start3A_215 = tpu.memref_squeeze %dma_start3A_214 : memref<1x8x128xi32, #tpu.memory_space<vmem>> -> memref<8x128xi32, #tpu.memory_space<vmem>>
          %dma_start3A_216 = arith.constant 0 : i32
          %dma_start3A_217 = arith.constant 0 : i32
          %dma_start3A_218 = tpu.memref_slice %arg4[%arg1, %select_n3A, %dma_start3A_216, %dma_start3A_217] : memref<16x20x8x128xi32, #tpu.memory_space<hbm>> -> memref<1x1x8x128xi32, #tpu.memory_space<hbm>>
          %dma_start3A_219 = tpu.memref_squeeze %dma_start3A_218 : memref<1x1x8x128xi32, #tpu.memory_space<hbm>> -> memref<8x128xi32, #tpu.memory_space<hbm>>
          tpu.enqueue_dma source(%dma_start3A_219 : memref<8x128xi32, #tpu.memory_space<hbm>>) target(%dma_start3A_215 : memref<8x128xi32, #tpu.memory_space<vmem>>) target_semaphore(%run_scoped3A_203 : memref<!tpu.dma_semaphore, #tpu.memory_space<semaphore_mem>>)
          %dma_wait3A_220 = arith.constant 0 : i32
          %dma_wait3A_221 = arith.constant 0 : i32
          %dma_wait3A_222 = tpu.memref_slice %arg8[%rem3A_177, %dma_wait3A_220, %dma_wait3A_221] : memref<2x8x128xi32, #tpu.memory_space<vmem>> -> memref<1x8x128xi32, #tpu.memory_space<vmem>>
          %dma_wait3A_223 = tpu.memref_squeeze %dma_wait3A_222 : memref<1x8x128xi32, #tpu.memory_space<vmem>> -> memref<8x128xi32, #tpu.memory_space<vmem>>
          %dma_wait3A_224 = arith.constant 0 : i32
          %dma_wait3A_225 = arith.constant 0 : i32
          %dma_wait3A_226 = tpu.memref_slice %arg4[%arg1, %select_n3A, %dma_wait3A_224, %dma_wait3A_225] : memref<16x20x8x128xi32, #tpu.memory_space<hbm>> -> memref<1x1x8x128xi32, #tpu.memory_space<hbm>>
          %dma_wait3A_227 = tpu.memref_squeeze %dma_wait3A_226 : memref<1x1x8x128xi32, #tpu.memory_space<hbm>> -> memref<8x128xi32, #tpu.memory_space<hbm>>
          %dma_wait3A_228 = arith.constant 0 : i32
          %dma_wait3A_229 = arith.constant 0 : i32
          %dma_wait3A_230 = tpu.memref_slice %arg8[%rem3A_177, %dma_wait3A_228, %dma_wait3A_229] : memref<2x8x128xi32, #tpu.memory_space<vmem>> -> memref<1x8x128xi32, #tpu.memory_space<vmem>>
          %dma_wait3A_231 = tpu.memref_squeeze %dma_wait3A_230 : memref<1x8x128xi32, #tpu.memory_space<vmem>> -> memref<8x128xi32, #tpu.memory_space<vmem>>
          %dma_wait3A_232 = arith.constant 0 : i32
          %dma_wait3A_233 = arith.constant 0 : i32
          %dma_wait3A_234 = tpu.memref_slice %arg4[%arg1, %select_n3A, %dma_wait3A_232, %dma_wait3A_233] : memref<16x20x8x128xi32, #tpu.memory_space<hbm>> -> memref<1x1x8x128xi32, #tpu.memory_space<hbm>>
          %dma_wait3A_235 = tpu.memref_squeeze %dma_wait3A_234 : memref<1x1x8x128xi32, #tpu.memory_space<hbm>> -> memref<8x128xi32, #tpu.memory_space<hbm>>
          tpu.wait_dma2 semaphore(%run_scoped3A_203 : memref<!tpu.dma_semaphore, #tpu.memory_space<semaphore_mem>>) src(%dma_wait3A_235 : memref<8x128xi32, #tpu.memory_space<hbm>>) dst(%dma_wait3A_231 : memref<8x128xi32, #tpu.memory_space<vmem>>)
          tpu.yield
        }) : () -> ()
      } else {
      }
      %dma_start3A_186 = arith.constant 0 : i32
      %dma_start3A_187 = arith.constant 0 : i32
      %dma_start3A_188 = tpu.memref_slice %arg9[%rem3A_179, %dma_start3A_186, %dma_start3A_187] : memref<3x128x64xf32, #tpu.memory_space<vmem>> -> memref<1x128x64xf32, #tpu.memory_space<vmem>>
      %dma_start3A_189 = tpu.memref_squeeze %dma_start3A_188 : memref<1x128x64xf32, #tpu.memory_space<vmem>> -> memref<128x64xf32, #tpu.memory_space<vmem>>
      %dma_start3A_190 = arith.constant 0 : i32
      %dma_start3A_191 = tpu.memref_slice %arg7[%rem3A_177, %sub3A_175, %dma_start3A_190] : memref<2x8x128xi32, #tpu.memory_space<vmem>> -> memref<1x1x128xi32, #tpu.memory_space<vmem>>
      %dma_start3A_192 = tpu.memref_squeeze %dma_start3A_191 : memref<1x1x128xi32, #tpu.memory_space<vmem>> -> memref<128xi32, #tpu.memory_space<vmem>>
      %dma_start3A_193 = arith.constant 0 : i32
      %dma_start3A_194 = arith.constant 0 : i32
      %dma_start3A_195 = tpu.memref_slice %arg6[%dma_start3A_193, %dma_start3A_194] : memref<10240x64xf32, #tpu.memory_space<vmem_shared>> -> memref<10240x64xf32, #tpu.memory_space<vmem_shared>>
      %dma_start3A_196 = tpu.memref_slice %arg11[%rem3A_179] : memref<3x!tpu.dma_semaphore, #tpu.memory_space<semaphore_mem>> -> memref<1x!tpu.dma_semaphore, #tpu.memory_space<semaphore_mem>>
      %dma_start3A_197 = tpu.memref_squeeze %dma_start3A_196 : memref<1x!tpu.dma_semaphore, #tpu.memory_space<semaphore_mem>> -> memref<!tpu.dma_semaphore, #tpu.memory_space<semaphore_mem>>
      tpu.enqueue_indirect_dma source(%dma_start3A_195 : memref<10240x64xf32, #tpu.memory_space<vmem_shared>>) target(%dma_start3A_189 : memref<128x64xf32, #tpu.memory_space<vmem>>) offsets(%dma_start3A_192 : memref<128xi32, #tpu.memory_space<vmem>>) semaphore(%dma_start3A_197 : memref<!tpu.dma_semaphore, #tpu.memory_space<semaphore_mem>>)
      %ge3A_198 = arith.constant 1 : i32
      %ge3A_199 = arith.cmpi sge, %scan3A_156, %ge3A_198 : i32
      %convert_element_type3A_200 = arith.extui %ge3A_199 : i1 to i32
      %cond3A_201 = arith.constant 0 : i32
      %cond3A_202 = arith.cmpi ne, %convert_element_type3A_200, %cond3A_201 : i32
      scf.if %cond3A_202 {
        %sub3A_203 = arith.constant 1 : i32
        %sub3A_204 = arith.subi %scan3A_156, %sub3A_203 : i32
        %jit3A_205 = arith.constant 8 : i32
        %div3A_206 = arith.divsi %sub3A_204, %jit3A_205 : i32
        %sign3A_207 = arith.constant 0 : i32
        %sign3A_208 = arith.cmpi sgt, %sub3A_204, %sign3A_207 : i32
        %sign3A_209 = arith.extui %sign3A_208 : i1 to i32
        %sign3A_210 = arith.constant 0 : i32
        %sign3A_211 = arith.cmpi slt, %sub3A_204, %sign3A_210 : i32
        %sign3A_212 = arith.extui %sign3A_211 : i1 to i32
        %sign3A_213 = arith.subi %sign3A_209, %sign3A_212 : i32
        %sign3A_214 = arith.constant 0 : i32
        %sign3A_215 = arith.cmpi sgt, %jit3A_205, %sign3A_214 : i32
        %sign3A_216 = arith.extui %sign3A_215 : i1 to i32
        %sign3A_217 = arith.constant 0 : i32
        %sign3A_218 = arith.cmpi slt, %jit3A_205, %sign3A_217 : i32
        %sign3A_219 = arith.extui %sign3A_218 : i1 to i32
        %sign3A_220 = arith.subi %sign3A_216, %sign3A_219 : i32
        %ne3A_221 = arith.cmpi ne, %sign3A_213, %sign3A_220 : i32
        %rem3A_222 = arith.remsi %sub3A_204, %jit3A_205 : i32
        %ne3A_223 = arith.constant 0 : i32
        %ne3A_224 = arith.cmpi ne, %rem3A_222, %ne3A_223 : i32
        %and3A_225 = arith.andi %ne3A_221, %ne3A_224 : i1
        %sub3A_226 = arith.constant 1 : i32
        %sub3A_227 = arith.subi %div3A_206, %sub3A_226 : i32
        %select_n3A_228 = arith.select %and3A_225, %sub3A_227, %div3A_206 : i32
        %mul3A_229 = arith.constant 8 : i32
        %mul3A_230 = arith.muli %select_n3A_228, %mul3A_229 : i32
        %sub3A_231 = arith.subi %sub3A_204, %mul3A_230 : i32
        %rem3A_232 = arith.constant 2 : i32
        %rem3A_233 = arith.remsi %select_n3A_228, %rem3A_232 : i32
        %rem3A_234 = arith.constant 3 : i32
        %rem3A_235 = arith.remsi %sub3A_204, %rem3A_234 : i32
        %dma_wait3A_236 = arith.constant 0 : i32
        %dma_wait3A_237 = arith.constant 0 : i32
        %dma_wait3A_238 = tpu.memref_slice %arg9[%rem3A_235, %dma_wait3A_236, %dma_wait3A_237] : memref<3x128x64xf32, #tpu.memory_space<vmem>> -> memref<1x128x64xf32, #tpu.memory_space<vmem>>
        %dma_wait3A_239 = tpu.memref_squeeze %dma_wait3A_238 : memref<1x128x64xf32, #tpu.memory_space<vmem>> -> memref<128x64xf32, #tpu.memory_space<vmem>>
        %dma_wait3A_240 = arith.constant 0 : i32
        %dma_wait3A_241 = tpu.memref_slice %arg7[%rem3A_233, %sub3A_231, %dma_wait3A_240] : memref<2x8x128xi32, #tpu.memory_space<vmem>> -> memref<1x1x128xi32, #tpu.memory_space<vmem>>
        %dma_wait3A_242 = tpu.memref_squeeze %dma_wait3A_241 : memref<1x1x128xi32, #tpu.memory_space<vmem>> -> memref<128xi32, #tpu.memory_space<vmem>>
        %dma_wait3A_243 = arith.constant 0 : i32
        %dma_wait3A_244 = arith.constant 0 : i32
        %dma_wait3A_245 = tpu.memref_slice %arg6[%dma_wait3A_243, %dma_wait3A_244] : memref<10240x64xf32, #tpu.memory_space<vmem_shared>> -> memref<10240x64xf32, #tpu.memory_space<vmem_shared>>
        %dma_wait3A_246 = tpu.memref_slice %arg11[%rem3A_235] : memref<3x!tpu.dma_semaphore, #tpu.memory_space<semaphore_mem>> -> memref<1x!tpu.dma_semaphore, #tpu.memory_space<semaphore_mem>>
        %dma_wait3A_247 = tpu.memref_squeeze %dma_wait3A_246 : memref<1x!tpu.dma_semaphore, #tpu.memory_space<semaphore_mem>> -> memref<!tpu.dma_semaphore, #tpu.memory_space<semaphore_mem>>
        tpu.wait_indirect_dma semaphore(%dma_wait3A_247 : memref<!tpu.dma_semaphore, #tpu.memory_space<semaphore_mem>>) src(%dma_wait3A_245 : memref<10240x64xf32, #tpu.memory_space<vmem_shared>>) dst(%dma_wait3A_239 : memref<128x64xf32, #tpu.memory_space<vmem>>)
        %dma_start3A_248 = arith.constant 0 : i32
        %dma_start3A_249 = arith.constant 0 : i32
        %dma_start3A_250 = tpu.memref_slice %arg9[%rem3A_235, %dma_start3A_248, %dma_start3A_249] : memref<3x128x64xf32, #tpu.memory_space<vmem>> -> memref<1x128x64xf32, #tpu.memory_space<vmem>>
        %dma_start3A_251 = tpu.memref_squeeze %dma_start3A_250 : memref<1x128x64xf32, #tpu.memory_space<vmem>> -> memref<128x64xf32, #tpu.memory_space<vmem>>
        %dma_start3A_252 = arith.constant 0 : i32
        %dma_start3A_253 = tpu.memref_slice %arg8[%rem3A_233, %sub3A_231, %dma_start3A_252] : memref<2x8x128xi32, #tpu.memory_space<vmem>> -> memref<1x1x128xi32, #tpu.memory_space<vmem>>
        %dma_start3A_254 = tpu.memref_squeeze %dma_start3A_253 : memref<1x1x128xi32, #tpu.memory_space<vmem>> -> memref<128xi32, #tpu.memory_space<vmem>>
        %dma_start3A_255 = arith.constant 0 : i32
        %dma_start3A_256 = arith.constant 0 : i32
        %dma_start3A_257 = tpu.memref_slice %arg10[%dma_start3A_255, %dma_start3A_256] : memref<10240x64xf32, #tpu.memory_space<vmem_shared>> -> memref<10240x64xf32, #tpu.memory_space<vmem_shared>>
        %dma_start3A_258 = tpu.memref_slice %arg12[%rem3A_235] : memref<3x!tpu.dma_semaphore, #tpu.memory_space<semaphore_mem>> -> memref<1x!tpu.dma_semaphore, #tpu.memory_space<semaphore_mem>>
        %dma_start3A_259 = tpu.memref_squeeze %dma_start3A_258 : memref<1x!tpu.dma_semaphore, #tpu.memory_space<semaphore_mem>> -> memref<!tpu.dma_semaphore, #tpu.memory_space<semaphore_mem>>
        tpu.enqueue_indirect_dma source(%dma_start3A_251 : memref<128x64xf32, #tpu.memory_space<vmem>>) target(%dma_start3A_257 : memref<10240x64xf32, #tpu.memory_space<vmem_shared>>) offsets(%dma_start3A_254 : memref<128xi32, #tpu.memory_space<vmem>>) semaphore(%dma_start3A_259 : memref<!tpu.dma_semaphore, #tpu.memory_space<semaphore_mem>>) {add = true}
      } else {
      }
    }
    %scan3A_36 = arith.constant 160 : i32
    %dma_wait3A = arith.constant 1 : i32
    %dma_wait3A_37 = arith.constant 7 : i32
    %dma_wait3A_38 = arith.constant 0 : i32
    %dma_wait3A_39 = arith.constant 0 : i32
    %dma_wait3A_40 = arith.constant 0 : i32
    %dma_wait3A_41 = arith.constant 0 : i32
    %dma_wait3A_42 = tpu.memref_slice %arg9[%dma_wait3A_38, %dma_wait3A_40, %dma_wait3A_41] : memref<3x128x64xf32, #tpu.memory_space<vmem>> -> memref<1x128x64xf32, #tpu.memory_space<vmem>>
    %dma_wait3A_43 = tpu.memref_squeeze %dma_wait3A_42 : memref<1x128x64xf32, #tpu.memory_space<vmem>> -> memref<128x64xf32, #tpu.memory_space<vmem>>
    %dma_wait3A_44 = arith.constant 0 : i32
    %dma_wait3A_45 = tpu.memref_slice %arg7[%dma_wait3A, %dma_wait3A_37, %dma_wait3A_44] : memref<2x8x128xi32, #tpu.memory_space<vmem>> -> memref<1x1x128xi32, #tpu.memory_space<vmem>>
    %dma_wait3A_46 = tpu.memref_squeeze %dma_wait3A_45 : memref<1x1x128xi32, #tpu.memory_space<vmem>> -> memref<128xi32, #tpu.memory_space<vmem>>
    %dma_wait3A_47 = arith.constant 0 : i32
    %dma_wait3A_48 = arith.constant 0 : i32
    %dma_wait3A_49 = tpu.memref_slice %arg6[%dma_wait3A_47, %dma_wait3A_48] : memref<10240x64xf32, #tpu.memory_space<vmem_shared>> -> memref<10240x64xf32, #tpu.memory_space<vmem_shared>>
    %dma_wait3A_50 = tpu.memref_slice %arg11[%dma_wait3A_39] : memref<3x!tpu.dma_semaphore, #tpu.memory_space<semaphore_mem>> -> memref<1x!tpu.dma_semaphore, #tpu.memory_space<semaphore_mem>>
    %dma_wait3A_51 = tpu.memref_squeeze %dma_wait3A_50 : memref<1x!tpu.dma_semaphore, #tpu.memory_space<semaphore_mem>> -> memref<!tpu.dma_semaphore, #tpu.memory_space<semaphore_mem>>
    tpu.wait_indirect_dma semaphore(%dma_wait3A_51 : memref<!tpu.dma_semaphore, #tpu.memory_space<semaphore_mem>>) src(%dma_wait3A_49 : memref<10240x64xf32, #tpu.memory_space<vmem_shared>>) dst(%dma_wait3A_43 : memref<128x64xf32, #tpu.memory_space<vmem>>)
    %dma_start3A = arith.constant 0 : i32
    %dma_start3A_52 = arith.constant 1 : i32
    %dma_start3A_53 = arith.constant 7 : i32
    %dma_start3A_54 = arith.constant 0 : i32
    %dma_start3A_55 = arith.constant 0 : i32
    %dma_start3A_56 = arith.constant 0 : i32
    %dma_start3A_57 = tpu.memref_slice %arg9[%dma_start3A, %dma_start3A_55, %dma_start3A_56] : memref<3x128x64xf32, #tpu.memory_space<vmem>> -> memref<1x128x64xf32, #tpu.memory_space<vmem>>
    %dma_start3A_58 = tpu.memref_squeeze %dma_start3A_57 : memref<1x128x64xf32, #tpu.memory_space<vmem>> -> memref<128x64xf32, #tpu.memory_space<vmem>>
    %dma_start3A_59 = arith.constant 0 : i32
    %dma_start3A_60 = tpu.memref_slice %arg8[%dma_start3A_52, %dma_start3A_53, %dma_start3A_59] : memref<2x8x128xi32, #tpu.memory_space<vmem>> -> memref<1x1x128xi32, #tpu.memory_space<vmem>>
    %dma_start3A_61 = tpu.memref_squeeze %dma_start3A_60 : memref<1x1x128xi32, #tpu.memory_space<vmem>> -> memref<128xi32, #tpu.memory_space<vmem>>
    %dma_start3A_62 = arith.constant 0 : i32
    %dma_start3A_63 = arith.constant 0 : i32
    %dma_start3A_64 = tpu.memref_slice %arg10[%dma_start3A_62, %dma_start3A_63] : memref<10240x64xf32, #tpu.memory_space<vmem_shared>> -> memref<10240x64xf32, #tpu.memory_space<vmem_shared>>
    %dma_start3A_65 = tpu.memref_slice %arg12[%dma_start3A_54] : memref<3x!tpu.dma_semaphore, #tpu.memory_space<semaphore_mem>> -> memref<1x!tpu.dma_semaphore, #tpu.memory_space<semaphore_mem>>
    %dma_start3A_66 = tpu.memref_squeeze %dma_start3A_65 : memref<1x!tpu.dma_semaphore, #tpu.memory_space<semaphore_mem>> -> memref<!tpu.dma_semaphore, #tpu.memory_space<semaphore_mem>>
    tpu.enqueue_indirect_dma source(%dma_start3A_58 : memref<128x64xf32, #tpu.memory_space<vmem>>) target(%dma_start3A_64 : memref<10240x64xf32, #tpu.memory_space<vmem_shared>>) offsets(%dma_start3A_61 : memref<128xi32, #tpu.memory_space<vmem>>) semaphore(%dma_start3A_66 : memref<!tpu.dma_semaphore, #tpu.memory_space<semaphore_mem>>) {add = true}
    %dma_wait3A_67 = arith.constant 0 : i32
    %dma_wait3A_68 = arith.constant 1 : i32
    %dma_wait3A_69 = arith.constant 7 : i32
    %dma_wait3A_70 = arith.constant 0 : i32
    %dma_wait3A_71 = arith.constant 0 : i32
    %dma_wait3A_72 = arith.constant 0 : i32
    %dma_wait3A_73 = tpu.memref_slice %arg9[%dma_wait3A_67, %dma_wait3A_71, %dma_wait3A_72] : memref<3x128x64xf32, #tpu.memory_space<vmem>> -> memref<1x128x64xf32, #tpu.memory_space<vmem>>
    %dma_wait3A_74 = tpu.memref_squeeze %dma_wait3A_73 : memref<1x128x64xf32, #tpu.memory_space<vmem>> -> memref<128x64xf32, #tpu.memory_space<vmem>>
    %dma_wait3A_75 = arith.constant 0 : i32
    %dma_wait3A_76 = tpu.memref_slice %arg8[%dma_wait3A_68, %dma_wait3A_69, %dma_wait3A_75] : memref<2x8x128xi32, #tpu.memory_space<vmem>> -> memref<1x1x128xi32, #tpu.memory_space<vmem>>
    %dma_wait3A_77 = tpu.memref_squeeze %dma_wait3A_76 : memref<1x1x128xi32, #tpu.memory_space<vmem>> -> memref<128xi32, #tpu.memory_space<vmem>>
    %dma_wait3A_78 = arith.constant 0 : i32
    %dma_wait3A_79 = arith.constant 0 : i32
    %dma_wait3A_80 = tpu.memref_slice %arg10[%dma_wait3A_78, %dma_wait3A_79] : memref<10240x64xf32, #tpu.memory_space<vmem_shared>> -> memref<10240x64xf32, #tpu.memory_space<vmem_shared>>
    %dma_wait3A_81 = tpu.memref_slice %arg12[%dma_wait3A_70] : memref<3x!tpu.dma_semaphore, #tpu.memory_space<semaphore_mem>> -> memref<1x!tpu.dma_semaphore, #tpu.memory_space<semaphore_mem>>
    %dma_wait3A_82 = tpu.memref_squeeze %dma_wait3A_81 : memref<1x!tpu.dma_semaphore, #tpu.memory_space<semaphore_mem>> -> memref<!tpu.dma_semaphore, #tpu.memory_space<semaphore_mem>>
    tpu.wait_indirect_dma semaphore(%dma_wait3A_82 : memref<!tpu.dma_semaphore, #tpu.memory_space<semaphore_mem>>) src(%dma_wait3A_74 : memref<128x64xf32, #tpu.memory_space<vmem>>) dst(%dma_wait3A_80 : memref<10240x64xf32, #tpu.memory_space<vmem_shared>>)
    %dma_wait3A_83 = arith.constant 2 : i32
    %dma_wait3A_84 = arith.constant 1 : i32
    %dma_wait3A_85 = arith.constant 6 : i32
    %dma_wait3A_86 = arith.constant 2 : i32
    %dma_wait3A_87 = arith.constant 0 : i32
    %dma_wait3A_88 = arith.constant 0 : i32
    %dma_wait3A_89 = tpu.memref_slice %arg9[%dma_wait3A_83, %dma_wait3A_87, %dma_wait3A_88] : memref<3x128x64xf32, #tpu.memory_space<vmem>> -> memref<1x128x64xf32, #tpu.memory_space<vmem>>
    %dma_wait3A_90 = tpu.memref_squeeze %dma_wait3A_89 : memref<1x128x64xf32, #tpu.memory_space<vmem>> -> memref<128x64xf32, #tpu.memory_space<vmem>>
    %dma_wait3A_91 = arith.constant 0 : i32
    %dma_wait3A_92 = tpu.memref_slice %arg8[%dma_wait3A_84, %dma_wait3A_85, %dma_wait3A_91] : memref<2x8x128xi32, #tpu.memory_space<vmem>> -> memref<1x1x128xi32, #tpu.memory_space<vmem>>
    %dma_wait3A_93 = tpu.memref_squeeze %dma_wait3A_92 : memref<1x1x128xi32, #tpu.memory_space<vmem>> -> memref<128xi32, #tpu.memory_space<vmem>>
    %dma_wait3A_94 = arith.constant 0 : i32
    %dma_wait3A_95 = arith.constant 0 : i32
    %dma_wait3A_96 = tpu.memref_slice %arg10[%dma_wait3A_94, %dma_wait3A_95] : memref<10240x64xf32, #tpu.memory_space<vmem_shared>> -> memref<10240x64xf32, #tpu.memory_space<vmem_shared>>
    %dma_wait3A_97 = tpu.memref_slice %arg12[%dma_wait3A_86] : memref<3x!tpu.dma_semaphore, #tpu.memory_space<semaphore_mem>> -> memref<1x!tpu.dma_semaphore, #tpu.memory_space<semaphore_mem>>
    %dma_wait3A_98 = tpu.memref_squeeze %dma_wait3A_97 : memref<1x!tpu.dma_semaphore, #tpu.memory_space<semaphore_mem>> -> memref<!tpu.dma_semaphore, #tpu.memory_space<semaphore_mem>>
    tpu.wait_indirect_dma semaphore(%dma_wait3A_98 : memref<!tpu.dma_semaphore, #tpu.memory_space<semaphore_mem>>) src(%dma_wait3A_90 : memref<128x64xf32, #tpu.memory_space<vmem>>) dst(%dma_wait3A_96 : memref<10240x64xf32, #tpu.memory_space<vmem_shared>>)
    %dma_wait3A_99 = arith.constant 1 : i32
    %dma_wait3A_100 = arith.constant 1 : i32
    %dma_wait3A_101 = arith.constant 5 : i32
    %dma_wait3A_102 = arith.constant 1 : i32
    %dma_wait3A_103 = arith.constant 0 : i32
    %dma_wait3A_104 = arith.constant 0 : i32
    %dma_wait3A_105 = tpu.memref_slice %arg9[%dma_wait3A_99, %dma_wait3A_103, %dma_wait3A_104] : memref<3x128x64xf32, #tpu.memory_space<vmem>> -> memref<1x128x64xf32, #tpu.memory_space<vmem>>
    %dma_wait3A_106 = tpu.memref_squeeze %dma_wait3A_105 : memref<1x128x64xf32, #tpu.memory_space<vmem>> -> memref<128x64xf32, #tpu.memory_space<vmem>>
    %dma_wait3A_107 = arith.constant 0 : i32
    %dma_wait3A_108 = tpu.memref_slice %arg8[%dma_wait3A_100, %dma_wait3A_101, %dma_wait3A_107] : memref<2x8x128xi32, #tpu.memory_space<vmem>> -> memref<1x1x128xi32, #tpu.memory_space<vmem>>
    %dma_wait3A_109 = tpu.memref_squeeze %dma_wait3A_108 : memref<1x1x128xi32, #tpu.memory_space<vmem>> -> memref<128xi32, #tpu.memory_space<vmem>>
    %dma_wait3A_110 = arith.constant 0 : i32
    %dma_wait3A_111 = arith.constant 0 : i32
    %dma_wait3A_112 = tpu.memref_slice %arg10[%dma_wait3A_110, %dma_wait3A_111] : memref<10240x64xf32, #tpu.memory_space<vmem_shared>> -> memref<10240x64xf32, #tpu.memory_space<vmem_shared>>
    %dma_wait3A_113 = tpu.memref_slice %arg12[%dma_wait3A_102] : memref<3x!tpu.dma_semaphore, #tpu.memory_space<semaphore_mem>> -> memref<1x!tpu.dma_semaphore, #tpu.memory_space<semaphore_mem>>
    %dma_wait3A_114 = tpu.memref_squeeze %dma_wait3A_113 : memref<1x!tpu.dma_semaphore, #tpu.memory_space<semaphore_mem>> -> memref<!tpu.dma_semaphore, #tpu.memory_space<semaphore_mem>>
    tpu.wait_indirect_dma semaphore(%dma_wait3A_114 : memref<!tpu.dma_semaphore, #tpu.memory_space<semaphore_mem>>) src(%dma_wait3A_106 : memref<128x64xf32, #tpu.memory_space<vmem>>) dst(%dma_wait3A_112 : memref<10240x64xf32, #tpu.memory_space<vmem_shared>>)
    %barrier3A_115 = arith.constant 0 : index
    tpu.barrier barrier_id(%barrier3A_115)
    %mul3A_116 = arith.constant 640 : i32
    %mul3A_117 = arith.muli %arg1, %mul3A_116 : i32
    %add3A_118 = arith.constant 0 : i32
    %add3A_119 = arith.addi %mul3A_117, %add3A_118 : i32
    %mul3A_120 = arith.constant 640 : i32
    %mul3A_121 = arith.muli %arg1, %mul3A_120 : i32
    %add3A_122 = arith.constant 0 : i32
    %add3A_123 = arith.addi %mul3A_121, %add3A_122 : i32
    "tpu.region"() ({
      %run_scoped3A_156 = tpu.sem_alloc : memref<!tpu.dma_semaphore, #tpu.memory_space<semaphore_mem>>
      %dma_start3A_157 = arith.constant 0 : i32
      %dma_start3A_158 = tpu.memref_slice %arg5[%arg0, %add3A_123, %dma_start3A_157] : memref<2x10240x64xf32, #tpu.memory_space<hbm>> -> memref<1x128x64xf32, #tpu.memory_space<hbm>>
      %dma_start3A_159 = tpu.memref_squeeze %dma_start3A_158 : memref<1x128x64xf32, #tpu.memory_space<hbm>> -> memref<128x64xf32, #tpu.memory_space<hbm>>
      %dma_start3A_160 = arith.constant 0 : i32
      %dma_start3A_161 = tpu.memref_slice %arg10[%add3A_119, %dma_start3A_160] : memref<10240x64xf32, #tpu.memory_space<vmem_shared>> -> memref<128x64xf32, #tpu.memory_space<vmem_shared>>
      tpu.enqueue_dma source(%dma_start3A_161 : memref<128x64xf32, #tpu.memory_space<vmem_shared>>) target(%dma_start3A_159 : memref<128x64xf32, #tpu.memory_space<hbm>>) target_semaphore(%run_scoped3A_156 : memref<!tpu.dma_semaphore, #tpu.memory_space<semaphore_mem>>)
      %dma_wait3A_162 = arith.constant 0 : i32
      %dma_wait3A_163 = tpu.memref_slice %arg5[%arg0, %add3A_123, %dma_wait3A_162] : memref<2x10240x64xf32, #tpu.memory_space<hbm>> -> memref<1x128x64xf32, #tpu.memory_space<hbm>>
      %dma_wait3A_164 = tpu.memref_squeeze %dma_wait3A_163 : memref<1x128x64xf32, #tpu.memory_space<hbm>> -> memref<128x64xf32, #tpu.memory_space<hbm>>
      %dma_wait3A_165 = arith.constant 0 : i32
      %dma_wait3A_166 = tpu.memref_slice %arg10[%add3A_119, %dma_wait3A_165] : memref<10240x64xf32, #tpu.memory_space<vmem_shared>> -> memref<128x64xf32, #tpu.memory_space<vmem_shared>>
      tpu.wait_dma2 semaphore(%run_scoped3A_156 : memref<!tpu.dma_semaphore, #tpu.memory_space<semaphore_mem>>) src(%dma_wait3A_166 : memref<128x64xf32, #tpu.memory_space<vmem_shared>>) dst(%dma_wait3A_164 : memref<128x64xf32, #tpu.memory_space<hbm>>)
      tpu.yield
    }) : () -> ()
    %mul3A_124 = arith.constant 640 : i32
    %mul3A_125 = arith.muli %arg1, %mul3A_124 : i32
    %add3A_126 = arith.constant 128 : i32
    %add3A_127 = arith.addi %mul3A_125, %add3A_126 : i32
    %mul3A_128 = arith.constant 640 : i32
    %mul3A_129 = arith.muli %arg1, %mul3A_128 : i32
    %add3A_130 = arith.constant 128 : i32
    %add3A_131 = arith.addi %mul3A_129, %add3A_130 : i32
    "tpu.region"() ({
      %run_scoped3A_156 = tpu.sem_alloc : memref<!tpu.dma_semaphore, #tpu.memory_space<semaphore_mem>>
      %dma_start3A_157 = arith.constant 0 : i32
      %dma_start3A_158 = tpu.memref_slice %arg5[%arg0, %add3A_131, %dma_start3A_157] : memref<2x10240x64xf32, #tpu.memory_space<hbm>> -> memref<1x128x64xf32, #tpu.memory_space<hbm>>
      %dma_start3A_159 = tpu.memref_squeeze %dma_start3A_158 : memref<1x128x64xf32, #tpu.memory_space<hbm>> -> memref<128x64xf32, #tpu.memory_space<hbm>>
      %dma_start3A_160 = arith.constant 0 : i32
      %dma_start3A_161 = tpu.memref_slice %arg10[%add3A_127, %dma_start3A_160] : memref<10240x64xf32, #tpu.memory_space<vmem_shared>> -> memref<128x64xf32, #tpu.memory_space<vmem_shared>>
      tpu.enqueue_dma source(%dma_start3A_161 : memref<128x64xf32, #tpu.memory_space<vmem_shared>>) target(%dma_start3A_159 : memref<128x64xf32, #tpu.memory_space<hbm>>) target_semaphore(%run_scoped3A_156 : memref<!tpu.dma_semaphore, #tpu.memory_space<semaphore_mem>>)
      %dma_wait3A_162 = arith.constant 0 : i32
      %dma_wait3A_163 = tpu.memref_slice %arg5[%arg0, %add3A_131, %dma_wait3A_162] : memref<2x10240x64xf32, #tpu.memory_space<hbm>> -> memref<1x128x64xf32, #tpu.memory_space<hbm>>
      %dma_wait3A_164 = tpu.memref_squeeze %dma_wait3A_163 : memref<1x128x64xf32, #tpu.memory_space<hbm>> -> memref<128x64xf32, #tpu.memory_space<hbm>>
      %dma_wait3A_165 = arith.constant 0 : i32
      %dma_wait3A_166 = tpu.memref_slice %arg10[%add3A_127, %dma_wait3A_165] : memref<10240x64xf32, #tpu.memory_space<vmem_shared>> -> memref<128x64xf32, #tpu.memory_space<vmem_shared>>
      tpu.wait_dma2 semaphore(%run_scoped3A_156 : memref<!tpu.dma_semaphore, #tpu.memory_space<semaphore_mem>>) src(%dma_wait3A_166 : memref<128x64xf32, #tpu.memory_space<vmem_shared>>) dst(%dma_wait3A_164 : memref<128x64xf32, #tpu.memory_space<hbm>>)
      tpu.yield
    }) : () -> ()
    %mul3A_132 = arith.constant 640 : i32
    %mul3A_133 = arith.muli %arg1, %mul3A_132 : i32
    %add3A_134 = arith.constant 256 : i32
    %add3A_135 = arith.addi %mul3A_133, %add3A_134 : i32
    %mul3A_136 = arith.constant 640 : i32
    %mul3A_137 = arith.muli %arg1, %mul3A_136 : i32
    %add3A_138 = arith.constant 256 : i32
    %add3A_139 = arith.addi %mul3A_137, %add3A_138 : i32
    "tpu.region"() ({
      %run_scoped3A_156 = tpu.sem_alloc : memref<!tpu.dma_semaphore, #tpu.memory_space<semaphore_mem>>
      %dma_start3A_157 = arith.constant 0 : i32
      %dma_start3A_158 = tpu.memref_slice %arg5[%arg0, %add3A_139, %dma_start3A_157] : memref<2x10240x64xf32, #tpu.memory_space<hbm>> -> memref<1x128x64xf32, #tpu.memory_space<hbm>>
      %dma_start3A_159 = tpu.memref_squeeze %dma_start3A_158 : memref<1x128x64xf32, #tpu.memory_space<hbm>> -> memref<128x64xf32, #tpu.memory_space<hbm>>
      %dma_start3A_160 = arith.constant 0 : i32
      %dma_start3A_161 = tpu.memref_slice %arg10[%add3A_135, %dma_start3A_160] : memref<10240x64xf32, #tpu.memory_space<vmem_shared>> -> memref<128x64xf32, #tpu.memory_space<vmem_shared>>
      tpu.enqueue_dma source(%dma_start3A_161 : memref<128x64xf32, #tpu.memory_space<vmem_shared>>) target(%dma_start3A_159 : memref<128x64xf32, #tpu.memory_space<hbm>>) target_semaphore(%run_scoped3A_156 : memref<!tpu.dma_semaphore, #tpu.memory_space<semaphore_mem>>)
      %dma_wait3A_162 = arith.constant 0 : i32
      %dma_wait3A_163 = tpu.memref_slice %arg5[%arg0, %add3A_139, %dma_wait3A_162] : memref<2x10240x64xf32, #tpu.memory_space<hbm>> -> memref<1x128x64xf32, #tpu.memory_space<hbm>>
      %dma_wait3A_164 = tpu.memref_squeeze %dma_wait3A_163 : memref<1x128x64xf32, #tpu.memory_space<hbm>> -> memref<128x64xf32, #tpu.memory_space<hbm>>
      %dma_wait3A_165 = arith.constant 0 : i32
      %dma_wait3A_166 = tpu.memref_slice %arg10[%add3A_135, %dma_wait3A_165] : memref<10240x64xf32, #tpu.memory_space<vmem_shared>> -> memref<128x64xf32, #tpu.memory_space<vmem_shared>>
      tpu.wait_dma2 semaphore(%run_scoped3A_156 : memref<!tpu.dma_semaphore, #tpu.memory_space<semaphore_mem>>) src(%dma_wait3A_166 : memref<128x64xf32, #tpu.memory_space<vmem_shared>>) dst(%dma_wait3A_164 : memref<128x64xf32, #tpu.memory_space<hbm>>)
      tpu.yield
    }) : () -> ()
    %mul3A_140 = arith.constant 640 : i32
    %mul3A_141 = arith.muli %arg1, %mul3A_140 : i32
    %add3A_142 = arith.constant 384 : i32
    %add3A_143 = arith.addi %mul3A_141, %add3A_142 : i32
    %mul3A_144 = arith.constant 640 : i32
    %mul3A_145 = arith.muli %arg1, %mul3A_144 : i32
    %add3A_146 = arith.constant 384 : i32
    %add3A_147 = arith.addi %mul3A_145, %add3A_146 : i32
    "tpu.region"() ({
      %run_scoped3A_156 = tpu.sem_alloc : memref<!tpu.dma_semaphore, #tpu.memory_space<semaphore_mem>>
      %dma_start3A_157 = arith.constant 0 : i32
      %dma_start3A_158 = tpu.memref_slice %arg5[%arg0, %add3A_147, %dma_start3A_157] : memref<2x10240x64xf32, #tpu.memory_space<hbm>> -> memref<1x128x64xf32, #tpu.memory_space<hbm>>
      %dma_start3A_159 = tpu.memref_squeeze %dma_start3A_158 : memref<1x128x64xf32, #tpu.memory_space<hbm>> -> memref<128x64xf32, #tpu.memory_space<hbm>>
      %dma_start3A_160 = arith.constant 0 : i32
      %dma_start3A_161 = tpu.memref_slice %arg10[%add3A_143, %dma_start3A_160] : memref<10240x64xf32, #tpu.memory_space<vmem_shared>> -> memref<128x64xf32, #tpu.memory_space<vmem_shared>>
      tpu.enqueue_dma source(%dma_start3A_161 : memref<128x64xf32, #tpu.memory_space<vmem_shared>>) target(%dma_start3A_159 : memref<128x64xf32, #tpu.memory_space<hbm>>) target_semaphore(%run_scoped3A_156 : memref<!tpu.dma_semaphore, #tpu.memory_space<semaphore_mem>>)
      %dma_wait3A_162 = arith.constant 0 : i32
      %dma_wait3A_163 = tpu.memref_slice %arg5[%arg0, %add3A_147, %dma_wait3A_162] : memref<2x10240x64xf32, #tpu.memory_space<hbm>> -> memref<1x128x64xf32, #tpu.memory_space<hbm>>
      %dma_wait3A_164 = tpu.memref_squeeze %dma_wait3A_163 : memref<1x128x64xf32, #tpu.memory_space<hbm>> -> memref<128x64xf32, #tpu.memory_space<hbm>>
      %dma_wait3A_165 = arith.constant 0 : i32
      %dma_wait3A_166 = tpu.memref_slice %arg10[%add3A_143, %dma_wait3A_165] : memref<10240x64xf32, #tpu.memory_space<vmem_shared>> -> memref<128x64xf32, #tpu.memory_space<vmem_shared>>
      tpu.wait_dma2 semaphore(%run_scoped3A_156 : memref<!tpu.dma_semaphore, #tpu.memory_space<semaphore_mem>>) src(%dma_wait3A_166 : memref<128x64xf32, #tpu.memory_space<vmem_shared>>) dst(%dma_wait3A_164 : memref<128x64xf32, #tpu.memory_space<hbm>>)
      tpu.yield
    }) : () -> ()
    %mul3A_148 = arith.constant 640 : i32
    %mul3A_149 = arith.muli %arg1, %mul3A_148 : i32
    %add3A_150 = arith.constant 512 : i32
    %add3A_151 = arith.addi %mul3A_149, %add3A_150 : i32
    %mul3A_152 = arith.constant 640 : i32
    %mul3A_153 = arith.muli %arg1, %mul3A_152 : i32
    %add3A_154 = arith.constant 512 : i32
    %add3A_155 = arith.addi %mul3A_153, %add3A_154 : i32
    "tpu.region"() ({
      %run_scoped3A_156 = tpu.sem_alloc : memref<!tpu.dma_semaphore, #tpu.memory_space<semaphore_mem>>
      %dma_start3A_157 = arith.constant 0 : i32
      %dma_start3A_158 = tpu.memref_slice %arg5[%arg0, %add3A_155, %dma_start3A_157] : memref<2x10240x64xf32, #tpu.memory_space<hbm>> -> memref<1x128x64xf32, #tpu.memory_space<hbm>>
      %dma_start3A_159 = tpu.memref_squeeze %dma_start3A_158 : memref<1x128x64xf32, #tpu.memory_space<hbm>> -> memref<128x64xf32, #tpu.memory_space<hbm>>
      %dma_start3A_160 = arith.constant 0 : i32
      %dma_start3A_161 = tpu.memref_slice %arg10[%add3A_151, %dma_start3A_160] : memref<10240x64xf32, #tpu.memory_space<vmem_shared>> -> memref<128x64xf32, #tpu.memory_space<vmem_shared>>
      tpu.enqueue_dma source(%dma_start3A_161 : memref<128x64xf32, #tpu.memory_space<vmem_shared>>) target(%dma_start3A_159 : memref<128x64xf32, #tpu.memory_space<hbm>>) target_semaphore(%run_scoped3A_156 : memref<!tpu.dma_semaphore, #tpu.memory_space<semaphore_mem>>)
      %dma_wait3A_162 = arith.constant 0 : i32
      %dma_wait3A_163 = tpu.memref_slice %arg5[%arg0, %add3A_155, %dma_wait3A_162] : memref<2x10240x64xf32, #tpu.memory_space<hbm>> -> memref<1x128x64xf32, #tpu.memory_space<hbm>>
      %dma_wait3A_164 = tpu.memref_squeeze %dma_wait3A_163 : memref<1x128x64xf32, #tpu.memory_space<hbm>> -> memref<128x64xf32, #tpu.memory_space<hbm>>
      %dma_wait3A_165 = arith.constant 0 : i32
      %dma_wait3A_166 = tpu.memref_slice %arg10[%add3A_151, %dma_wait3A_165] : memref<10240x64xf32, #tpu.memory_space<vmem_shared>> -> memref<128x64xf32, #tpu.memory_space<vmem_shared>>
      tpu.wait_dma2 semaphore(%run_scoped3A_156 : memref<!tpu.dma_semaphore, #tpu.memory_space<semaphore_mem>>) src(%dma_wait3A_166 : memref<128x64xf32, #tpu.memory_space<vmem_shared>>) dst(%dma_wait3A_164 : memref<128x64xf32, #tpu.memory_space<hbm>>)
      tpu.yield
    }) : () -> ()
    return
  }
}

#map = affine_map<(d0, d1) -> (0, 0)>
#map1 = affine_map<(d0, d1) -> (0, 0, 0, 0, 0)>
#map2 = affine_map<(d0, d1) -> (0, 0, 0)>
module attributes {stable_mosaic.version = 14 : i64} {
  func.func @_segsum_body(%arg0: i32, %arg1: i32, %arg2: memref<10240x64xf32, #tpu.memory_space<hbm>>, %arg3: memref<2x16x10x8x128xi32, #tpu.memory_space<hbm>>, %arg4: memref<2x16x10x8x128xi32, #tpu.memory_space<hbm>>, %arg5: memref<2x10240x64xf32, #tpu.memory_space<hbm>>, %arg6: memref<10240x64xf32, #tpu.memory_space<vmem_shared>>, %arg7: memref<2x8x128xi32, #tpu.memory_space<vmem>>, %arg8: memref<2x8x128xi32, #tpu.memory_space<vmem>>, %arg9: memref<3x128x64xf32, #tpu.memory_space<vmem>>, %arg10: memref<10240x64xf32, #tpu.memory_space<vmem_shared>>, %arg11: memref<3x!tpu.dma_semaphore, #tpu.memory_space<semaphore_mem>>, %arg12: memref<3x!tpu.dma_semaphore, #tpu.memory_space<semaphore_mem>>) attributes {dimension_semantics = [#tpu.dimension_semantics<core_parallel>, #tpu.dimension_semantics<subcore_parallel>], iteration_bounds = array<i64: 2, 16>, scalar_prefetch = 0 : i64, scratch_operands = 7 : i64, tpu.core_type = #tpu.core_type<sc_vector_subcore>, window_params = [{transform_indices = #map}, {transform_indices = #map1}, {transform_indices = #map1}, {transform_indices = #map2}]} {
    %mul3A = arith.constant 640 : i32
    %mul3A_0 = arith.muli %arg1, %mul3A : i32
    %mul3A_1 = arith.constant 640 : i32
    %mul3A_2 = arith.muli %arg1, %mul3A_1 : i32
    "tpu.region"() ({
      %run_scoped3A_156 = tpu.sem_alloc : memref<!tpu.dma_semaphore, #tpu.memory_space<semaphore_mem>>
      %dma_start3A_157 = arith.constant 0 : i32
      %dma_start3A_158 = tpu.memref_slice %arg6[%mul3A_2, %dma_start3A_157] : memref<10240x64xf32, #tpu.memory_space<vmem_shared>> -> memref<640x64xf32, #tpu.memory_space<vmem_shared>>
      %dma_start3A_159 = arith.constant 0 : i32
      %dma_start3A_160 = tpu.memref_slice %arg2[%mul3A_0, %dma_start3A_159] : memref<10240x64xf32, #tpu.memory_space<hbm>> -> memref<640x64xf32, #tpu.memory_space<hbm>>
      tpu.enqueue_dma source(%dma_start3A_160 : memref<640x64xf32, #tpu.memory_space<hbm>>) target(%dma_start3A_158 : memref<640x64xf32, #tpu.memory_space<vmem_shared>>) target_semaphore(%run_scoped3A_156 : memref<!tpu.dma_semaphore, #tpu.memory_space<semaphore_mem>>)
      %dma_wait3A_161 = arith.constant 0 : i32
      %dma_wait3A_162 = tpu.memref_slice %arg6[%mul3A_2, %dma_wait3A_161] : memref<10240x64xf32, #tpu.memory_space<vmem_shared>> -> memref<640x64xf32, #tpu.memory_space<vmem_shared>>
      %dma_wait3A_163 = arith.constant 0 : i32
      %dma_wait3A_164 = tpu.memref_slice %arg2[%mul3A_0, %dma_wait3A_163] : memref<10240x64xf32, #tpu.memory_space<hbm>> -> memref<640x64xf32, #tpu.memory_space<hbm>>
      tpu.wait_dma2 semaphore(%run_scoped3A_156 : memref<!tpu.dma_semaphore, #tpu.memory_space<semaphore_mem>>) src(%dma_wait3A_164 : memref<640x64xf32, #tpu.memory_space<hbm>>) dst(%dma_wait3A_162 : memref<640x64xf32, #tpu.memory_space<vmem_shared>>)
      tpu.yield
    }) : () -> ()
    %scan3A = arith.constant 0 : i32
    %scan3A_3 = arith.constant 0 : i32
    %scan3A_4 = arith.constant 128 : i32
    %scan3A_5 = arith.addi %scan3A_3, %scan3A_4 : i32
    %scan3A_6 = arith.constant 1 : i32
    scf.for %scan3A_156 = %scan3A_3 to %scan3A_5 step %scan3A_6  : i32 {
      %broadcast_in_dim3A = arith.constant 0.000000e+00 : f32
      %broadcast_in_dim3A_157 = vector.broadcast %broadcast_in_dim3A : f32 to vector<16xf32>
      %swap3A = arith.constant 0 : i32
      %swap3A_158 = arith.index_cast %swap3A : i32 to index
      %swap3A_159 = arith.index_cast %scan3A_156 : i32 to index
      %swap3A_160 = arith.constant 0 : index
      %swap3A_161 = tpu.vector_load %arg9[%swap3A_158, %swap3A_159, %swap3A_160] {strides = array<i32>} : memref<3x128x64xf32, #tpu.memory_space<vmem>>, vector<1x1x16xf32>,
      %swap3A_162 = vector.shape_cast %swap3A_161 : vector<1x1x16xf32> to vector<16xf32>
      %swap3A_163 = vector.shape_cast %broadcast_in_dim3A_157 : vector<16xf32> to vector<1x1x16xf32>
      tpu.vector_store %arg9[%swap3A_158, %swap3A_159, %swap3A_160], %swap3A_163 {strides = array<i32>} : memref<3x128x64xf32, #tpu.memory_space<vmem>>, vector<1x1x16xf32>,
      %broadcast_in_dim3A_164 = arith.constant 0.000000e+00 : f32
      %broadcast_in_dim3A_165 = vector.broadcast %broadcast_in_dim3A_164 : f32 to vector<16xf32>
      %swap3A_166 = arith.constant 0 : i32
      %swap3A_167 = arith.index_cast %swap3A_166 : i32 to index
      %swap3A_168 = arith.index_cast %scan3A_156 : i32 to index
      %swap3A_169 = arith.constant 16 : index
      %swap3A_170 = tpu.vector_load %arg9[%swap3A_167, %swap3A_168, %swap3A_169] {strides = array<i32>} : memref<3x128x64xf32, #tpu.memory_space<vmem>>, vector<1x1x16xf32>,
      %swap3A_171 = vector.shape_cast %swap3A_170 : vector<1x1x16xf32> to vector<16xf32>
      %swap3A_172 = vector.shape_cast %broadcast_in_dim3A_165 : vector<16xf32> to vector<1x1x16xf32>
      tpu.vector_store %arg9[%swap3A_167, %swap3A_168, %swap3A_169], %swap3A_172 {strides = array<i32>} : memref<3x128x64xf32, #tpu.memory_space<vmem>>, vector<1x1x16xf32>,
      %broadcast_in_dim3A_173 = arith.constant 0.000000e+00 : f32
      %broadcast_in_dim3A_174 = vector.broadcast %broadcast_in_dim3A_173 : f32 to vector<16xf32>
      %swap3A_175 = arith.constant 0 : i32
      %swap3A_176 = arith.index_cast %swap3A_175 : i32 to index
      %swap3A_177 = arith.index_cast %scan3A_156 : i32 to index
      %swap3A_178 = arith.constant 32 : index
      %swap3A_179 = tpu.vector_load %arg9[%swap3A_176, %swap3A_177, %swap3A_178] {strides = array<i32>} : memref<3x128x64xf32, #tpu.memory_space<vmem>>, vector<1x1x16xf32>,
      %swap3A_180 = vector.shape_cast %swap3A_179 : vector<1x1x16xf32> to vector<16xf32>
      %swap3A_181 = vector.shape_cast %broadcast_in_dim3A_174 : vector<16xf32> to vector<1x1x16xf32>
      tpu.vector_store %arg9[%swap3A_176, %swap3A_177, %swap3A_178], %swap3A_181 {strides = array<i32>} : memref<3x128x64xf32, #tpu.memory_space<vmem>>, vector<1x1x16xf32>,
      %broadcast_in_dim3A_182 = arith.constant 0.000000e+00 : f32
      %broadcast_in_dim3A_183 = vector.broadcast %broadcast_in_dim3A_182 : f32 to vector<16xf32>
      %swap3A_184 = arith.constant 0 : i32
      %swap3A_185 = arith.index_cast %swap3A_184 : i32 to index
      %swap3A_186 = arith.index_cast %scan3A_156 : i32 to index
      %swap3A_187 = arith.constant 48 : index
      %swap3A_188 = tpu.vector_load %arg9[%swap3A_185, %swap3A_186, %swap3A_187] {strides = array<i32>} : memref<3x128x64xf32, #tpu.memory_space<vmem>>, vector<1x1x16xf32>,
      %swap3A_189 = vector.shape_cast %swap3A_188 : vector<1x1x16xf32> to vector<16xf32>
      %swap3A_190 = vector.shape_cast %broadcast_in_dim3A_183 : vector<16xf32> to vector<1x1x16xf32>
      tpu.vector_store %arg9[%swap3A_185, %swap3A_186, %swap3A_187], %swap3A_190 {strides = array<i32>} : memref<3x128x64xf32, #tpu.memory_space<vmem>>, vector<1x1x16xf32>,
    }
    %scan3A_7 = arith.constant 128 : i32
    %mul3A_8 = arith.constant 640 : i32
    %mul3A_9 = arith.muli %arg1, %mul3A_8 : i32
    %add3A = arith.constant 0 : i32
    %add3A_10 = arith.addi %mul3A_9, %add3A : i32
    %run_scoped3A = arith.constant 0 : i32
    "tpu.region"() ({
      %run_scoped3A_156 = tpu.sem_alloc : memref<!tpu.dma_semaphore, #tpu.memory_space<semaphore_mem>>
      %dma_start3A_157 = arith.constant 0 : i32
      %dma_start3A_158 = arith.constant 0 : i32
      %dma_start3A_159 = tpu.memref_slice %arg9[%run_scoped3A, %dma_start3A_157, %dma_start3A_158] : memref<3x128x64xf32, #tpu.memory_space<vmem>> -> memref<1x128x64xf32, #tpu.memory_space<vmem>>
      %dma_start3A_160 = tpu.memref_squeeze %dma_start3A_159 : memref<1x128x64xf32, #tpu.memory_space<vmem>> -> memref<128x64xf32, #tpu.memory_space<vmem>>
      %dma_start3A_161 = arith.constant 0 : i32
      %dma_start3A_162 = tpu.memref_slice %arg10[%add3A_10, %dma_start3A_161] : memref<10240x64xf32, #tpu.memory_space<vmem_shared>> -> memref<128x64xf32, #tpu.memory_space<vmem_shared>>
      %dma_start3A_163 = arith.constant 0 : i32
      %dma_start3A_164 = tpu.memref_slice %arg10[%add3A_10, %dma_start3A_163] : memref<10240x64xf32, #tpu.memory_space<vmem_shared>> -> memref<128x64xf32, #tpu.memory_space<vmem_shared>>
      %dma_start3A_165 = arith.constant 0 : i32
      %dma_start3A_166 = arith.constant 0 : i32
      %dma_start3A_167 = tpu.memref_slice %arg9[%run_scoped3A, %dma_start3A_165, %dma_start3A_166] : memref<3x128x64xf32, #tpu.memory_space<vmem>> -> memref<1x128x64xf32, #tpu.memory_space<vmem>>
      %dma_start3A_168 = tpu.memref_squeeze %dma_start3A_167 : memref<1x128x64xf32, #tpu.memory_space<vmem>> -> memref<128x64xf32, #tpu.memory_space<vmem>>
      tpu.enqueue_dma source(%dma_start3A_168 : memref<128x64xf32, #tpu.memory_space<vmem>>) target(%dma_start3A_164 : memref<128x64xf32, #tpu.memory_space<vmem_shared>>) target_semaphore(%run_scoped3A_156 : memref<!tpu.dma_semaphore, #tpu.memory_space<semaphore_mem>>)
      %dma_wait3A_169 = arith.constant 0 : i32
      %dma_wait3A_170 = arith.constant 0 : i32
      %dma_wait3A_171 = tpu.memref_slice %arg9[%run_scoped3A, %dma_wait3A_169, %dma_wait3A_170] : memref<3x128x64xf32, #tpu.memory_space<vmem>> -> memref<1x128x64xf32, #tpu.memory_space<vmem>>
      %dma_wait3A_172 = tpu.memref_squeeze %dma_wait3A_171 : memref<1x128x64xf32, #tpu.memory_space<vmem>> -> memref<128x64xf32, #tpu.memory_space<vmem>>
      %dma_wait3A_173 = arith.constant 0 : i32
      %dma_wait3A_174 = tpu.memref_slice %arg10[%add3A_10, %dma_wait3A_173] : memref<10240x64xf32, #tpu.memory_space<vmem_shared>> -> memref<128x64xf32, #tpu.memory_space<vmem_shared>>
      %dma_wait3A_175 = arith.constant 0 : i32
      %dma_wait3A_176 = tpu.memref_slice %arg10[%add3A_10, %dma_wait3A_175] : memref<10240x64xf32, #tpu.memory_space<vmem_shared>> -> memref<128x64xf32, #tpu.memory_space<vmem_shared>>
      %dma_wait3A_177 = arith.constant 0 : i32
      %dma_wait3A_178 = arith.constant 0 : i32
      %dma_wait3A_179 = tpu.memref_slice %arg9[%run_scoped3A, %dma_wait3A_177, %dma_wait3A_178] : memref<3x128x64xf32, #tpu.memory_space<vmem>> -> memref<1x128x64xf32, #tpu.memory_space<vmem>>
      %dma_wait3A_180 = tpu.memref_squeeze %dma_wait3A_179 : memref<1x128x64xf32, #tpu.memory_space<vmem>> -> memref<128x64xf32, #tpu.memory_space<vmem>>
      tpu.wait_dma2 semaphore(%run_scoped3A_156 : memref<!tpu.dma_semaphore, #tpu.memory_space<semaphore_mem>>) src(%dma_wait3A_180 : memref<128x64xf32, #tpu.memory_space<vmem>>) dst(%dma_wait3A_176 : memref<128x64xf32, #tpu.memory_space<vmem_shared>>)
      tpu.yield
    }) : () -> ()
    %mul3A_11 = arith.constant 640 : i32
    %mul3A_12 = arith.muli %arg1, %mul3A_11 : i32
    %add3A_13 = arith.constant 128 : i32
    %add3A_14 = arith.addi %mul3A_12, %add3A_13 : i32
    %run_scoped3A_15 = arith.constant 0 : i32
    "tpu.region"() ({
      %run_scoped3A_156 = tpu.sem_alloc : memref<!tpu.dma_semaphore, #tpu.memory_space<semaphore_mem>>
      %dma_start3A_157 = arith.constant 0 : i32
      %dma_start3A_158 = arith.constant 0 : i32
      %dma_start3A_159 = tpu.memref_slice %arg9[%run_scoped3A_15, %dma_start3A_157, %dma_start3A_158] : memref<3x128x64xf32, #tpu.memory_space<vmem>> -> memref<1x128x64xf32, #tpu.memory_space<vmem>>
      %dma_start3A_160 = tpu.memref_squeeze %dma_start3A_159 : memref<1x128x64xf32, #tpu.memory_space<vmem>> -> memref<128x64xf32, #tpu.memory_space<vmem>>
      %dma_start3A_161 = arith.constant 0 : i32
      %dma_start3A_162 = tpu.memref_slice %arg10[%add3A_14, %dma_start3A_161] : memref<10240x64xf32, #tpu.memory_space<vmem_shared>> -> memref<128x64xf32, #tpu.memory_space<vmem_shared>>
      %dma_start3A_163 = arith.constant 0 : i32
      %dma_start3A_164 = tpu.memref_slice %arg10[%add3A_14, %dma_start3A_163] : memref<10240x64xf32, #tpu.memory_space<vmem_shared>> -> memref<128x64xf32, #tpu.memory_space<vmem_shared>>
      %dma_start3A_165 = arith.constant 0 : i32
      %dma_start3A_166 = arith.constant 0 : i32
      %dma_start3A_167 = tpu.memref_slice %arg9[%run_scoped3A_15, %dma_start3A_165, %dma_start3A_166] : memref<3x128x64xf32, #tpu.memory_space<vmem>> -> memref<1x128x64xf32, #tpu.memory_space<vmem>>
      %dma_start3A_168 = tpu.memref_squeeze %dma_start3A_167 : memref<1x128x64xf32, #tpu.memory_space<vmem>> -> memref<128x64xf32, #tpu.memory_space<vmem>>
      tpu.enqueue_dma source(%dma_start3A_168 : memref<128x64xf32, #tpu.memory_space<vmem>>) target(%dma_start3A_164 : memref<128x64xf32, #tpu.memory_space<vmem_shared>>) target_semaphore(%run_scoped3A_156 : memref<!tpu.dma_semaphore, #tpu.memory_space<semaphore_mem>>)
      %dma_wait3A_169 = arith.constant 0 : i32
      %dma_wait3A_170 = arith.constant 0 : i32
      %dma_wait3A_171 = tpu.memref_slice %arg9[%run_scoped3A_15, %dma_wait3A_169, %dma_wait3A_170] : memref<3x128x64xf32, #tpu.memory_space<vmem>> -> memref<1x128x64xf32, #tpu.memory_space<vmem>>
      %dma_wait3A_172 = tpu.memref_squeeze %dma_wait3A_171 : memref<1x128x64xf32, #tpu.memory_space<vmem>> -> memref<128x64xf32, #tpu.memory_space<vmem>>
      %dma_wait3A_173 = arith.constant 0 : i32
      %dma_wait3A_174 = tpu.memref_slice %arg10[%add3A_14, %dma_wait3A_173] : memref<10240x64xf32, #tpu.memory_space<vmem_shared>> -> memref<128x64xf32, #tpu.memory_space<vmem_shared>>
      %dma_wait3A_175 = arith.constant 0 : i32
      %dma_wait3A_176 = tpu.memref_slice %arg10[%add3A_14, %dma_wait3A_175] : memref<10240x64xf32, #tpu.memory_space<vmem_shared>> -> memref<128x64xf32, #tpu.memory_space<vmem_shared>>
      %dma_wait3A_177 = arith.constant 0 : i32
      %dma_wait3A_178 = arith.constant 0 : i32
      %dma_wait3A_179 = tpu.memref_slice %arg9[%run_scoped3A_15, %dma_wait3A_177, %dma_wait3A_178] : memref<3x128x64xf32, #tpu.memory_space<vmem>> -> memref<1x128x64xf32, #tpu.memory_space<vmem>>
      %dma_wait3A_180 = tpu.memref_squeeze %dma_wait3A_179 : memref<1x128x64xf32, #tpu.memory_space<vmem>> -> memref<128x64xf32, #tpu.memory_space<vmem>>
      tpu.wait_dma2 semaphore(%run_scoped3A_156 : memref<!tpu.dma_semaphore, #tpu.memory_space<semaphore_mem>>) src(%dma_wait3A_180 : memref<128x64xf32, #tpu.memory_space<vmem>>) dst(%dma_wait3A_176 : memref<128x64xf32, #tpu.memory_space<vmem_shared>>)
      tpu.yield
    }) : () -> ()
    %mul3A_16 = arith.constant 640 : i32
    %mul3A_17 = arith.muli %arg1, %mul3A_16 : i32
    %add3A_18 = arith.constant 256 : i32
    %add3A_19 = arith.addi %mul3A_17, %add3A_18 : i32
    %run_scoped3A_20 = arith.constant 0 : i32
    "tpu.region"() ({
      %run_scoped3A_156 = tpu.sem_alloc : memref<!tpu.dma_semaphore, #tpu.memory_space<semaphore_mem>>
      %dma_start3A_157 = arith.constant 0 : i32
      %dma_start3A_158 = arith.constant 0 : i32
      %dma_start3A_159 = tpu.memref_slice %arg9[%run_scoped3A_20, %dma_start3A_157, %dma_start3A_158] : memref<3x128x64xf32, #tpu.memory_space<vmem>> -> memref<1x128x64xf32, #tpu.memory_space<vmem>>
      %dma_start3A_160 = tpu.memref_squeeze %dma_start3A_159 : memref<1x128x64xf32, #tpu.memory_space<vmem>> -> memref<128x64xf32, #tpu.memory_space<vmem>>
      %dma_start3A_161 = arith.constant 0 : i32
      %dma_start3A_162 = tpu.memref_slice %arg10[%add3A_19, %dma_start3A_161] : memref<10240x64xf32, #tpu.memory_space<vmem_shared>> -> memref<128x64xf32, #tpu.memory_space<vmem_shared>>
      %dma_start3A_163 = arith.constant 0 : i32
      %dma_start3A_164 = tpu.memref_slice %arg10[%add3A_19, %dma_start3A_163] : memref<10240x64xf32, #tpu.memory_space<vmem_shared>> -> memref<128x64xf32, #tpu.memory_space<vmem_shared>>
      %dma_start3A_165 = arith.constant 0 : i32
      %dma_start3A_166 = arith.constant 0 : i32
      %dma_start3A_167 = tpu.memref_slice %arg9[%run_scoped3A_20, %dma_start3A_165, %dma_start3A_166] : memref<3x128x64xf32, #tpu.memory_space<vmem>> -> memref<1x128x64xf32, #tpu.memory_space<vmem>>
      %dma_start3A_168 = tpu.memref_squeeze %dma_start3A_167 : memref<1x128x64xf32, #tpu.memory_space<vmem>> -> memref<128x64xf32, #tpu.memory_space<vmem>>
      tpu.enqueue_dma source(%dma_start3A_168 : memref<128x64xf32, #tpu.memory_space<vmem>>) target(%dma_start3A_164 : memref<128x64xf32, #tpu.memory_space<vmem_shared>>) target_semaphore(%run_scoped3A_156 : memref<!tpu.dma_semaphore, #tpu.memory_space<semaphore_mem>>)
      %dma_wait3A_169 = arith.constant 0 : i32
      %dma_wait3A_170 = arith.constant 0 : i32
      %dma_wait3A_171 = tpu.memref_slice %arg9[%run_scoped3A_20, %dma_wait3A_169, %dma_wait3A_170] : memref<3x128x64xf32, #tpu.memory_space<vmem>> -> memref<1x128x64xf32, #tpu.memory_space<vmem>>
      %dma_wait3A_172 = tpu.memref_squeeze %dma_wait3A_171 : memref<1x128x64xf32, #tpu.memory_space<vmem>> -> memref<128x64xf32, #tpu.memory_space<vmem>>
      %dma_wait3A_173 = arith.constant 0 : i32
      %dma_wait3A_174 = tpu.memref_slice %arg10[%add3A_19, %dma_wait3A_173] : memref<10240x64xf32, #tpu.memory_space<vmem_shared>> -> memref<128x64xf32, #tpu.memory_space<vmem_shared>>
      %dma_wait3A_175 = arith.constant 0 : i32
      %dma_wait3A_176 = tpu.memref_slice %arg10[%add3A_19, %dma_wait3A_175] : memref<10240x64xf32, #tpu.memory_space<vmem_shared>> -> memref<128x64xf32, #tpu.memory_space<vmem_shared>>
      %dma_wait3A_177 = arith.constant 0 : i32
      %dma_wait3A_178 = arith.constant 0 : i32
      %dma_wait3A_179 = tpu.memref_slice %arg9[%run_scoped3A_20, %dma_wait3A_177, %dma_wait3A_178] : memref<3x128x64xf32, #tpu.memory_space<vmem>> -> memref<1x128x64xf32, #tpu.memory_space<vmem>>
      %dma_wait3A_180 = tpu.memref_squeeze %dma_wait3A_179 : memref<1x128x64xf32, #tpu.memory_space<vmem>> -> memref<128x64xf32, #tpu.memory_space<vmem>>
      tpu.wait_dma2 semaphore(%run_scoped3A_156 : memref<!tpu.dma_semaphore, #tpu.memory_space<semaphore_mem>>) src(%dma_wait3A_180 : memref<128x64xf32, #tpu.memory_space<vmem>>) dst(%dma_wait3A_176 : memref<128x64xf32, #tpu.memory_space<vmem_shared>>)
      tpu.yield
    }) : () -> ()
    %mul3A_21 = arith.constant 640 : i32
    %mul3A_22 = arith.muli %arg1, %mul3A_21 : i32
    %add3A_23 = arith.constant 384 : i32
    %add3A_24 = arith.addi %mul3A_22, %add3A_23 : i32
    %run_scoped3A_25 = arith.constant 0 : i32
    "tpu.region"() ({
      %run_scoped3A_156 = tpu.sem_alloc : memref<!tpu.dma_semaphore, #tpu.memory_space<semaphore_mem>>
      %dma_start3A_157 = arith.constant 0 : i32
      %dma_start3A_158 = arith.constant 0 : i32
      %dma_start3A_159 = tpu.memref_slice %arg9[%run_scoped3A_25, %dma_start3A_157, %dma_start3A_158] : memref<3x128x64xf32, #tpu.memory_space<vmem>> -> memref<1x128x64xf32, #tpu.memory_space<vmem>>
      %dma_start3A_160 = tpu.memref_squeeze %dma_start3A_159 : memref<1x128x64xf32, #tpu.memory_space<vmem>> -> memref<128x64xf32, #tpu.memory_space<vmem>>
      %dma_start3A_161 = arith.constant 0 : i32
      %dma_start3A_162 = tpu.memref_slice %arg10[%add3A_24, %dma_start3A_161] : memref<10240x64xf32, #tpu.memory_space<vmem_shared>> -> memref<128x64xf32, #tpu.memory_space<vmem_shared>>
      %dma_start3A_163 = arith.constant 0 : i32
      %dma_start3A_164 = tpu.memref_slice %arg10[%add3A_24, %dma_start3A_163] : memref<10240x64xf32, #tpu.memory_space<vmem_shared>> -> memref<128x64xf32, #tpu.memory_space<vmem_shared>>
      %dma_start3A_165 = arith.constant 0 : i32
      %dma_start3A_166 = arith.constant 0 : i32
      %dma_start3A_167 = tpu.memref_slice %arg9[%run_scoped3A_25, %dma_start3A_165, %dma_start3A_166] : memref<3x128x64xf32, #tpu.memory_space<vmem>> -> memref<1x128x64xf32, #tpu.memory_space<vmem>>
      %dma_start3A_168 = tpu.memref_squeeze %dma_start3A_167 : memref<1x128x64xf32, #tpu.memory_space<vmem>> -> memref<128x64xf32, #tpu.memory_space<vmem>>
      tpu.enqueue_dma source(%dma_start3A_168 : memref<128x64xf32, #tpu.memory_space<vmem>>) target(%dma_start3A_164 : memref<128x64xf32, #tpu.memory_space<vmem_shared>>) target_semaphore(%run_scoped3A_156 : memref<!tpu.dma_semaphore, #tpu.memory_space<semaphore_mem>>)
      %dma_wait3A_169 = arith.constant 0 : i32
      %dma_wait3A_170 = arith.constant 0 : i32
      %dma_wait3A_171 = tpu.memref_slice %arg9[%run_scoped3A_25, %dma_wait3A_169, %dma_wait3A_170] : memref<3x128x64xf32, #tpu.memory_space<vmem>> -> memref<1x128x64xf32, #tpu.memory_space<vmem>>
      %dma_wait3A_172 = tpu.memref_squeeze %dma_wait3A_171 : memref<1x128x64xf32, #tpu.memory_space<vmem>> -> memref<128x64xf32, #tpu.memory_space<vmem>>
      %dma_wait3A_173 = arith.constant 0 : i32
      %dma_wait3A_174 = tpu.memref_slice %arg10[%add3A_24, %dma_wait3A_173] : memref<10240x64xf32, #tpu.memory_space<vmem_shared>> -> memref<128x64xf32, #tpu.memory_space<vmem_shared>>
      %dma_wait3A_175 = arith.constant 0 : i32
      %dma_wait3A_176 = tpu.memref_slice %arg10[%add3A_24, %dma_wait3A_175] : memref<10240x64xf32, #tpu.memory_space<vmem_shared>> -> memref<128x64xf32, #tpu.memory_space<vmem_shared>>
      %dma_wait3A_177 = arith.constant 0 : i32
      %dma_wait3A_178 = arith.constant 0 : i32
      %dma_wait3A_179 = tpu.memref_slice %arg9[%run_scoped3A_25, %dma_wait3A_177, %dma_wait3A_178] : memref<3x128x64xf32, #tpu.memory_space<vmem>> -> memref<1x128x64xf32, #tpu.memory_space<vmem>>
      %dma_wait3A_180 = tpu.memref_squeeze %dma_wait3A_179 : memref<1x128x64xf32, #tpu.memory_space<vmem>> -> memref<128x64xf32, #tpu.memory_space<vmem>>
      tpu.wait_dma2 semaphore(%run_scoped3A_156 : memref<!tpu.dma_semaphore, #tpu.memory_space<semaphore_mem>>) src(%dma_wait3A_180 : memref<128x64xf32, #tpu.memory_space<vmem>>) dst(%dma_wait3A_176 : memref<128x64xf32, #tpu.memory_space<vmem_shared>>)
      tpu.yield
    }) : () -> ()
    %mul3A_26 = arith.constant 640 : i32
    %mul3A_27 = arith.muli %arg1, %mul3A_26 : i32
    %add3A_28 = arith.constant 512 : i32
    %add3A_29 = arith.addi %mul3A_27, %add3A_28 : i32
    %run_scoped3A_30 = arith.constant 0 : i32
    "tpu.region"() ({
      %run_scoped3A_156 = tpu.sem_alloc : memref<!tpu.dma_semaphore, #tpu.memory_space<semaphore_mem>>
      %dma_start3A_157 = arith.constant 0 : i32
      %dma_start3A_158 = arith.constant 0 : i32
      %dma_start3A_159 = tpu.memref_slice %arg9[%run_scoped3A_30, %dma_start3A_157, %dma_start3A_158] : memref<3x128x64xf32, #tpu.memory_space<vmem>> -> memref<1x128x64xf32, #tpu.memory_space<vmem>>
      %dma_start3A_160 = tpu.memref_squeeze %dma_start3A_159 : memref<1x128x64xf32, #tpu.memory_space<vmem>> -> memref<128x64xf32, #tpu.memory_space<vmem>>
      %dma_start3A_161 = arith.constant 0 : i32
      %dma_start3A_162 = tpu.memref_slice %arg10[%add3A_29, %dma_start3A_161] : memref<10240x64xf32, #tpu.memory_space<vmem_shared>> -> memref<128x64xf32, #tpu.memory_space<vmem_shared>>
      %dma_start3A_163 = arith.constant 0 : i32
      %dma_start3A_164 = tpu.memref_slice %arg10[%add3A_29, %dma_start3A_163] : memref<10240x64xf32, #tpu.memory_space<vmem_shared>> -> memref<128x64xf32, #tpu.memory_space<vmem_shared>>
      %dma_start3A_165 = arith.constant 0 : i32
      %dma_start3A_166 = arith.constant 0 : i32
      %dma_start3A_167 = tpu.memref_slice %arg9[%run_scoped3A_30, %dma_start3A_165, %dma_start3A_166] : memref<3x128x64xf32, #tpu.memory_space<vmem>> -> memref<1x128x64xf32, #tpu.memory_space<vmem>>
      %dma_start3A_168 = tpu.memref_squeeze %dma_start3A_167 : memref<1x128x64xf32, #tpu.memory_space<vmem>> -> memref<128x64xf32, #tpu.memory_space<vmem>>
      tpu.enqueue_dma source(%dma_start3A_168 : memref<128x64xf32, #tpu.memory_space<vmem>>) target(%dma_start3A_164 : memref<128x64xf32, #tpu.memory_space<vmem_shared>>) target_semaphore(%run_scoped3A_156 : memref<!tpu.dma_semaphore, #tpu.memory_space<semaphore_mem>>)
      %dma_wait3A_169 = arith.constant 0 : i32
      %dma_wait3A_170 = arith.constant 0 : i32
      %dma_wait3A_171 = tpu.memref_slice %arg9[%run_scoped3A_30, %dma_wait3A_169, %dma_wait3A_170] : memref<3x128x64xf32, #tpu.memory_space<vmem>> -> memref<1x128x64xf32, #tpu.memory_space<vmem>>
      %dma_wait3A_172 = tpu.memref_squeeze %dma_wait3A_171 : memref<1x128x64xf32, #tpu.memory_space<vmem>> -> memref<128x64xf32, #tpu.memory_space<vmem>>
      %dma_wait3A_173 = arith.constant 0 : i32
      %dma_wait3A_174 = tpu.memref_slice %arg10[%add3A_29, %dma_wait3A_173] : memref<10240x64xf32, #tpu.memory_space<vmem_shared>> -> memref<128x64xf32, #tpu.memory_space<vmem_shared>>
      %dma_wait3A_175 = arith.constant 0 : i32
      %dma_wait3A_176 = tpu.memref_slice %arg10[%add3A_29, %dma_wait3A_175] : memref<10240x64xf32, #tpu.memory_space<vmem_shared>> -> memref<128x64xf32, #tpu.memory_space<vmem_shared>>
      %dma_wait3A_177 = arith.constant 0 : i32
      %dma_wait3A_178 = arith.constant 0 : i32
      %dma_wait3A_179 = tpu.memref_slice %arg9[%run_scoped3A_30, %dma_wait3A_177, %dma_wait3A_178] : memref<3x128x64xf32, #tpu.memory_space<vmem>> -> memref<1x128x64xf32, #tpu.memory_space<vmem>>
      %dma_wait3A_180 = tpu.memref_squeeze %dma_wait3A_179 : memref<1x128x64xf32, #tpu.memory_space<vmem>> -> memref<128x64xf32, #tpu.memory_space<vmem>>
      tpu.wait_dma2 semaphore(%run_scoped3A_156 : memref<!tpu.dma_semaphore, #tpu.memory_space<semaphore_mem>>) src(%dma_wait3A_180 : memref<128x64xf32, #tpu.memory_space<vmem>>) dst(%dma_wait3A_176 : memref<128x64xf32, #tpu.memory_space<vmem_shared>>)
      tpu.yield
    }) : () -> ()
    %barrier3A = arith.constant 0 : index
    tpu.barrier barrier_id(%barrier3A)
    %scan3A_31 = arith.constant 0 : i32
    %scan3A_32 = arith.constant 0 : i32
    %scan3A_33 = arith.constant 80 : i32
    %scan3A_34 = arith.addi %scan3A_32, %scan3A_33 : i32
    %scan3A_35 = arith.constant 1 : i32
    scf.for %scan3A_156 = %scan3A_32 to %scan3A_34 step %scan3A_35  : i32 {
      %jit3A = arith.constant 8 : i32
      %div3A = arith.divsi %scan3A_156, %jit3A : i32
      %sign3A = arith.constant 0 : i32
      %sign3A_157 = arith.cmpi sgt, %scan3A_156, %sign3A : i32
      %sign3A_158 = arith.extui %sign3A_157 : i1 to i32
      %sign3A_159 = arith.constant 0 : i32
      %sign3A_160 = arith.cmpi slt, %scan3A_156, %sign3A_159 : i32
      %sign3A_161 = arith.extui %sign3A_160 : i1 to i32
      %sign3A_162 = arith.subi %sign3A_158, %sign3A_161 : i32
      %sign3A_163 = arith.constant 0 : i32
      %sign3A_164 = arith.cmpi sgt, %jit3A, %sign3A_163 : i32
      %sign3A_165 = arith.extui %sign3A_164 : i1 to i32
      %sign3A_166 = arith.constant 0 : i32
      %sign3A_167 = arith.cmpi slt, %jit3A, %sign3A_166 : i32
      %sign3A_168 = arith.extui %sign3A_167 : i1 to i32
      %sign3A_169 = arith.subi %sign3A_165, %sign3A_168 : i32
      %ne3A = arith.cmpi ne, %sign3A_162, %sign3A_169 : i32
      %rem3A = arith.remsi %scan3A_156, %jit3A : i32
      %ne3A_170 = arith.constant 0 : i32
      %ne3A_171 = arith.cmpi ne, %rem3A, %ne3A_170 : i32
      %and3A = arith.andi %ne3A, %ne3A_171 : i1
      %sub3A = arith.constant 1 : i32
      %sub3A_172 = arith.subi %div3A, %sub3A : i32
      %select_n3A = arith.select %and3A, %sub3A_172, %div3A : i32
      %mul3A_173 = arith.constant 8 : i32
      %mul3A_174 = arith.muli %select_n3A, %mul3A_173 : i32
      %sub3A_175 = arith.subi %scan3A_156, %mul3A_174 : i32
      %rem3A_176 = arith.constant 2 : i32
      %rem3A_177 = arith.remsi %select_n3A, %rem3A_176 : i32
      %rem3A_178 = arith.constant 3 : i32
      %rem3A_179 = arith.remsi %scan3A_156, %rem3A_178 : i32
      %ge3A = arith.constant 3 : i32
      %ge3A_180 = arith.cmpi sge, %scan3A_156, %ge3A : i32
      %convert_element_type3A = arith.extui %ge3A_180 : i1 to i32
      %cond3A = arith.constant 0 : i32
      %cond3A_181 = arith.cmpi ne, %convert_element_type3A, %cond3A : i32
      scf.if %cond3A_181 {
        %sub3A_203 = arith.constant 3 : i32
        %sub3A_204 = arith.subi %scan3A_156, %sub3A_203 : i32
        %jit3A_205 = arith.constant 8 : i32
        %div3A_206 = arith.divsi %sub3A_204, %jit3A_205 : i32
        %sign3A_207 = arith.constant 0 : i32
        %sign3A_208 = arith.cmpi sgt, %sub3A_204, %sign3A_207 : i32
        %sign3A_209 = arith.extui %sign3A_208 : i1 to i32
        %sign3A_210 = arith.constant 0 : i32
        %sign3A_211 = arith.cmpi slt, %sub3A_204, %sign3A_210 : i32
        %sign3A_212 = arith.extui %sign3A_211 : i1 to i32
        %sign3A_213 = arith.subi %sign3A_209, %sign3A_212 : i32
        %sign3A_214 = arith.constant 0 : i32
        %sign3A_215 = arith.cmpi sgt, %jit3A_205, %sign3A_214 : i32
        %sign3A_216 = arith.extui %sign3A_215 : i1 to i32
        %sign3A_217 = arith.constant 0 : i32
        %sign3A_218 = arith.cmpi slt, %jit3A_205, %sign3A_217 : i32
        %sign3A_219 = arith.extui %sign3A_218 : i1 to i32
        %sign3A_220 = arith.subi %sign3A_216, %sign3A_219 : i32
        %ne3A_221 = arith.cmpi ne, %sign3A_213, %sign3A_220 : i32
        %rem3A_222 = arith.remsi %sub3A_204, %jit3A_205 : i32
        %ne3A_223 = arith.constant 0 : i32
        %ne3A_224 = arith.cmpi ne, %rem3A_222, %ne3A_223 : i32
        %and3A_225 = arith.andi %ne3A_221, %ne3A_224 : i1
        %sub3A_226 = arith.constant 1 : i32
        %sub3A_227 = arith.subi %div3A_206, %sub3A_226 : i32
        %select_n3A_228 = arith.select %and3A_225, %sub3A_227, %div3A_206 : i32
        %mul3A_229 = arith.constant 8 : i32
        %mul3A_230 = arith.muli %select_n3A_228, %mul3A_229 : i32
        %sub3A_231 = arith.subi %sub3A_204, %mul3A_230 : i32
        %rem3A_232 = arith.constant 2 : i32
        %rem3A_233 = arith.remsi %select_n3A_228, %rem3A_232 : i32
        %dma_wait3A_234 = arith.constant 0 : i32
        %dma_wait3A_235 = arith.constant 0 : i32
        %dma_wait3A_236 = tpu.memref_slice %arg9[%rem3A_179, %dma_wait3A_234, %dma_wait3A_235] : memref<3x128x64xf32, #tpu.memory_space<vmem>> -> memref<1x128x64xf32, #tpu.memory_space<vmem>>
        %dma_wait3A_237 = tpu.memref_squeeze %dma_wait3A_236 : memref<1x128x64xf32, #tpu.memory_space<vmem>> -> memref<128x64xf32, #tpu.memory_space<vmem>>
        %dma_wait3A_238 = arith.constant 0 : i32
        %dma_wait3A_239 = tpu.memref_slice %arg8[%rem3A_233, %sub3A_231, %dma_wait3A_238] : memref<2x8x128xi32, #tpu.memory_space<vmem>> -> memref<1x1x128xi32, #tpu.memory_space<vmem>>
        %dma_wait3A_240 = tpu.memref_squeeze %dma_wait3A_239 : memref<1x1x128xi32, #tpu.memory_space<vmem>> -> memref<128xi32, #tpu.memory_space<vmem>>
        %dma_wait3A_241 = arith.constant 0 : i32
        %dma_wait3A_242 = arith.constant 0 : i32
        %dma_wait3A_243 = tpu.memref_slice %arg10[%dma_wait3A_241, %dma_wait3A_242] : memref<10240x64xf32, #tpu.memory_space<vmem_shared>> -> memref<10240x64xf32, #tpu.memory_space<vmem_shared>>
        %dma_wait3A_244 = tpu.memref_slice %arg12[%rem3A_179] : memref<3x!tpu.dma_semaphore, #tpu.memory_space<semaphore_mem>> -> memref<1x!tpu.dma_semaphore, #tpu.memory_space<semaphore_mem>>
        %dma_wait3A_245 = tpu.memref_squeeze %dma_wait3A_244 : memref<1x!tpu.dma_semaphore, #tpu.memory_space<semaphore_mem>> -> memref<!tpu.dma_semaphore, #tpu.memory_space<semaphore_mem>>
        tpu.wait_indirect_dma semaphore(%dma_wait3A_245 : memref<!tpu.dma_semaphore, #tpu.memory_space<semaphore_mem>>) src(%dma_wait3A_237 : memref<128x64xf32, #tpu.memory_space<vmem>>) dst(%dma_wait3A_243 : memref<10240x64xf32, #tpu.memory_space<vmem_shared>>)
      } else {
      }
      %eq3A = arith.constant 0 : i32
      %eq3A_182 = arith.cmpi eq, %sub3A_175, %eq3A : i32
      %convert_element_type3A_183 = arith.extui %eq3A_182 : i1 to i32
      %cond3A_184 = arith.constant 0 : i32
      %cond3A_185 = arith.cmpi ne, %convert_element_type3A_183, %cond3A_184 : i32
      scf.if %cond3A_185 {
        "tpu.region"() ({
          %run_scoped3A_203 = tpu.sem_alloc : memref<!tpu.dma_semaphore, #tpu.memory_space<semaphore_mem>>
          %dma_start3A_204 = arith.constant 0 : i32
          %dma_start3A_205 = arith.constant 0 : i32
          %dma_start3A_206 = tpu.memref_slice %arg7[%rem3A_177, %dma_start3A_204, %dma_start3A_205] : memref<2x8x128xi32, #tpu.memory_space<vmem>> -> memref<1x8x128xi32, #tpu.memory_space<vmem>>
          %dma_start3A_207 = tpu.memref_squeeze %dma_start3A_206 : memref<1x8x128xi32, #tpu.memory_space<vmem>> -> memref<8x128xi32, #tpu.memory_space<vmem>>
          %dma_start3A_208 = arith.constant 0 : i32
          %dma_start3A_209 = arith.constant 0 : i32
          %dma_start3A_210 = tpu.memref_slice %arg3[%arg0, %arg1, %select_n3A, %dma_start3A_208, %dma_start3A_209] : memref<2x16x10x8x128xi32, #tpu.memory_space<hbm>> -> memref<1x1x1x8x128xi32, #tpu.memory_space<hbm>>
          %dma_start3A_211 = tpu.memref_squeeze %dma_start3A_210 : memref<1x1x1x8x128xi32, #tpu.memory_space<hbm>> -> memref<8x128xi32, #tpu.memory_space<hbm>>
          %dma_start3A_212 = arith.constant 0 : i32
          %dma_start3A_213 = arith.constant 0 : i32
          %dma_start3A_214 = tpu.memref_slice %arg7[%rem3A_177, %dma_start3A_212, %dma_start3A_213] : memref<2x8x128xi32, #tpu.memory_space<vmem>> -> memref<1x8x128xi32, #tpu.memory_space<vmem>>
          %dma_start3A_215 = tpu.memref_squeeze %dma_start3A_214 : memref<1x8x128xi32, #tpu.memory_space<vmem>> -> memref<8x128xi32, #tpu.memory_space<vmem>>
          %dma_start3A_216 = arith.constant 0 : i32
          %dma_start3A_217 = arith.constant 0 : i32
          %dma_start3A_218 = tpu.memref_slice %arg3[%arg0, %arg1, %select_n3A, %dma_start3A_216, %dma_start3A_217] : memref<2x16x10x8x128xi32, #tpu.memory_space<hbm>> -> memref<1x1x1x8x128xi32, #tpu.memory_space<hbm>>
          %dma_start3A_219 = tpu.memref_squeeze %dma_start3A_218 : memref<1x1x1x8x128xi32, #tpu.memory_space<hbm>> -> memref<8x128xi32, #tpu.memory_space<hbm>>
          tpu.enqueue_dma source(%dma_start3A_219 : memref<8x128xi32, #tpu.memory_space<hbm>>) target(%dma_start3A_215 : memref<8x128xi32, #tpu.memory_space<vmem>>) target_semaphore(%run_scoped3A_203 : memref<!tpu.dma_semaphore, #tpu.memory_space<semaphore_mem>>)
          %dma_wait3A_220 = arith.constant 0 : i32
          %dma_wait3A_221 = arith.constant 0 : i32
          %dma_wait3A_222 = tpu.memref_slice %arg7[%rem3A_177, %dma_wait3A_220, %dma_wait3A_221] : memref<2x8x128xi32, #tpu.memory_space<vmem>> -> memref<1x8x128xi32, #tpu.memory_space<vmem>>
          %dma_wait3A_223 = tpu.memref_squeeze %dma_wait3A_222 : memref<1x8x128xi32, #tpu.memory_space<vmem>> -> memref<8x128xi32, #tpu.memory_space<vmem>>
          %dma_wait3A_224 = arith.constant 0 : i32
          %dma_wait3A_225 = arith.constant 0 : i32
          %dma_wait3A_226 = tpu.memref_slice %arg3[%arg0, %arg1, %select_n3A, %dma_wait3A_224, %dma_wait3A_225] : memref<2x16x10x8x128xi32, #tpu.memory_space<hbm>> -> memref<1x1x1x8x128xi32, #tpu.memory_space<hbm>>
          %dma_wait3A_227 = tpu.memref_squeeze %dma_wait3A_226 : memref<1x1x1x8x128xi32, #tpu.memory_space<hbm>> -> memref<8x128xi32, #tpu.memory_space<hbm>>
          %dma_wait3A_228 = arith.constant 0 : i32
          %dma_wait3A_229 = arith.constant 0 : i32
          %dma_wait3A_230 = tpu.memref_slice %arg7[%rem3A_177, %dma_wait3A_228, %dma_wait3A_229] : memref<2x8x128xi32, #tpu.memory_space<vmem>> -> memref<1x8x128xi32, #tpu.memory_space<vmem>>
          %dma_wait3A_231 = tpu.memref_squeeze %dma_wait3A_230 : memref<1x8x128xi32, #tpu.memory_space<vmem>> -> memref<8x128xi32, #tpu.memory_space<vmem>>
          %dma_wait3A_232 = arith.constant 0 : i32
          %dma_wait3A_233 = arith.constant 0 : i32
          %dma_wait3A_234 = tpu.memref_slice %arg3[%arg0, %arg1, %select_n3A, %dma_wait3A_232, %dma_wait3A_233] : memref<2x16x10x8x128xi32, #tpu.memory_space<hbm>> -> memref<1x1x1x8x128xi32, #tpu.memory_space<hbm>>
          %dma_wait3A_235 = tpu.memref_squeeze %dma_wait3A_234 : memref<1x1x1x8x128xi32, #tpu.memory_space<hbm>> -> memref<8x128xi32, #tpu.memory_space<hbm>>
          tpu.wait_dma2 semaphore(%run_scoped3A_203 : memref<!tpu.dma_semaphore, #tpu.memory_space<semaphore_mem>>) src(%dma_wait3A_235 : memref<8x128xi32, #tpu.memory_space<hbm>>) dst(%dma_wait3A_231 : memref<8x128xi32, #tpu.memory_space<vmem>>)
          tpu.yield
        }) : () -> ()
        "tpu.region"() ({
          %run_scoped3A_203 = tpu.sem_alloc : memref<!tpu.dma_semaphore, #tpu.memory_space<semaphore_mem>>
          %dma_start3A_204 = arith.constant 0 : i32
          %dma_start3A_205 = arith.constant 0 : i32
          %dma_start3A_206 = tpu.memref_slice %arg8[%rem3A_177, %dma_start3A_204, %dma_start3A_205] : memref<2x8x128xi32, #tpu.memory_space<vmem>> -> memref<1x8x128xi32, #tpu.memory_space<vmem>>
          %dma_start3A_207 = tpu.memref_squeeze %dma_start3A_206 : memref<1x8x128xi32, #tpu.memory_space<vmem>> -> memref<8x128xi32, #tpu.memory_space<vmem>>
          %dma_start3A_208 = arith.constant 0 : i32
          %dma_start3A_209 = arith.constant 0 : i32
          %dma_start3A_210 = tpu.memref_slice %arg4[%arg0, %arg1, %select_n3A, %dma_start3A_208, %dma_start3A_209] : memref<2x16x10x8x128xi32, #tpu.memory_space<hbm>> -> memref<1x1x1x8x128xi32, #tpu.memory_space<hbm>>
          %dma_start3A_211 = tpu.memref_squeeze %dma_start3A_210 : memref<1x1x1x8x128xi32, #tpu.memory_space<hbm>> -> memref<8x128xi32, #tpu.memory_space<hbm>>
          %dma_start3A_212 = arith.constant 0 : i32
          %dma_start3A_213 = arith.constant 0 : i32
          %dma_start3A_214 = tpu.memref_slice %arg8[%rem3A_177, %dma_start3A_212, %dma_start3A_213] : memref<2x8x128xi32, #tpu.memory_space<vmem>> -> memref<1x8x128xi32, #tpu.memory_space<vmem>>
          %dma_start3A_215 = tpu.memref_squeeze %dma_start3A_214 : memref<1x8x128xi32, #tpu.memory_space<vmem>> -> memref<8x128xi32, #tpu.memory_space<vmem>>
          %dma_start3A_216 = arith.constant 0 : i32
          %dma_start3A_217 = arith.constant 0 : i32
          %dma_start3A_218 = tpu.memref_slice %arg4[%arg0, %arg1, %select_n3A, %dma_start3A_216, %dma_start3A_217] : memref<2x16x10x8x128xi32, #tpu.memory_space<hbm>> -> memref<1x1x1x8x128xi32, #tpu.memory_space<hbm>>
          %dma_start3A_219 = tpu.memref_squeeze %dma_start3A_218 : memref<1x1x1x8x128xi32, #tpu.memory_space<hbm>> -> memref<8x128xi32, #tpu.memory_space<hbm>>
          tpu.enqueue_dma source(%dma_start3A_219 : memref<8x128xi32, #tpu.memory_space<hbm>>) target(%dma_start3A_215 : memref<8x128xi32, #tpu.memory_space<vmem>>) target_semaphore(%run_scoped3A_203 : memref<!tpu.dma_semaphore, #tpu.memory_space<semaphore_mem>>)
          %dma_wait3A_220 = arith.constant 0 : i32
          %dma_wait3A_221 = arith.constant 0 : i32
          %dma_wait3A_222 = tpu.memref_slice %arg8[%rem3A_177, %dma_wait3A_220, %dma_wait3A_221] : memref<2x8x128xi32, #tpu.memory_space<vmem>> -> memref<1x8x128xi32, #tpu.memory_space<vmem>>
          %dma_wait3A_223 = tpu.memref_squeeze %dma_wait3A_222 : memref<1x8x128xi32, #tpu.memory_space<vmem>> -> memref<8x128xi32, #tpu.memory_space<vmem>>
          %dma_wait3A_224 = arith.constant 0 : i32
          %dma_wait3A_225 = arith.constant 0 : i32
          %dma_wait3A_226 = tpu.memref_slice %arg4[%arg0, %arg1, %select_n3A, %dma_wait3A_224, %dma_wait3A_225] : memref<2x16x10x8x128xi32, #tpu.memory_space<hbm>> -> memref<1x1x1x8x128xi32, #tpu.memory_space<hbm>>
          %dma_wait3A_227 = tpu.memref_squeeze %dma_wait3A_226 : memref<1x1x1x8x128xi32, #tpu.memory_space<hbm>> -> memref<8x128xi32, #tpu.memory_space<hbm>>
          %dma_wait3A_228 = arith.constant 0 : i32
          %dma_wait3A_229 = arith.constant 0 : i32
          %dma_wait3A_230 = tpu.memref_slice %arg8[%rem3A_177, %dma_wait3A_228, %dma_wait3A_229] : memref<2x8x128xi32, #tpu.memory_space<vmem>> -> memref<1x8x128xi32, #tpu.memory_space<vmem>>
          %dma_wait3A_231 = tpu.memref_squeeze %dma_wait3A_230 : memref<1x8x128xi32, #tpu.memory_space<vmem>> -> memref<8x128xi32, #tpu.memory_space<vmem>>
          %dma_wait3A_232 = arith.constant 0 : i32
          %dma_wait3A_233 = arith.constant 0 : i32
          %dma_wait3A_234 = tpu.memref_slice %arg4[%arg0, %arg1, %select_n3A, %dma_wait3A_232, %dma_wait3A_233] : memref<2x16x10x8x128xi32, #tpu.memory_space<hbm>> -> memref<1x1x1x8x128xi32, #tpu.memory_space<hbm>>
          %dma_wait3A_235 = tpu.memref_squeeze %dma_wait3A_234 : memref<1x1x1x8x128xi32, #tpu.memory_space<hbm>> -> memref<8x128xi32, #tpu.memory_space<hbm>>
          tpu.wait_dma2 semaphore(%run_scoped3A_203 : memref<!tpu.dma_semaphore, #tpu.memory_space<semaphore_mem>>) src(%dma_wait3A_235 : memref<8x128xi32, #tpu.memory_space<hbm>>) dst(%dma_wait3A_231 : memref<8x128xi32, #tpu.memory_space<vmem>>)
          tpu.yield
        }) : () -> ()
      } else {
      }
      %dma_start3A_186 = arith.constant 0 : i32
      %dma_start3A_187 = arith.constant 0 : i32
      %dma_start3A_188 = tpu.memref_slice %arg9[%rem3A_179, %dma_start3A_186, %dma_start3A_187] : memref<3x128x64xf32, #tpu.memory_space<vmem>> -> memref<1x128x64xf32, #tpu.memory_space<vmem>>
      %dma_start3A_189 = tpu.memref_squeeze %dma_start3A_188 : memref<1x128x64xf32, #tpu.memory_space<vmem>> -> memref<128x64xf32, #tpu.memory_space<vmem>>
      %dma_start3A_190 = arith.constant 0 : i32
      %dma_start3A_191 = tpu.memref_slice %arg7[%rem3A_177, %sub3A_175, %dma_start3A_190] : memref<2x8x128xi32, #tpu.memory_space<vmem>> -> memref<1x1x128xi32, #tpu.memory_space<vmem>>
      %dma_start3A_192 = tpu.memref_squeeze %dma_start3A_191 : memref<1x1x128xi32, #tpu.memory_space<vmem>> -> memref<128xi32, #tpu.memory_space<vmem>>
      %dma_start3A_193 = arith.constant 0 : i32
      %dma_start3A_194 = arith.constant 0 : i32
      %dma_start3A_195 = tpu.memref_slice %arg6[%dma_start3A_193, %dma_start3A_194] : memref<10240x64xf32, #tpu.memory_space<vmem_shared>> -> memref<10240x64xf32, #tpu.memory_space<vmem_shared>>
      %dma_start3A_196 = tpu.memref_slice %arg11[%rem3A_179] : memref<3x!tpu.dma_semaphore, #tpu.memory_space<semaphore_mem>> -> memref<1x!tpu.dma_semaphore, #tpu.memory_space<semaphore_mem>>
      %dma_start3A_197 = tpu.memref_squeeze %dma_start3A_196 : memref<1x!tpu.dma_semaphore, #tpu.memory_space<semaphore_mem>> -> memref<!tpu.dma_semaphore, #tpu.memory_space<semaphore_mem>>
      tpu.enqueue_indirect_dma source(%dma_start3A_195 : memref<10240x64xf32, #tpu.memory_space<vmem_shared>>) target(%dma_start3A_189 : memref<128x64xf32, #tpu.memory_space<vmem>>) offsets(%dma_start3A_192 : memref<128xi32, #tpu.memory_space<vmem>>) semaphore(%dma_start3A_197 : memref<!tpu.dma_semaphore, #tpu.memory_space<semaphore_mem>>)
      %ge3A_198 = arith.constant 1 : i32
      %ge3A_199 = arith.cmpi sge, %scan3A_156, %ge3A_198 : i32
      %convert_element_type3A_200 = arith.extui %ge3A_199 : i1 to i32
      %cond3A_201 = arith.constant 0 : i32
      %cond3A_202 = arith.cmpi ne, %convert_element_type3A_200, %cond3A_201 : i32
      scf.if %cond3A_202 {
        %sub3A_203 = arith.constant 1 : i32
        %sub3A_204 = arith.subi %scan3A_156, %sub3A_203 : i32
        %jit3A_205 = arith.constant 8 : i32
        %div3A_206 = arith.divsi %sub3A_204, %jit3A_205 : i32
        %sign3A_207 = arith.constant 0 : i32
        %sign3A_208 = arith.cmpi sgt, %sub3A_204, %sign3A_207 : i32
        %sign3A_209 = arith.extui %sign3A_208 : i1 to i32
        %sign3A_210 = arith.constant 0 : i32
        %sign3A_211 = arith.cmpi slt, %sub3A_204, %sign3A_210 : i32
        %sign3A_212 = arith.extui %sign3A_211 : i1 to i32
        %sign3A_213 = arith.subi %sign3A_209, %sign3A_212 : i32
        %sign3A_214 = arith.constant 0 : i32
        %sign3A_215 = arith.cmpi sgt, %jit3A_205, %sign3A_214 : i32
        %sign3A_216 = arith.extui %sign3A_215 : i1 to i32
        %sign3A_217 = arith.constant 0 : i32
        %sign3A_218 = arith.cmpi slt, %jit3A_205, %sign3A_217 : i32
        %sign3A_219 = arith.extui %sign3A_218 : i1 to i32
        %sign3A_220 = arith.subi %sign3A_216, %sign3A_219 : i32
        %ne3A_221 = arith.cmpi ne, %sign3A_213, %sign3A_220 : i32
        %rem3A_222 = arith.remsi %sub3A_204, %jit3A_205 : i32
        %ne3A_223 = arith.constant 0 : i32
        %ne3A_224 = arith.cmpi ne, %rem3A_222, %ne3A_223 : i32
        %and3A_225 = arith.andi %ne3A_221, %ne3A_224 : i1
        %sub3A_226 = arith.constant 1 : i32
        %sub3A_227 = arith.subi %div3A_206, %sub3A_226 : i32
        %select_n3A_228 = arith.select %and3A_225, %sub3A_227, %div3A_206 : i32
        %mul3A_229 = arith.constant 8 : i32
        %mul3A_230 = arith.muli %select_n3A_228, %mul3A_229 : i32
        %sub3A_231 = arith.subi %sub3A_204, %mul3A_230 : i32
        %rem3A_232 = arith.constant 2 : i32
        %rem3A_233 = arith.remsi %select_n3A_228, %rem3A_232 : i32
        %rem3A_234 = arith.constant 3 : i32
        %rem3A_235 = arith.remsi %sub3A_204, %rem3A_234 : i32
        %dma_wait3A_236 = arith.constant 0 : i32
        %dma_wait3A_237 = arith.constant 0 : i32
        %dma_wait3A_238 = tpu.memref_slice %arg9[%rem3A_235, %dma_wait3A_236, %dma_wait3A_237] : memref<3x128x64xf32, #tpu.memory_space<vmem>> -> memref<1x128x64xf32, #tpu.memory_space<vmem>>
        %dma_wait3A_239 = tpu.memref_squeeze %dma_wait3A_238 : memref<1x128x64xf32, #tpu.memory_space<vmem>> -> memref<128x64xf32, #tpu.memory_space<vmem>>
        %dma_wait3A_240 = arith.constant 0 : i32
        %dma_wait3A_241 = tpu.memref_slice %arg7[%rem3A_233, %sub3A_231, %dma_wait3A_240] : memref<2x8x128xi32, #tpu.memory_space<vmem>> -> memref<1x1x128xi32, #tpu.memory_space<vmem>>
        %dma_wait3A_242 = tpu.memref_squeeze %dma_wait3A_241 : memref<1x1x128xi32, #tpu.memory_space<vmem>> -> memref<128xi32, #tpu.memory_space<vmem>>
        %dma_wait3A_243 = arith.constant 0 : i32
        %dma_wait3A_244 = arith.constant 0 : i32
        %dma_wait3A_245 = tpu.memref_slice %arg6[%dma_wait3A_243, %dma_wait3A_244] : memref<10240x64xf32, #tpu.memory_space<vmem_shared>> -> memref<10240x64xf32, #tpu.memory_space<vmem_shared>>
        %dma_wait3A_246 = tpu.memref_slice %arg11[%rem3A_235] : memref<3x!tpu.dma_semaphore, #tpu.memory_space<semaphore_mem>> -> memref<1x!tpu.dma_semaphore, #tpu.memory_space<semaphore_mem>>
        %dma_wait3A_247 = tpu.memref_squeeze %dma_wait3A_246 : memref<1x!tpu.dma_semaphore, #tpu.memory_space<semaphore_mem>> -> memref<!tpu.dma_semaphore, #tpu.memory_space<semaphore_mem>>
        tpu.wait_indirect_dma semaphore(%dma_wait3A_247 : memref<!tpu.dma_semaphore, #tpu.memory_space<semaphore_mem>>) src(%dma_wait3A_245 : memref<10240x64xf32, #tpu.memory_space<vmem_shared>>) dst(%dma_wait3A_239 : memref<128x64xf32, #tpu.memory_space<vmem>>)
        %dma_start3A_248 = arith.constant 0 : i32
        %dma_start3A_249 = arith.constant 0 : i32
        %dma_start3A_250 = tpu.memref_slice %arg9[%rem3A_235, %dma_start3A_248, %dma_start3A_249] : memref<3x128x64xf32, #tpu.memory_space<vmem>> -> memref<1x128x64xf32, #tpu.memory_space<vmem>>
        %dma_start3A_251 = tpu.memref_squeeze %dma_start3A_250 : memref<1x128x64xf32, #tpu.memory_space<vmem>> -> memref<128x64xf32, #tpu.memory_space<vmem>>
        %dma_start3A_252 = arith.constant 0 : i32
        %dma_start3A_253 = tpu.memref_slice %arg8[%rem3A_233, %sub3A_231, %dma_start3A_252] : memref<2x8x128xi32, #tpu.memory_space<vmem>> -> memref<1x1x128xi32, #tpu.memory_space<vmem>>
        %dma_start3A_254 = tpu.memref_squeeze %dma_start3A_253 : memref<1x1x128xi32, #tpu.memory_space<vmem>> -> memref<128xi32, #tpu.memory_space<vmem>>
        %dma_start3A_255 = arith.constant 0 : i32
        %dma_start3A_256 = arith.constant 0 : i32
        %dma_start3A_257 = tpu.memref_slice %arg10[%dma_start3A_255, %dma_start3A_256] : memref<10240x64xf32, #tpu.memory_space<vmem_shared>> -> memref<10240x64xf32, #tpu.memory_space<vmem_shared>>
        %dma_start3A_258 = tpu.memref_slice %arg12[%rem3A_235] : memref<3x!tpu.dma_semaphore, #tpu.memory_space<semaphore_mem>> -> memref<1x!tpu.dma_semaphore, #tpu.memory_space<semaphore_mem>>
        %dma_start3A_259 = tpu.memref_squeeze %dma_start3A_258 : memref<1x!tpu.dma_semaphore, #tpu.memory_space<semaphore_mem>> -> memref<!tpu.dma_semaphore, #tpu.memory_space<semaphore_mem>>
        tpu.enqueue_indirect_dma source(%dma_start3A_251 : memref<128x64xf32, #tpu.memory_space<vmem>>) target(%dma_start3A_257 : memref<10240x64xf32, #tpu.memory_space<vmem_shared>>) offsets(%dma_start3A_254 : memref<128xi32, #tpu.memory_space<vmem>>) semaphore(%dma_start3A_259 : memref<!tpu.dma_semaphore, #tpu.memory_space<semaphore_mem>>) {add = true}
      } else {
      }
    }
    %scan3A_36 = arith.constant 80 : i32
    %dma_wait3A = arith.constant 1 : i32
    %dma_wait3A_37 = arith.constant 7 : i32
    %dma_wait3A_38 = arith.constant 1 : i32
    %dma_wait3A_39 = arith.constant 1 : i32
    %dma_wait3A_40 = arith.constant 0 : i32
    %dma_wait3A_41 = arith.constant 0 : i32
    %dma_wait3A_42 = tpu.memref_slice %arg9[%dma_wait3A_38, %dma_wait3A_40, %dma_wait3A_41] : memref<3x128x64xf32, #tpu.memory_space<vmem>> -> memref<1x128x64xf32, #tpu.memory_space<vmem>>
    %dma_wait3A_43 = tpu.memref_squeeze %dma_wait3A_42 : memref<1x128x64xf32, #tpu.memory_space<vmem>> -> memref<128x64xf32, #tpu.memory_space<vmem>>
    %dma_wait3A_44 = arith.constant 0 : i32
    %dma_wait3A_45 = tpu.memref_slice %arg7[%dma_wait3A, %dma_wait3A_37, %dma_wait3A_44] : memref<2x8x128xi32, #tpu.memory_space<vmem>> -> memref<1x1x128xi32, #tpu.memory_space<vmem>>
    %dma_wait3A_46 = tpu.memref_squeeze %dma_wait3A_45 : memref<1x1x128xi32, #tpu.memory_space<vmem>> -> memref<128xi32, #tpu.memory_space<vmem>>
    %dma_wait3A_47 = arith.constant 0 : i32
    %dma_wait3A_48 = arith.constant 0 : i32
    %dma_wait3A_49 = tpu.memref_slice %arg6[%dma_wait3A_47, %dma_wait3A_48] : memref<10240x64xf32, #tpu.memory_space<vmem_shared>> -> memref<10240x64xf32, #tpu.memory_space<vmem_shared>>
    %dma_wait3A_50 = tpu.memref_slice %arg11[%dma_wait3A_39] : memref<3x!tpu.dma_semaphore, #tpu.memory_space<semaphore_mem>> -> memref<1x!tpu.dma_semaphore, #tpu.memory_space<semaphore_mem>>
    %dma_wait3A_51 = tpu.memref_squeeze %dma_wait3A_50 : memref<1x!tpu.dma_semaphore, #tpu.memory_space<semaphore_mem>> -> memref<!tpu.dma_semaphore, #tpu.memory_space<semaphore_mem>>
    tpu.wait_indirect_dma semaphore(%dma_wait3A_51 : memref<!tpu.dma_semaphore, #tpu.memory_space<semaphore_mem>>) src(%dma_wait3A_49 : memref<10240x64xf32, #tpu.memory_space<vmem_shared>>) dst(%dma_wait3A_43 : memref<128x64xf32, #tpu.memory_space<vmem>>)
    %dma_start3A = arith.constant 1 : i32
    %dma_start3A_52 = arith.constant 1 : i32
    %dma_start3A_53 = arith.constant 7 : i32
    %dma_start3A_54 = arith.constant 1 : i32
    %dma_start3A_55 = arith.constant 0 : i32
    %dma_start3A_56 = arith.constant 0 : i32
    %dma_start3A_57 = tpu.memref_slice %arg9[%dma_start3A, %dma_start3A_55, %dma_start3A_56] : memref<3x128x64xf32, #tpu.memory_space<vmem>> -> memref<1x128x64xf32, #tpu.memory_space<vmem>>
    %dma_start3A_58 = tpu.memref_squeeze %dma_start3A_57 : memref<1x128x64xf32, #tpu.memory_space<vmem>> -> memref<128x64xf32, #tpu.memory_space<vmem>>
    %dma_start3A_59 = arith.constant 0 : i32
    %dma_start3A_60 = tpu.memref_slice %arg8[%dma_start3A_52, %dma_start3A_53, %dma_start3A_59] : memref<2x8x128xi32, #tpu.memory_space<vmem>> -> memref<1x1x128xi32, #tpu.memory_space<vmem>>
    %dma_start3A_61 = tpu.memref_squeeze %dma_start3A_60 : memref<1x1x128xi32, #tpu.memory_space<vmem>> -> memref<128xi32, #tpu.memory_space<vmem>>
    %dma_start3A_62 = arith.constant 0 : i32
    %dma_start3A_63 = arith.constant 0 : i32
    %dma_start3A_64 = tpu.memref_slice %arg10[%dma_start3A_62, %dma_start3A_63] : memref<10240x64xf32, #tpu.memory_space<vmem_shared>> -> memref<10240x64xf32, #tpu.memory_space<vmem_shared>>
    %dma_start3A_65 = tpu.memref_slice %arg12[%dma_start3A_54] : memref<3x!tpu.dma_semaphore, #tpu.memory_space<semaphore_mem>> -> memref<1x!tpu.dma_semaphore, #tpu.memory_space<semaphore_mem>>
    %dma_start3A_66 = tpu.memref_squeeze %dma_start3A_65 : memref<1x!tpu.dma_semaphore, #tpu.memory_space<semaphore_mem>> -> memref<!tpu.dma_semaphore, #tpu.memory_space<semaphore_mem>>
    tpu.enqueue_indirect_dma source(%dma_start3A_58 : memref<128x64xf32, #tpu.memory_space<vmem>>) target(%dma_start3A_64 : memref<10240x64xf32, #tpu.memory_space<vmem_shared>>) offsets(%dma_start3A_61 : memref<128xi32, #tpu.memory_space<vmem>>) semaphore(%dma_start3A_66 : memref<!tpu.dma_semaphore, #tpu.memory_space<semaphore_mem>>) {add = true}
    %dma_wait3A_67 = arith.constant 1 : i32
    %dma_wait3A_68 = arith.constant 1 : i32
    %dma_wait3A_69 = arith.constant 7 : i32
    %dma_wait3A_70 = arith.constant 1 : i32
    %dma_wait3A_71 = arith.constant 0 : i32
    %dma_wait3A_72 = arith.constant 0 : i32
    %dma_wait3A_73 = tpu.memref_slice %arg9[%dma_wait3A_67, %dma_wait3A_71, %dma_wait3A_72] : memref<3x128x64xf32, #tpu.memory_space<vmem>> -> memref<1x128x64xf32, #tpu.memory_space<vmem>>
    %dma_wait3A_74 = tpu.memref_squeeze %dma_wait3A_73 : memref<1x128x64xf32, #tpu.memory_space<vmem>> -> memref<128x64xf32, #tpu.memory_space<vmem>>
    %dma_wait3A_75 = arith.constant 0 : i32
    %dma_wait3A_76 = tpu.memref_slice %arg8[%dma_wait3A_68, %dma_wait3A_69, %dma_wait3A_75] : memref<2x8x128xi32, #tpu.memory_space<vmem>> -> memref<1x1x128xi32, #tpu.memory_space<vmem>>
    %dma_wait3A_77 = tpu.memref_squeeze %dma_wait3A_76 : memref<1x1x128xi32, #tpu.memory_space<vmem>> -> memref<128xi32, #tpu.memory_space<vmem>>
    %dma_wait3A_78 = arith.constant 0 : i32
    %dma_wait3A_79 = arith.constant 0 : i32
    %dma_wait3A_80 = tpu.memref_slice %arg10[%dma_wait3A_78, %dma_wait3A_79] : memref<10240x64xf32, #tpu.memory_space<vmem_shared>> -> memref<10240x64xf32, #tpu.memory_space<vmem_shared>>
    %dma_wait3A_81 = tpu.memref_slice %arg12[%dma_wait3A_70] : memref<3x!tpu.dma_semaphore, #tpu.memory_space<semaphore_mem>> -> memref<1x!tpu.dma_semaphore, #tpu.memory_space<semaphore_mem>>
    %dma_wait3A_82 = tpu.memref_squeeze %dma_wait3A_81 : memref<1x!tpu.dma_semaphore, #tpu.memory_space<semaphore_mem>> -> memref<!tpu.dma_semaphore, #tpu.memory_space<semaphore_mem>>
    tpu.wait_indirect_dma semaphore(%dma_wait3A_82 : memref<!tpu.dma_semaphore, #tpu.memory_space<semaphore_mem>>) src(%dma_wait3A_74 : memref<128x64xf32, #tpu.memory_space<vmem>>) dst(%dma_wait3A_80 : memref<10240x64xf32, #tpu.memory_space<vmem_shared>>)
    %dma_wait3A_83 = arith.constant 0 : i32
    %dma_wait3A_84 = arith.constant 1 : i32
    %dma_wait3A_85 = arith.constant 6 : i32
    %dma_wait3A_86 = arith.constant 0 : i32
    %dma_wait3A_87 = arith.constant 0 : i32
    %dma_wait3A_88 = arith.constant 0 : i32
    %dma_wait3A_89 = tpu.memref_slice %arg9[%dma_wait3A_83, %dma_wait3A_87, %dma_wait3A_88] : memref<3x128x64xf32, #tpu.memory_space<vmem>> -> memref<1x128x64xf32, #tpu.memory_space<vmem>>
    %dma_wait3A_90 = tpu.memref_squeeze %dma_wait3A_89 : memref<1x128x64xf32, #tpu.memory_space<vmem>> -> memref<128x64xf32, #tpu.memory_space<vmem>>
    %dma_wait3A_91 = arith.constant 0 : i32
    %dma_wait3A_92 = tpu.memref_slice %arg8[%dma_wait3A_84, %dma_wait3A_85, %dma_wait3A_91] : memref<2x8x128xi32, #tpu.memory_space<vmem>> -> memref<1x1x128xi32, #tpu.memory_space<vmem>>
    %dma_wait3A_93 = tpu.memref_squeeze %dma_wait3A_92 : memref<1x1x128xi32, #tpu.memory_space<vmem>> -> memref<128xi32, #tpu.memory_space<vmem>>
    %dma_wait3A_94 = arith.constant 0 : i32
    %dma_wait3A_95 = arith.constant 0 : i32
    %dma_wait3A_96 = tpu.memref_slice %arg10[%dma_wait3A_94, %dma_wait3A_95] : memref<10240x64xf32, #tpu.memory_space<vmem_shared>> -> memref<10240x64xf32, #tpu.memory_space<vmem_shared>>
    %dma_wait3A_97 = tpu.memref_slice %arg12[%dma_wait3A_86] : memref<3x!tpu.dma_semaphore, #tpu.memory_space<semaphore_mem>> -> memref<1x!tpu.dma_semaphore, #tpu.memory_space<semaphore_mem>>
    %dma_wait3A_98 = tpu.memref_squeeze %dma_wait3A_97 : memref<1x!tpu.dma_semaphore, #tpu.memory_space<semaphore_mem>> -> memref<!tpu.dma_semaphore, #tpu.memory_space<semaphore_mem>>
    tpu.wait_indirect_dma semaphore(%dma_wait3A_98 : memref<!tpu.dma_semaphore, #tpu.memory_space<semaphore_mem>>) src(%dma_wait3A_90 : memref<128x64xf32, #tpu.memory_space<vmem>>) dst(%dma_wait3A_96 : memref<10240x64xf32, #tpu.memory_space<vmem_shared>>)
    %dma_wait3A_99 = arith.constant 2 : i32
    %dma_wait3A_100 = arith.constant 1 : i32
    %dma_wait3A_101 = arith.constant 5 : i32
    %dma_wait3A_102 = arith.constant 2 : i32
    %dma_wait3A_103 = arith.constant 0 : i32
    %dma_wait3A_104 = arith.constant 0 : i32
    %dma_wait3A_105 = tpu.memref_slice %arg9[%dma_wait3A_99, %dma_wait3A_103, %dma_wait3A_104] : memref<3x128x64xf32, #tpu.memory_space<vmem>> -> memref<1x128x64xf32, #tpu.memory_space<vmem>>
    %dma_wait3A_106 = tpu.memref_squeeze %dma_wait3A_105 : memref<1x128x64xf32, #tpu.memory_space<vmem>> -> memref<128x64xf32, #tpu.memory_space<vmem>>
    %dma_wait3A_107 = arith.constant 0 : i32
    %dma_wait3A_108 = tpu.memref_slice %arg8[%dma_wait3A_100, %dma_wait3A_101, %dma_wait3A_107] : memref<2x8x128xi32, #tpu.memory_space<vmem>> -> memref<1x1x128xi32, #tpu.memory_space<vmem>>
    %dma_wait3A_109 = tpu.memref_squeeze %dma_wait3A_108 : memref<1x1x128xi32, #tpu.memory_space<vmem>> -> memref<128xi32, #tpu.memory_space<vmem>>
    %dma_wait3A_110 = arith.constant 0 : i32
    %dma_wait3A_111 = arith.constant 0 : i32
    %dma_wait3A_112 = tpu.memref_slice %arg10[%dma_wait3A_110, %dma_wait3A_111] : memref<10240x64xf32, #tpu.memory_space<vmem_shared>> -> memref<10240x64xf32, #tpu.memory_space<vmem_shared>>
    %dma_wait3A_113 = tpu.memref_slice %arg12[%dma_wait3A_102] : memref<3x!tpu.dma_semaphore, #tpu.memory_space<semaphore_mem>> -> memref<1x!tpu.dma_semaphore, #tpu.memory_space<semaphore_mem>>
    %dma_wait3A_114 = tpu.memref_squeeze %dma_wait3A_113 : memref<1x!tpu.dma_semaphore, #tpu.memory_space<semaphore_mem>> -> memref<!tpu.dma_semaphore, #tpu.memory_space<semaphore_mem>>
    tpu.wait_indirect_dma semaphore(%dma_wait3A_114 : memref<!tpu.dma_semaphore, #tpu.memory_space<semaphore_mem>>) src(%dma_wait3A_106 : memref<128x64xf32, #tpu.memory_space<vmem>>) dst(%dma_wait3A_112 : memref<10240x64xf32, #tpu.memory_space<vmem_shared>>)
    %barrier3A_115 = arith.constant 0 : index
    tpu.barrier barrier_id(%barrier3A_115)
    %mul3A_116 = arith.constant 640 : i32
    %mul3A_117 = arith.muli %arg1, %mul3A_116 : i32
    %add3A_118 = arith.constant 0 : i32
    %add3A_119 = arith.addi %mul3A_117, %add3A_118 : i32
    %mul3A_120 = arith.constant 640 : i32
    %mul3A_121 = arith.muli %arg1, %mul3A_120 : i32
    %add3A_122 = arith.constant 0 : i32
    %add3A_123 = arith.addi %mul3A_121, %add3A_122 : i32
    "tpu.region"() ({
      %run_scoped3A_156 = tpu.sem_alloc : memref<!tpu.dma_semaphore, #tpu.memory_space<semaphore_mem>>
      %dma_start3A_157 = arith.constant 0 : i32
      %dma_start3A_158 = tpu.memref_slice %arg5[%arg0, %add3A_123, %dma_start3A_157] : memref<2x10240x64xf32, #tpu.memory_space<hbm>> -> memref<1x128x64xf32, #tpu.memory_space<hbm>>
      %dma_start3A_159 = tpu.memref_squeeze %dma_start3A_158 : memref<1x128x64xf32, #tpu.memory_space<hbm>> -> memref<128x64xf32, #tpu.memory_space<hbm>>
      %dma_start3A_160 = arith.constant 0 : i32
      %dma_start3A_161 = tpu.memref_slice %arg10[%add3A_119, %dma_start3A_160] : memref<10240x64xf32, #tpu.memory_space<vmem_shared>> -> memref<128x64xf32, #tpu.memory_space<vmem_shared>>
      tpu.enqueue_dma source(%dma_start3A_161 : memref<128x64xf32, #tpu.memory_space<vmem_shared>>) target(%dma_start3A_159 : memref<128x64xf32, #tpu.memory_space<hbm>>) target_semaphore(%run_scoped3A_156 : memref<!tpu.dma_semaphore, #tpu.memory_space<semaphore_mem>>)
      %dma_wait3A_162 = arith.constant 0 : i32
      %dma_wait3A_163 = tpu.memref_slice %arg5[%arg0, %add3A_123, %dma_wait3A_162] : memref<2x10240x64xf32, #tpu.memory_space<hbm>> -> memref<1x128x64xf32, #tpu.memory_space<hbm>>
      %dma_wait3A_164 = tpu.memref_squeeze %dma_wait3A_163 : memref<1x128x64xf32, #tpu.memory_space<hbm>> -> memref<128x64xf32, #tpu.memory_space<hbm>>
      %dma_wait3A_165 = arith.constant 0 : i32
      %dma_wait3A_166 = tpu.memref_slice %arg10[%add3A_119, %dma_wait3A_165] : memref<10240x64xf32, #tpu.memory_space<vmem_shared>> -> memref<128x64xf32, #tpu.memory_space<vmem_shared>>
      tpu.wait_dma2 semaphore(%run_scoped3A_156 : memref<!tpu.dma_semaphore, #tpu.memory_space<semaphore_mem>>) src(%dma_wait3A_166 : memref<128x64xf32, #tpu.memory_space<vmem_shared>>) dst(%dma_wait3A_164 : memref<128x64xf32, #tpu.memory_space<hbm>>)
      tpu.yield
    }) : () -> ()
    %mul3A_124 = arith.constant 640 : i32
    %mul3A_125 = arith.muli %arg1, %mul3A_124 : i32
    %add3A_126 = arith.constant 128 : i32
    %add3A_127 = arith.addi %mul3A_125, %add3A_126 : i32
    %mul3A_128 = arith.constant 640 : i32
    %mul3A_129 = arith.muli %arg1, %mul3A_128 : i32
    %add3A_130 = arith.constant 128 : i32
    %add3A_131 = arith.addi %mul3A_129, %add3A_130 : i32
    "tpu.region"() ({
      %run_scoped3A_156 = tpu.sem_alloc : memref<!tpu.dma_semaphore, #tpu.memory_space<semaphore_mem>>
      %dma_start3A_157 = arith.constant 0 : i32
      %dma_start3A_158 = tpu.memref_slice %arg5[%arg0, %add3A_131, %dma_start3A_157] : memref<2x10240x64xf32, #tpu.memory_space<hbm>> -> memref<1x128x64xf32, #tpu.memory_space<hbm>>
      %dma_start3A_159 = tpu.memref_squeeze %dma_start3A_158 : memref<1x128x64xf32, #tpu.memory_space<hbm>> -> memref<128x64xf32, #tpu.memory_space<hbm>>
      %dma_start3A_160 = arith.constant 0 : i32
      %dma_start3A_161 = tpu.memref_slice %arg10[%add3A_127, %dma_start3A_160] : memref<10240x64xf32, #tpu.memory_space<vmem_shared>> -> memref<128x64xf32, #tpu.memory_space<vmem_shared>>
      tpu.enqueue_dma source(%dma_start3A_161 : memref<128x64xf32, #tpu.memory_space<vmem_shared>>) target(%dma_start3A_159 : memref<128x64xf32, #tpu.memory_space<hbm>>) target_semaphore(%run_scoped3A_156 : memref<!tpu.dma_semaphore, #tpu.memory_space<semaphore_mem>>)
      %dma_wait3A_162 = arith.constant 0 : i32
      %dma_wait3A_163 = tpu.memref_slice %arg5[%arg0, %add3A_131, %dma_wait3A_162] : memref<2x10240x64xf32, #tpu.memory_space<hbm>> -> memref<1x128x64xf32, #tpu.memory_space<hbm>>
      %dma_wait3A_164 = tpu.memref_squeeze %dma_wait3A_163 : memref<1x128x64xf32, #tpu.memory_space<hbm>> -> memref<128x64xf32, #tpu.memory_space<hbm>>
      %dma_wait3A_165 = arith.constant 0 : i32
      %dma_wait3A_166 = tpu.memref_slice %arg10[%add3A_127, %dma_wait3A_165] : memref<10240x64xf32, #tpu.memory_space<vmem_shared>> -> memref<128x64xf32, #tpu.memory_space<vmem_shared>>
      tpu.wait_dma2 semaphore(%run_scoped3A_156 : memref<!tpu.dma_semaphore, #tpu.memory_space<semaphore_mem>>) src(%dma_wait3A_166 : memref<128x64xf32, #tpu.memory_space<vmem_shared>>) dst(%dma_wait3A_164 : memref<128x64xf32, #tpu.memory_space<hbm>>)
      tpu.yield
    }) : () -> ()
    %mul3A_132 = arith.constant 640 : i32
    %mul3A_133 = arith.muli %arg1, %mul3A_132 : i32
    %add3A_134 = arith.constant 256 : i32
    %add3A_135 = arith.addi %mul3A_133, %add3A_134 : i32
    %mul3A_136 = arith.constant 640 : i32
    %mul3A_137 = arith.muli %arg1, %mul3A_136 : i32
    %add3A_138 = arith.constant 256 : i32
    %add3A_139 = arith.addi %mul3A_137, %add3A_138 : i32
    "tpu.region"() ({
      %run_scoped3A_156 = tpu.sem_alloc : memref<!tpu.dma_semaphore, #tpu.memory_space<semaphore_mem>>
      %dma_start3A_157 = arith.constant 0 : i32
      %dma_start3A_158 = tpu.memref_slice %arg5[%arg0, %add3A_139, %dma_start3A_157] : memref<2x10240x64xf32, #tpu.memory_space<hbm>> -> memref<1x128x64xf32, #tpu.memory_space<hbm>>
      %dma_start3A_159 = tpu.memref_squeeze %dma_start3A_158 : memref<1x128x64xf32, #tpu.memory_space<hbm>> -> memref<128x64xf32, #tpu.memory_space<hbm>>
      %dma_start3A_160 = arith.constant 0 : i32
      %dma_start3A_161 = tpu.memref_slice %arg10[%add3A_135, %dma_start3A_160] : memref<10240x64xf32, #tpu.memory_space<vmem_shared>> -> memref<128x64xf32, #tpu.memory_space<vmem_shared>>
      tpu.enqueue_dma source(%dma_start3A_161 : memref<128x64xf32, #tpu.memory_space<vmem_shared>>) target(%dma_start3A_159 : memref<128x64xf32, #tpu.memory_space<hbm>>) target_semaphore(%run_scoped3A_156 : memref<!tpu.dma_semaphore, #tpu.memory_space<semaphore_mem>>)
      %dma_wait3A_162 = arith.constant 0 : i32
      %dma_wait3A_163 = tpu.memref_slice %arg5[%arg0, %add3A_139, %dma_wait3A_162] : memref<2x10240x64xf32, #tpu.memory_space<hbm>> -> memref<1x128x64xf32, #tpu.memory_space<hbm>>
      %dma_wait3A_164 = tpu.memref_squeeze %dma_wait3A_163 : memref<1x128x64xf32, #tpu.memory_space<hbm>> -> memref<128x64xf32, #tpu.memory_space<hbm>>
      %dma_wait3A_165 = arith.constant 0 : i32
      %dma_wait3A_166 = tpu.memref_slice %arg10[%add3A_135, %dma_wait3A_165] : memref<10240x64xf32, #tpu.memory_space<vmem_shared>> -> memref<128x64xf32, #tpu.memory_space<vmem_shared>>
      tpu.wait_dma2 semaphore(%run_scoped3A_156 : memref<!tpu.dma_semaphore, #tpu.memory_space<semaphore_mem>>) src(%dma_wait3A_166 : memref<128x64xf32, #tpu.memory_space<vmem_shared>>) dst(%dma_wait3A_164 : memref<128x64xf32, #tpu.memory_space<hbm>>)
      tpu.yield
    }) : () -> ()
    %mul3A_140 = arith.constant 640 : i32
    %mul3A_141 = arith.muli %arg1, %mul3A_140 : i32
    %add3A_142 = arith.constant 384 : i32
    %add3A_143 = arith.addi %mul3A_141, %add3A_142 : i32
    %mul3A_144 = arith.constant 640 : i32
    %mul3A_145 = arith.muli %arg1, %mul3A_144 : i32
    %add3A_146 = arith.constant 384 : i32
    %add3A_147 = arith.addi %mul3A_145, %add3A_146 : i32
    "tpu.region"() ({
      %run_scoped3A_156 = tpu.sem_alloc : memref<!tpu.dma_semaphore, #tpu.memory_space<semaphore_mem>>
      %dma_start3A_157 = arith.constant 0 : i32
      %dma_start3A_158 = tpu.memref_slice %arg5[%arg0, %add3A_147, %dma_start3A_157] : memref<2x10240x64xf32, #tpu.memory_space<hbm>> -> memref<1x128x64xf32, #tpu.memory_space<hbm>>
      %dma_start3A_159 = tpu.memref_squeeze %dma_start3A_158 : memref<1x128x64xf32, #tpu.memory_space<hbm>> -> memref<128x64xf32, #tpu.memory_space<hbm>>
      %dma_start3A_160 = arith.constant 0 : i32
      %dma_start3A_161 = tpu.memref_slice %arg10[%add3A_143, %dma_start3A_160] : memref<10240x64xf32, #tpu.memory_space<vmem_shared>> -> memref<128x64xf32, #tpu.memory_space<vmem_shared>>
      tpu.enqueue_dma source(%dma_start3A_161 : memref<128x64xf32, #tpu.memory_space<vmem_shared>>) target(%dma_start3A_159 : memref<128x64xf32, #tpu.memory_space<hbm>>) target_semaphore(%run_scoped3A_156 : memref<!tpu.dma_semaphore, #tpu.memory_space<semaphore_mem>>)
      %dma_wait3A_162 = arith.constant 0 : i32
      %dma_wait3A_163 = tpu.memref_slice %arg5[%arg0, %add3A_147, %dma_wait3A_162] : memref<2x10240x64xf32, #tpu.memory_space<hbm>> -> memref<1x128x64xf32, #tpu.memory_space<hbm>>
      %dma_wait3A_164 = tpu.memref_squeeze %dma_wait3A_163 : memref<1x128x64xf32, #tpu.memory_space<hbm>> -> memref<128x64xf32, #tpu.memory_space<hbm>>
      %dma_wait3A_165 = arith.constant 0 : i32
      %dma_wait3A_166 = tpu.memref_slice %arg10[%add3A_143, %dma_wait3A_165] : memref<10240x64xf32, #tpu.memory_space<vmem_shared>> -> memref<128x64xf32, #tpu.memory_space<vmem_shared>>
      tpu.wait_dma2 semaphore(%run_scoped3A_156 : memref<!tpu.dma_semaphore, #tpu.memory_space<semaphore_mem>>) src(%dma_wait3A_166 : memref<128x64xf32, #tpu.memory_space<vmem_shared>>) dst(%dma_wait3A_164 : memref<128x64xf32, #tpu.memory_space<hbm>>)
      tpu.yield
    }) : () -> ()
    %mul3A_148 = arith.constant 640 : i32
    %mul3A_149 = arith.muli %arg1, %mul3A_148 : i32
    %add3A_150 = arith.constant 512 : i32
    %add3A_151 = arith.addi %mul3A_149, %add3A_150 : i32
    %mul3A_152 = arith.constant 640 : i32
    %mul3A_153 = arith.muli %arg1, %mul3A_152 : i32
    %add3A_154 = arith.constant 512 : i32
    %add3A_155 = arith.addi %mul3A_153, %add3A_154 : i32
    "tpu.region"() ({
      %run_scoped3A_156 = tpu.sem_alloc : memref<!tpu.dma_semaphore, #tpu.memory_space<semaphore_mem>>
      %dma_start3A_157 = arith.constant 0 : i32
      %dma_start3A_158 = tpu.memref_slice %arg5[%arg0, %add3A_155, %dma_start3A_157] : memref<2x10240x64xf32, #tpu.memory_space<hbm>> -> memref<1x128x64xf32, #tpu.memory_space<hbm>>
      %dma_start3A_159 = tpu.memref_squeeze %dma_start3A_158 : memref<1x128x64xf32, #tpu.memory_space<hbm>> -> memref<128x64xf32, #tpu.memory_space<hbm>>
      %dma_start3A_160 = arith.constant 0 : i32
      %dma_start3A_161 = tpu.memref_slice %arg10[%add3A_151, %dma_start3A_160] : memref<10240x64xf32, #tpu.memory_space<vmem_shared>> -> memref<128x64xf32, #tpu.memory_space<vmem_shared>>
      tpu.enqueue_dma source(%dma_start3A_161 : memref<128x64xf32, #tpu.memory_space<vmem_shared>>) target(%dma_start3A_159 : memref<128x64xf32, #tpu.memory_space<hbm>>) target_semaphore(%run_scoped3A_156 : memref<!tpu.dma_semaphore, #tpu.memory_space<semaphore_mem>>)
      %dma_wait3A_162 = arith.constant 0 : i32
      %dma_wait3A_163 = tpu.memref_slice %arg5[%arg0, %add3A_155, %dma_wait3A_162] : memref<2x10240x64xf32, #tpu.memory_space<hbm>> -> memref<1x128x64xf32, #tpu.memory_space<hbm>>
      %dma_wait3A_164 = tpu.memref_squeeze %dma_wait3A_163 : memref<1x128x64xf32, #tpu.memory_space<hbm>> -> memref<128x64xf32, #tpu.memory_space<hbm>>
      %dma_wait3A_165 = arith.constant 0 : i32
      %dma_wait3A_166 = tpu.memref_slice %arg10[%add3A_151, %dma_wait3A_165] : memref<10240x64xf32, #tpu.memory_space<vmem_shared>> -> memref<128x64xf32, #tpu.memory_space<vmem_shared>>
      tpu.wait_dma2 semaphore(%run_scoped3A_156 : memref<!tpu.dma_semaphore, #tpu.memory_space<semaphore_mem>>) src(%dma_wait3A_166 : memref<128x64xf32, #tpu.memory_space<vmem_shared>>) dst(%dma_wait3A_164 : memref<128x64xf32, #tpu.memory_space<hbm>>)
      tpu.yield
    }) : () -> ()
    return
  }
}

#map = affine_map<(d0, d1) -> (0, 0, 0, 0, 0)>
#map1 = affine_map<(d0, d1) -> (0, 0, 0)>
module attributes {stable_mosaic.version = 14 : i64} {
  func.func @_degree_body(%arg0: i32, %arg1: i32, %arg2: memref<2x16x10x8x128xi32, #tpu.memory_space<hbm>>, %arg3: memref<2x16x10x8x128xi32, #tpu.memory_space<hbm>>, %arg4: memref<2x2x10240xf32, #tpu.memory_space<hbm>>, %arg5: memref<8x128xi32, #tpu.memory_space<vmem>>, %arg6: memref<8x128xi32, #tpu.memory_space<vmem>>, %arg7: memref<128xf32, #tpu.memory_space<vmem>>, %arg8: memref<640xf32, #tpu.memory_space<vmem>>, %arg9: memref<10240xf32, #tpu.memory_space<vmem_shared>>, %arg10: memref<10240xf32, #tpu.memory_space<vmem_shared>>) attributes {dimension_semantics = [#tpu.dimension_semantics<core_parallel>, #tpu.dimension_semantics<subcore_parallel>], iteration_bounds = array<i64: 2, 16>, scalar_prefetch = 0 : i64, scratch_operands = 6 : i64, tpu.core_type = #tpu.core_type<sc_vector_subcore>, window_params = [{transform_indices = #map}, {transform_indices = #map}, {transform_indices = #map1}]} {
    %broadcast_in_dim3A = arith.constant 1.000000e+00 : f32
    %broadcast_in_dim3A_0 = vector.broadcast %broadcast_in_dim3A : f32 to vector<16xf32>
    %swap3A = arith.constant 0 : index
    %swap3A_1 = tpu.vector_load %arg7[%swap3A] {strides = array<i32>} : memref<128xf32, #tpu.memory_space<vmem>>, vector<16xf32>,
    %swap3A_2 = vector.shape_cast %swap3A_1 : vector<16xf32> to vector<16xf32>
    %swap3A_3 = vector.shape_cast %broadcast_in_dim3A_0 : vector<16xf32> to vector<16xf32>
    tpu.vector_store %arg7[%swap3A], %swap3A_3 {strides = array<i32>} : memref<128xf32, #tpu.memory_space<vmem>>, vector<16xf32>,
    %broadcast_in_dim3A_4 = arith.constant 1.000000e+00 : f32
    %broadcast_in_dim3A_5 = vector.broadcast %broadcast_in_dim3A_4 : f32 to vector<16xf32>
    %swap3A_6 = arith.constant 16 : index
    %swap3A_7 = tpu.vector_load %arg7[%swap3A_6] {strides = array<i32>} : memref<128xf32, #tpu.memory_space<vmem>>, vector<16xf32>,
    %swap3A_8 = vector.shape_cast %swap3A_7 : vector<16xf32> to vector<16xf32>
    %swap3A_9 = vector.shape_cast %broadcast_in_dim3A_5 : vector<16xf32> to vector<16xf32>
    tpu.vector_store %arg7[%swap3A_6], %swap3A_9 {strides = array<i32>} : memref<128xf32, #tpu.memory_space<vmem>>, vector<16xf32>,
    %broadcast_in_dim3A_10 = arith.constant 1.000000e+00 : f32
    %broadcast_in_dim3A_11 = vector.broadcast %broadcast_in_dim3A_10 : f32 to vector<16xf32>
    %swap3A_12 = arith.constant 32 : index
    %swap3A_13 = tpu.vector_load %arg7[%swap3A_12] {strides = array<i32>} : memref<128xf32, #tpu.memory_space<vmem>>, vector<16xf32>,
    %swap3A_14 = vector.shape_cast %swap3A_13 : vector<16xf32> to vector<16xf32>
    %swap3A_15 = vector.shape_cast %broadcast_in_dim3A_11 : vector<16xf32> to vector<16xf32>
    tpu.vector_store %arg7[%swap3A_12], %swap3A_15 {strides = array<i32>} : memref<128xf32, #tpu.memory_space<vmem>>, vector<16xf32>,
    %broadcast_in_dim3A_16 = arith.constant 1.000000e+00 : f32
    %broadcast_in_dim3A_17 = vector.broadcast %broadcast_in_dim3A_16 : f32 to vector<16xf32>
    %swap3A_18 = arith.constant 48 : index
    %swap3A_19 = tpu.vector_load %arg7[%swap3A_18] {strides = array<i32>} : memref<128xf32, #tpu.memory_space<vmem>>, vector<16xf32>,
    %swap3A_20 = vector.shape_cast %swap3A_19 : vector<16xf32> to vector<16xf32>
    %swap3A_21 = vector.shape_cast %broadcast_in_dim3A_17 : vector<16xf32> to vector<16xf32>
    tpu.vector_store %arg7[%swap3A_18], %swap3A_21 {strides = array<i32>} : memref<128xf32, #tpu.memory_space<vmem>>, vector<16xf32>,
    %broadcast_in_dim3A_22 = arith.constant 1.000000e+00 : f32
    %broadcast_in_dim3A_23 = vector.broadcast %broadcast_in_dim3A_22 : f32 to vector<16xf32>
    %swap3A_24 = arith.constant 64 : index
    %swap3A_25 = tpu.vector_load %arg7[%swap3A_24] {strides = array<i32>} : memref<128xf32, #tpu.memory_space<vmem>>, vector<16xf32>,
    %swap3A_26 = vector.shape_cast %swap3A_25 : vector<16xf32> to vector<16xf32>
    %swap3A_27 = vector.shape_cast %broadcast_in_dim3A_23 : vector<16xf32> to vector<16xf32>
    tpu.vector_store %arg7[%swap3A_24], %swap3A_27 {strides = array<i32>} : memref<128xf32, #tpu.memory_space<vmem>>, vector<16xf32>,
    %broadcast_in_dim3A_28 = arith.constant 1.000000e+00 : f32
    %broadcast_in_dim3A_29 = vector.broadcast %broadcast_in_dim3A_28 : f32 to vector<16xf32>
    %swap3A_30 = arith.constant 80 : index
    %swap3A_31 = tpu.vector_load %arg7[%swap3A_30] {strides = array<i32>} : memref<128xf32, #tpu.memory_space<vmem>>, vector<16xf32>,
    %swap3A_32 = vector.shape_cast %swap3A_31 : vector<16xf32> to vector<16xf32>
    %swap3A_33 = vector.shape_cast %broadcast_in_dim3A_29 : vector<16xf32> to vector<16xf32>
    tpu.vector_store %arg7[%swap3A_30], %swap3A_33 {strides = array<i32>} : memref<128xf32, #tpu.memory_space<vmem>>, vector<16xf32>,
    %broadcast_in_dim3A_34 = arith.constant 1.000000e+00 : f32
    %broadcast_in_dim3A_35 = vector.broadcast %broadcast_in_dim3A_34 : f32 to vector<16xf32>
    %swap3A_36 = arith.constant 96 : index
    %swap3A_37 = tpu.vector_load %arg7[%swap3A_36] {strides = array<i32>} : memref<128xf32, #tpu.memory_space<vmem>>, vector<16xf32>,
    %swap3A_38 = vector.shape_cast %swap3A_37 : vector<16xf32> to vector<16xf32>
    %swap3A_39 = vector.shape_cast %broadcast_in_dim3A_35 : vector<16xf32> to vector<16xf32>
    tpu.vector_store %arg7[%swap3A_36], %swap3A_39 {strides = array<i32>} : memref<128xf32, #tpu.memory_space<vmem>>, vector<16xf32>,
    %broadcast_in_dim3A_40 = arith.constant 1.000000e+00 : f32
    %broadcast_in_dim3A_41 = vector.broadcast %broadcast_in_dim3A_40 : f32 to vector<16xf32>
    %swap3A_42 = arith.constant 112 : index
    %swap3A_43 = tpu.vector_load %arg7[%swap3A_42] {strides = array<i32>} : memref<128xf32, #tpu.memory_space<vmem>>, vector<16xf32>,
    %swap3A_44 = vector.shape_cast %swap3A_43 : vector<16xf32> to vector<16xf32>
    %swap3A_45 = vector.shape_cast %broadcast_in_dim3A_41 : vector<16xf32> to vector<16xf32>
    tpu.vector_store %arg7[%swap3A_42], %swap3A_45 {strides = array<i32>} : memref<128xf32, #tpu.memory_space<vmem>>, vector<16xf32>,
    %broadcast_in_dim3A_46 = arith.constant 0.000000e+00 : f32
    %broadcast_in_dim3A_47 = vector.broadcast %broadcast_in_dim3A_46 : f32 to vector<16xf32>
    %swap3A_48 = arith.constant 0 : index
    %swap3A_49 = tpu.vector_load %arg8[%swap3A_48] {strides = array<i32>} : memref<640xf32, #tpu.memory_space<vmem>>, vector<16xf32>,
    %swap3A_50 = vector.shape_cast %swap3A_49 : vector<16xf32> to vector<16xf32>
    %swap3A_51 = vector.shape_cast %broadcast_in_dim3A_47 : vector<16xf32> to vector<16xf32>
    tpu.vector_store %arg8[%swap3A_48], %swap3A_51 {strides = array<i32>} : memref<640xf32, #tpu.memory_space<vmem>>, vector<16xf32>,
    %broadcast_in_dim3A_52 = arith.constant 0.000000e+00 : f32
    %broadcast_in_dim3A_53 = vector.broadcast %broadcast_in_dim3A_52 : f32 to vector<16xf32>
    %swap3A_54 = arith.constant 16 : index
    %swap3A_55 = tpu.vector_load %arg8[%swap3A_54] {strides = array<i32>} : memref<640xf32, #tpu.memory_space<vmem>>, vector<16xf32>,
    %swap3A_56 = vector.shape_cast %swap3A_55 : vector<16xf32> to vector<16xf32>
    %swap3A_57 = vector.shape_cast %broadcast_in_dim3A_53 : vector<16xf32> to vector<16xf32>
    tpu.vector_store %arg8[%swap3A_54], %swap3A_57 {strides = array<i32>} : memref<640xf32, #tpu.memory_space<vmem>>, vector<16xf32>,
    %broadcast_in_dim3A_58 = arith.constant 0.000000e+00 : f32
    %broadcast_in_dim3A_59 = vector.broadcast %broadcast_in_dim3A_58 : f32 to vector<16xf32>
    %swap3A_60 = arith.constant 32 : index
    %swap3A_61 = tpu.vector_load %arg8[%swap3A_60] {strides = array<i32>} : memref<640xf32, #tpu.memory_space<vmem>>, vector<16xf32>,
    %swap3A_62 = vector.shape_cast %swap3A_61 : vector<16xf32> to vector<16xf32>
    %swap3A_63 = vector.shape_cast %broadcast_in_dim3A_59 : vector<16xf32> to vector<16xf32>
    tpu.vector_store %arg8[%swap3A_60], %swap3A_63 {strides = array<i32>} : memref<640xf32, #tpu.memory_space<vmem>>, vector<16xf32>,
    %broadcast_in_dim3A_64 = arith.constant 0.000000e+00 : f32
    %broadcast_in_dim3A_65 = vector.broadcast %broadcast_in_dim3A_64 : f32 to vector<16xf32>
    %swap3A_66 = arith.constant 48 : index
    %swap3A_67 = tpu.vector_load %arg8[%swap3A_66] {strides = array<i32>} : memref<640xf32, #tpu.memory_space<vmem>>, vector<16xf32>,
    %swap3A_68 = vector.shape_cast %swap3A_67 : vector<16xf32> to vector<16xf32>
    %swap3A_69 = vector.shape_cast %broadcast_in_dim3A_65 : vector<16xf32> to vector<16xf32>
    tpu.vector_store %arg8[%swap3A_66], %swap3A_69 {strides = array<i32>} : memref<640xf32, #tpu.memory_space<vmem>>, vector<16xf32>,
    %broadcast_in_dim3A_70 = arith.constant 0.000000e+00 : f32
    %broadcast_in_dim3A_71 = vector.broadcast %broadcast_in_dim3A_70 : f32 to vector<16xf32>
    %swap3A_72 = arith.constant 64 : index
    %swap3A_73 = tpu.vector_load %arg8[%swap3A_72] {strides = array<i32>} : memref<640xf32, #tpu.memory_space<vmem>>, vector<16xf32>,
    %swap3A_74 = vector.shape_cast %swap3A_73 : vector<16xf32> to vector<16xf32>
    %swap3A_75 = vector.shape_cast %broadcast_in_dim3A_71 : vector<16xf32> to vector<16xf32>
    tpu.vector_store %arg8[%swap3A_72], %swap3A_75 {strides = array<i32>} : memref<640xf32, #tpu.memory_space<vmem>>, vector<16xf32>,
    %broadcast_in_dim3A_76 = arith.constant 0.000000e+00 : f32
    %broadcast_in_dim3A_77 = vector.broadcast %broadcast_in_dim3A_76 : f32 to vector<16xf32>
    %swap3A_78 = arith.constant 80 : index
    %swap3A_79 = tpu.vector_load %arg8[%swap3A_78] {strides = array<i32>} : memref<640xf32, #tpu.memory_space<vmem>>, vector<16xf32>,
    %swap3A_80 = vector.shape_cast %swap3A_79 : vector<16xf32> to vector<16xf32>
    %swap3A_81 = vector.shape_cast %broadcast_in_dim3A_77 : vector<16xf32> to vector<16xf32>
    tpu.vector_store %arg8[%swap3A_78], %swap3A_81 {strides = array<i32>} : memref<640xf32, #tpu.memory_space<vmem>>, vector<16xf32>,
    %broadcast_in_dim3A_82 = arith.constant 0.000000e+00 : f32
    %broadcast_in_dim3A_83 = vector.broadcast %broadcast_in_dim3A_82 : f32 to vector<16xf32>
    %swap3A_84 = arith.constant 96 : index
    %swap3A_85 = tpu.vector_load %arg8[%swap3A_84] {strides = array<i32>} : memref<640xf32, #tpu.memory_space<vmem>>, vector<16xf32>,
    %swap3A_86 = vector.shape_cast %swap3A_85 : vector<16xf32> to vector<16xf32>
    %swap3A_87 = vector.shape_cast %broadcast_in_dim3A_83 : vector<16xf32> to vector<16xf32>
    tpu.vector_store %arg8[%swap3A_84], %swap3A_87 {strides = array<i32>} : memref<640xf32, #tpu.memory_space<vmem>>, vector<16xf32>,
    %broadcast_in_dim3A_88 = arith.constant 0.000000e+00 : f32
    %broadcast_in_dim3A_89 = vector.broadcast %broadcast_in_dim3A_88 : f32 to vector<16xf32>
    %swap3A_90 = arith.constant 112 : index
    %swap3A_91 = tpu.vector_load %arg8[%swap3A_90] {strides = array<i32>} : memref<640xf32, #tpu.memory_space<vmem>>, vector<16xf32>,
    %swap3A_92 = vector.shape_cast %swap3A_91 : vector<16xf32> to vector<16xf32>
    %swap3A_93 = vector.shape_cast %broadcast_in_dim3A_89 : vector<16xf32> to vector<16xf32>
    tpu.vector_store %arg8[%swap3A_90], %swap3A_93 {strides = array<i32>} : memref<640xf32, #tpu.memory_space<vmem>>, vector<16xf32>,
    %broadcast_in_dim3A_94 = arith.constant 0.000000e+00 : f32
    %broadcast_in_dim3A_95 = vector.broadcast %broadcast_in_dim3A_94 : f32 to vector<16xf32>
    %swap3A_96 = arith.constant 128 : index
    %swap3A_97 = tpu.vector_load %arg8[%swap3A_96] {strides = array<i32>} : memref<640xf32, #tpu.memory_space<vmem>>, vector<16xf32>,
    %swap3A_98 = vector.shape_cast %swap3A_97 : vector<16xf32> to vector<16xf32>
    %swap3A_99 = vector.shape_cast %broadcast_in_dim3A_95 : vector<16xf32> to vector<16xf32>
    tpu.vector_store %arg8[%swap3A_96], %swap3A_99 {strides = array<i32>} : memref<640xf32, #tpu.memory_space<vmem>>, vector<16xf32>,
    %broadcast_in_dim3A_100 = arith.constant 0.000000e+00 : f32
    %broadcast_in_dim3A_101 = vector.broadcast %broadcast_in_dim3A_100 : f32 to vector<16xf32>
    %swap3A_102 = arith.constant 144 : index
    %swap3A_103 = tpu.vector_load %arg8[%swap3A_102] {strides = array<i32>} : memref<640xf32, #tpu.memory_space<vmem>>, vector<16xf32>,
    %swap3A_104 = vector.shape_cast %swap3A_103 : vector<16xf32> to vector<16xf32>
    %swap3A_105 = vector.shape_cast %broadcast_in_dim3A_101 : vector<16xf32> to vector<16xf32>
    tpu.vector_store %arg8[%swap3A_102], %swap3A_105 {strides = array<i32>} : memref<640xf32, #tpu.memory_space<vmem>>, vector<16xf32>,
    %broadcast_in_dim3A_106 = arith.constant 0.000000e+00 : f32
    %broadcast_in_dim3A_107 = vector.broadcast %broadcast_in_dim3A_106 : f32 to vector<16xf32>
    %swap3A_108 = arith.constant 160 : index
    %swap3A_109 = tpu.vector_load %arg8[%swap3A_108] {strides = array<i32>} : memref<640xf32, #tpu.memory_space<vmem>>, vector<16xf32>,
    %swap3A_110 = vector.shape_cast %swap3A_109 : vector<16xf32> to vector<16xf32>
    %swap3A_111 = vector.shape_cast %broadcast_in_dim3A_107 : vector<16xf32> to vector<16xf32>
    tpu.vector_store %arg8[%swap3A_108], %swap3A_111 {strides = array<i32>} : memref<640xf32, #tpu.memory_space<vmem>>, vector<16xf32>,
    %broadcast_in_dim3A_112 = arith.constant 0.000000e+00 : f32
    %broadcast_in_dim3A_113 = vector.broadcast %broadcast_in_dim3A_112 : f32 to vector<16xf32>
    %swap3A_114 = arith.constant 176 : index
    %swap3A_115 = tpu.vector_load %arg8[%swap3A_114] {strides = array<i32>} : memref<640xf32, #tpu.memory_space<vmem>>, vector<16xf32>,
    %swap3A_116 = vector.shape_cast %swap3A_115 : vector<16xf32> to vector<16xf32>
    %swap3A_117 = vector.shape_cast %broadcast_in_dim3A_113 : vector<16xf32> to vector<16xf32>
    tpu.vector_store %arg8[%swap3A_114], %swap3A_117 {strides = array<i32>} : memref<640xf32, #tpu.memory_space<vmem>>, vector<16xf32>,
    %broadcast_in_dim3A_118 = arith.constant 0.000000e+00 : f32
    %broadcast_in_dim3A_119 = vector.broadcast %broadcast_in_dim3A_118 : f32 to vector<16xf32>
    %swap3A_120 = arith.constant 192 : index
    %swap3A_121 = tpu.vector_load %arg8[%swap3A_120] {strides = array<i32>} : memref<640xf32, #tpu.memory_space<vmem>>, vector<16xf32>,
    %swap3A_122 = vector.shape_cast %swap3A_121 : vector<16xf32> to vector<16xf32>
    %swap3A_123 = vector.shape_cast %broadcast_in_dim3A_119 : vector<16xf32> to vector<16xf32>
    tpu.vector_store %arg8[%swap3A_120], %swap3A_123 {strides = array<i32>} : memref<640xf32, #tpu.memory_space<vmem>>, vector<16xf32>,
    %broadcast_in_dim3A_124 = arith.constant 0.000000e+00 : f32
    %broadcast_in_dim3A_125 = vector.broadcast %broadcast_in_dim3A_124 : f32 to vector<16xf32>
    %swap3A_126 = arith.constant 208 : index
    %swap3A_127 = tpu.vector_load %arg8[%swap3A_126] {strides = array<i32>} : memref<640xf32, #tpu.memory_space<vmem>>, vector<16xf32>,
    %swap3A_128 = vector.shape_cast %swap3A_127 : vector<16xf32> to vector<16xf32>
    %swap3A_129 = vector.shape_cast %broadcast_in_dim3A_125 : vector<16xf32> to vector<16xf32>
    tpu.vector_store %arg8[%swap3A_126], %swap3A_129 {strides = array<i32>} : memref<640xf32, #tpu.memory_space<vmem>>, vector<16xf32>,
    %broadcast_in_dim3A_130 = arith.constant 0.000000e+00 : f32
    %broadcast_in_dim3A_131 = vector.broadcast %broadcast_in_dim3A_130 : f32 to vector<16xf32>
    %swap3A_132 = arith.constant 224 : index
    %swap3A_133 = tpu.vector_load %arg8[%swap3A_132] {strides = array<i32>} : memref<640xf32, #tpu.memory_space<vmem>>, vector<16xf32>,
    %swap3A_134 = vector.shape_cast %swap3A_133 : vector<16xf32> to vector<16xf32>
    %swap3A_135 = vector.shape_cast %broadcast_in_dim3A_131 : vector<16xf32> to vector<16xf32>
    tpu.vector_store %arg8[%swap3A_132], %swap3A_135 {strides = array<i32>} : memref<640xf32, #tpu.memory_space<vmem>>, vector<16xf32>,
    %broadcast_in_dim3A_136 = arith.constant 0.000000e+00 : f32
    %broadcast_in_dim3A_137 = vector.broadcast %broadcast_in_dim3A_136 : f32 to vector<16xf32>
    %swap3A_138 = arith.constant 240 : index
    %swap3A_139 = tpu.vector_load %arg8[%swap3A_138] {strides = array<i32>} : memref<640xf32, #tpu.memory_space<vmem>>, vector<16xf32>,
    %swap3A_140 = vector.shape_cast %swap3A_139 : vector<16xf32> to vector<16xf32>
    %swap3A_141 = vector.shape_cast %broadcast_in_dim3A_137 : vector<16xf32> to vector<16xf32>
    tpu.vector_store %arg8[%swap3A_138], %swap3A_141 {strides = array<i32>} : memref<640xf32, #tpu.memory_space<vmem>>, vector<16xf32>,
    %broadcast_in_dim3A_142 = arith.constant 0.000000e+00 : f32
    %broadcast_in_dim3A_143 = vector.broadcast %broadcast_in_dim3A_142 : f32 to vector<16xf32>
    %swap3A_144 = arith.constant 256 : index
    %swap3A_145 = tpu.vector_load %arg8[%swap3A_144] {strides = array<i32>} : memref<640xf32, #tpu.memory_space<vmem>>, vector<16xf32>,
    %swap3A_146 = vector.shape_cast %swap3A_145 : vector<16xf32> to vector<16xf32>
    %swap3A_147 = vector.shape_cast %broadcast_in_dim3A_143 : vector<16xf32> to vector<16xf32>
    tpu.vector_store %arg8[%swap3A_144], %swap3A_147 {strides = array<i32>} : memref<640xf32, #tpu.memory_space<vmem>>, vector<16xf32>,
    %broadcast_in_dim3A_148 = arith.constant 0.000000e+00 : f32
    %broadcast_in_dim3A_149 = vector.broadcast %broadcast_in_dim3A_148 : f32 to vector<16xf32>
    %swap3A_150 = arith.constant 272 : index
    %swap3A_151 = tpu.vector_load %arg8[%swap3A_150] {strides = array<i32>} : memref<640xf32, #tpu.memory_space<vmem>>, vector<16xf32>,
    %swap3A_152 = vector.shape_cast %swap3A_151 : vector<16xf32> to vector<16xf32>
    %swap3A_153 = vector.shape_cast %broadcast_in_dim3A_149 : vector<16xf32> to vector<16xf32>
    tpu.vector_store %arg8[%swap3A_150], %swap3A_153 {strides = array<i32>} : memref<640xf32, #tpu.memory_space<vmem>>, vector<16xf32>,
    %broadcast_in_dim3A_154 = arith.constant 0.000000e+00 : f32
    %broadcast_in_dim3A_155 = vector.broadcast %broadcast_in_dim3A_154 : f32 to vector<16xf32>
    %swap3A_156 = arith.constant 288 : index
    %swap3A_157 = tpu.vector_load %arg8[%swap3A_156] {strides = array<i32>} : memref<640xf32, #tpu.memory_space<vmem>>, vector<16xf32>,
    %swap3A_158 = vector.shape_cast %swap3A_157 : vector<16xf32> to vector<16xf32>
    %swap3A_159 = vector.shape_cast %broadcast_in_dim3A_155 : vector<16xf32> to vector<16xf32>
    tpu.vector_store %arg8[%swap3A_156], %swap3A_159 {strides = array<i32>} : memref<640xf32, #tpu.memory_space<vmem>>, vector<16xf32>,
    %broadcast_in_dim3A_160 = arith.constant 0.000000e+00 : f32
    %broadcast_in_dim3A_161 = vector.broadcast %broadcast_in_dim3A_160 : f32 to vector<16xf32>
    %swap3A_162 = arith.constant 304 : index
    %swap3A_163 = tpu.vector_load %arg8[%swap3A_162] {strides = array<i32>} : memref<640xf32, #tpu.memory_space<vmem>>, vector<16xf32>,
    %swap3A_164 = vector.shape_cast %swap3A_163 : vector<16xf32> to vector<16xf32>
    %swap3A_165 = vector.shape_cast %broadcast_in_dim3A_161 : vector<16xf32> to vector<16xf32>
    tpu.vector_store %arg8[%swap3A_162], %swap3A_165 {strides = array<i32>} : memref<640xf32, #tpu.memory_space<vmem>>, vector<16xf32>,
    %broadcast_in_dim3A_166 = arith.constant 0.000000e+00 : f32
    %broadcast_in_dim3A_167 = vector.broadcast %broadcast_in_dim3A_166 : f32 to vector<16xf32>
    %swap3A_168 = arith.constant 320 : index
    %swap3A_169 = tpu.vector_load %arg8[%swap3A_168] {strides = array<i32>} : memref<640xf32, #tpu.memory_space<vmem>>, vector<16xf32>,
    %swap3A_170 = vector.shape_cast %swap3A_169 : vector<16xf32> to vector<16xf32>
    %swap3A_171 = vector.shape_cast %broadcast_in_dim3A_167 : vector<16xf32> to vector<16xf32>
    tpu.vector_store %arg8[%swap3A_168], %swap3A_171 {strides = array<i32>} : memref<640xf32, #tpu.memory_space<vmem>>, vector<16xf32>,
    %broadcast_in_dim3A_172 = arith.constant 0.000000e+00 : f32
    %broadcast_in_dim3A_173 = vector.broadcast %broadcast_in_dim3A_172 : f32 to vector<16xf32>
    %swap3A_174 = arith.constant 336 : index
    %swap3A_175 = tpu.vector_load %arg8[%swap3A_174] {strides = array<i32>} : memref<640xf32, #tpu.memory_space<vmem>>, vector<16xf32>,
    %swap3A_176 = vector.shape_cast %swap3A_175 : vector<16xf32> to vector<16xf32>
    %swap3A_177 = vector.shape_cast %broadcast_in_dim3A_173 : vector<16xf32> to vector<16xf32>
    tpu.vector_store %arg8[%swap3A_174], %swap3A_177 {strides = array<i32>} : memref<640xf32, #tpu.memory_space<vmem>>, vector<16xf32>,
    %broadcast_in_dim3A_178 = arith.constant 0.000000e+00 : f32
    %broadcast_in_dim3A_179 = vector.broadcast %broadcast_in_dim3A_178 : f32 to vector<16xf32>
    %swap3A_180 = arith.constant 352 : index
    %swap3A_181 = tpu.vector_load %arg8[%swap3A_180] {strides = array<i32>} : memref<640xf32, #tpu.memory_space<vmem>>, vector<16xf32>,
    %swap3A_182 = vector.shape_cast %swap3A_181 : vector<16xf32> to vector<16xf32>
    %swap3A_183 = vector.shape_cast %broadcast_in_dim3A_179 : vector<16xf32> to vector<16xf32>
    tpu.vector_store %arg8[%swap3A_180], %swap3A_183 {strides = array<i32>} : memref<640xf32, #tpu.memory_space<vmem>>, vector<16xf32>,
    %broadcast_in_dim3A_184 = arith.constant 0.000000e+00 : f32
    %broadcast_in_dim3A_185 = vector.broadcast %broadcast_in_dim3A_184 : f32 to vector<16xf32>
    %swap3A_186 = arith.constant 368 : index
    %swap3A_187 = tpu.vector_load %arg8[%swap3A_186] {strides = array<i32>} : memref<640xf32, #tpu.memory_space<vmem>>, vector<16xf32>,
    %swap3A_188 = vector.shape_cast %swap3A_187 : vector<16xf32> to vector<16xf32>
    %swap3A_189 = vector.shape_cast %broadcast_in_dim3A_185 : vector<16xf32> to vector<16xf32>
    tpu.vector_store %arg8[%swap3A_186], %swap3A_189 {strides = array<i32>} : memref<640xf32, #tpu.memory_space<vmem>>, vector<16xf32>,
    %broadcast_in_dim3A_190 = arith.constant 0.000000e+00 : f32
    %broadcast_in_dim3A_191 = vector.broadcast %broadcast_in_dim3A_190 : f32 to vector<16xf32>
    %swap3A_192 = arith.constant 384 : index
    %swap3A_193 = tpu.vector_load %arg8[%swap3A_192] {strides = array<i32>} : memref<640xf32, #tpu.memory_space<vmem>>, vector<16xf32>,
    %swap3A_194 = vector.shape_cast %swap3A_193 : vector<16xf32> to vector<16xf32>
    %swap3A_195 = vector.shape_cast %broadcast_in_dim3A_191 : vector<16xf32> to vector<16xf32>
    tpu.vector_store %arg8[%swap3A_192], %swap3A_195 {strides = array<i32>} : memref<640xf32, #tpu.memory_space<vmem>>, vector<16xf32>,
    %broadcast_in_dim3A_196 = arith.constant 0.000000e+00 : f32
    %broadcast_in_dim3A_197 = vector.broadcast %broadcast_in_dim3A_196 : f32 to vector<16xf32>
    %swap3A_198 = arith.constant 400 : index
    %swap3A_199 = tpu.vector_load %arg8[%swap3A_198] {strides = array<i32>} : memref<640xf32, #tpu.memory_space<vmem>>, vector<16xf32>,
    %swap3A_200 = vector.shape_cast %swap3A_199 : vector<16xf32> to vector<16xf32>
    %swap3A_201 = vector.shape_cast %broadcast_in_dim3A_197 : vector<16xf32> to vector<16xf32>
    tpu.vector_store %arg8[%swap3A_198], %swap3A_201 {strides = array<i32>} : memref<640xf32, #tpu.memory_space<vmem>>, vector<16xf32>,
    %broadcast_in_dim3A_202 = arith.constant 0.000000e+00 : f32
    %broadcast_in_dim3A_203 = vector.broadcast %broadcast_in_dim3A_202 : f32 to vector<16xf32>
    %swap3A_204 = arith.constant 416 : index
    %swap3A_205 = tpu.vector_load %arg8[%swap3A_204] {strides = array<i32>} : memref<640xf32, #tpu.memory_space<vmem>>, vector<16xf32>,
    %swap3A_206 = vector.shape_cast %swap3A_205 : vector<16xf32> to vector<16xf32>
    %swap3A_207 = vector.shape_cast %broadcast_in_dim3A_203 : vector<16xf32> to vector<16xf32>
    tpu.vector_store %arg8[%swap3A_204], %swap3A_207 {strides = array<i32>} : memref<640xf32, #tpu.memory_space<vmem>>, vector<16xf32>,
    %broadcast_in_dim3A_208 = arith.constant 0.000000e+00 : f32
    %broadcast_in_dim3A_209 = vector.broadcast %broadcast_in_dim3A_208 : f32 to vector<16xf32>
    %swap3A_210 = arith.constant 432 : index
    %swap3A_211 = tpu.vector_load %arg8[%swap3A_210] {strides = array<i32>} : memref<640xf32, #tpu.memory_space<vmem>>, vector<16xf32>,
    %swap3A_212 = vector.shape_cast %swap3A_211 : vector<16xf32> to vector<16xf32>
    %swap3A_213 = vector.shape_cast %broadcast_in_dim3A_209 : vector<16xf32> to vector<16xf32>
    tpu.vector_store %arg8[%swap3A_210], %swap3A_213 {strides = array<i32>} : memref<640xf32, #tpu.memory_space<vmem>>, vector<16xf32>,
    %broadcast_in_dim3A_214 = arith.constant 0.000000e+00 : f32
    %broadcast_in_dim3A_215 = vector.broadcast %broadcast_in_dim3A_214 : f32 to vector<16xf32>
    %swap3A_216 = arith.constant 448 : index
    %swap3A_217 = tpu.vector_load %arg8[%swap3A_216] {strides = array<i32>} : memref<640xf32, #tpu.memory_space<vmem>>, vector<16xf32>,
    %swap3A_218 = vector.shape_cast %swap3A_217 : vector<16xf32> to vector<16xf32>
    %swap3A_219 = vector.shape_cast %broadcast_in_dim3A_215 : vector<16xf32> to vector<16xf32>
    tpu.vector_store %arg8[%swap3A_216], %swap3A_219 {strides = array<i32>} : memref<640xf32, #tpu.memory_space<vmem>>, vector<16xf32>,
    %broadcast_in_dim3A_220 = arith.constant 0.000000e+00 : f32
    %broadcast_in_dim3A_221 = vector.broadcast %broadcast_in_dim3A_220 : f32 to vector<16xf32>
    %swap3A_222 = arith.constant 464 : index
    %swap3A_223 = tpu.vector_load %arg8[%swap3A_222] {strides = array<i32>} : memref<640xf32, #tpu.memory_space<vmem>>, vector<16xf32>,
    %swap3A_224 = vector.shape_cast %swap3A_223 : vector<16xf32> to vector<16xf32>
    %swap3A_225 = vector.shape_cast %broadcast_in_dim3A_221 : vector<16xf32> to vector<16xf32>
    tpu.vector_store %arg8[%swap3A_222], %swap3A_225 {strides = array<i32>} : memref<640xf32, #tpu.memory_space<vmem>>, vector<16xf32>,
    %broadcast_in_dim3A_226 = arith.constant 0.000000e+00 : f32
    %broadcast_in_dim3A_227 = vector.broadcast %broadcast_in_dim3A_226 : f32 to vector<16xf32>
    %swap3A_228 = arith.constant 480 : index
    %swap3A_229 = tpu.vector_load %arg8[%swap3A_228] {strides = array<i32>} : memref<640xf32, #tpu.memory_space<vmem>>, vector<16xf32>,
    %swap3A_230 = vector.shape_cast %swap3A_229 : vector<16xf32> to vector<16xf32>
    %swap3A_231 = vector.shape_cast %broadcast_in_dim3A_227 : vector<16xf32> to vector<16xf32>
    tpu.vector_store %arg8[%swap3A_228], %swap3A_231 {strides = array<i32>} : memref<640xf32, #tpu.memory_space<vmem>>, vector<16xf32>,
    %broadcast_in_dim3A_232 = arith.constant 0.000000e+00 : f32
    %broadcast_in_dim3A_233 = vector.broadcast %broadcast_in_dim3A_232 : f32 to vector<16xf32>
    %swap3A_234 = arith.constant 496 : index
    %swap3A_235 = tpu.vector_load %arg8[%swap3A_234] {strides = array<i32>} : memref<640xf32, #tpu.memory_space<vmem>>, vector<16xf32>,
    %swap3A_236 = vector.shape_cast %swap3A_235 : vector<16xf32> to vector<16xf32>
    %swap3A_237 = vector.shape_cast %broadcast_in_dim3A_233 : vector<16xf32> to vector<16xf32>
    tpu.vector_store %arg8[%swap3A_234], %swap3A_237 {strides = array<i32>} : memref<640xf32, #tpu.memory_space<vmem>>, vector<16xf32>,
    %broadcast_in_dim3A_238 = arith.constant 0.000000e+00 : f32
    %broadcast_in_dim3A_239 = vector.broadcast %broadcast_in_dim3A_238 : f32 to vector<16xf32>
    %swap3A_240 = arith.constant 512 : index
    %swap3A_241 = tpu.vector_load %arg8[%swap3A_240] {strides = array<i32>} : memref<640xf32, #tpu.memory_space<vmem>>, vector<16xf32>,
    %swap3A_242 = vector.shape_cast %swap3A_241 : vector<16xf32> to vector<16xf32>
    %swap3A_243 = vector.shape_cast %broadcast_in_dim3A_239 : vector<16xf32> to vector<16xf32>
    tpu.vector_store %arg8[%swap3A_240], %swap3A_243 {strides = array<i32>} : memref<640xf32, #tpu.memory_space<vmem>>, vector<16xf32>,
    %broadcast_in_dim3A_244 = arith.constant 0.000000e+00 : f32
    %broadcast_in_dim3A_245 = vector.broadcast %broadcast_in_dim3A_244 : f32 to vector<16xf32>
    %swap3A_246 = arith.constant 528 : index
    %swap3A_247 = tpu.vector_load %arg8[%swap3A_246] {strides = array<i32>} : memref<640xf32, #tpu.memory_space<vmem>>, vector<16xf32>,
    %swap3A_248 = vector.shape_cast %swap3A_247 : vector<16xf32> to vector<16xf32>
    %swap3A_249 = vector.shape_cast %broadcast_in_dim3A_245 : vector<16xf32> to vector<16xf32>
    tpu.vector_store %arg8[%swap3A_246], %swap3A_249 {strides = array<i32>} : memref<640xf32, #tpu.memory_space<vmem>>, vector<16xf32>,
    %broadcast_in_dim3A_250 = arith.constant 0.000000e+00 : f32
    %broadcast_in_dim3A_251 = vector.broadcast %broadcast_in_dim3A_250 : f32 to vector<16xf32>
    %swap3A_252 = arith.constant 544 : index
    %swap3A_253 = tpu.vector_load %arg8[%swap3A_252] {strides = array<i32>} : memref<640xf32, #tpu.memory_space<vmem>>, vector<16xf32>,
    %swap3A_254 = vector.shape_cast %swap3A_253 : vector<16xf32> to vector<16xf32>
    %swap3A_255 = vector.shape_cast %broadcast_in_dim3A_251 : vector<16xf32> to vector<16xf32>
    tpu.vector_store %arg8[%swap3A_252], %swap3A_255 {strides = array<i32>} : memref<640xf32, #tpu.memory_space<vmem>>, vector<16xf32>,
    %broadcast_in_dim3A_256 = arith.constant 0.000000e+00 : f32
    %broadcast_in_dim3A_257 = vector.broadcast %broadcast_in_dim3A_256 : f32 to vector<16xf32>
    %swap3A_258 = arith.constant 560 : index
    %swap3A_259 = tpu.vector_load %arg8[%swap3A_258] {strides = array<i32>} : memref<640xf32, #tpu.memory_space<vmem>>, vector<16xf32>,
    %swap3A_260 = vector.shape_cast %swap3A_259 : vector<16xf32> to vector<16xf32>
    %swap3A_261 = vector.shape_cast %broadcast_in_dim3A_257 : vector<16xf32> to vector<16xf32>
    tpu.vector_store %arg8[%swap3A_258], %swap3A_261 {strides = array<i32>} : memref<640xf32, #tpu.memory_space<vmem>>, vector<16xf32>,
    %broadcast_in_dim3A_262 = arith.constant 0.000000e+00 : f32
    %broadcast_in_dim3A_263 = vector.broadcast %broadcast_in_dim3A_262 : f32 to vector<16xf32>
    %swap3A_264 = arith.constant 576 : index
    %swap3A_265 = tpu.vector_load %arg8[%swap3A_264] {strides = array<i32>} : memref<640xf32, #tpu.memory_space<vmem>>, vector<16xf32>,
    %swap3A_266 = vector.shape_cast %swap3A_265 : vector<16xf32> to vector<16xf32>
    %swap3A_267 = vector.shape_cast %broadcast_in_dim3A_263 : vector<16xf32> to vector<16xf32>
    tpu.vector_store %arg8[%swap3A_264], %swap3A_267 {strides = array<i32>} : memref<640xf32, #tpu.memory_space<vmem>>, vector<16xf32>,
    %broadcast_in_dim3A_268 = arith.constant 0.000000e+00 : f32
    %broadcast_in_dim3A_269 = vector.broadcast %broadcast_in_dim3A_268 : f32 to vector<16xf32>
    %swap3A_270 = arith.constant 592 : index
    %swap3A_271 = tpu.vector_load %arg8[%swap3A_270] {strides = array<i32>} : memref<640xf32, #tpu.memory_space<vmem>>, vector<16xf32>,
    %swap3A_272 = vector.shape_cast %swap3A_271 : vector<16xf32> to vector<16xf32>
    %swap3A_273 = vector.shape_cast %broadcast_in_dim3A_269 : vector<16xf32> to vector<16xf32>
    tpu.vector_store %arg8[%swap3A_270], %swap3A_273 {strides = array<i32>} : memref<640xf32, #tpu.memory_space<vmem>>, vector<16xf32>,
    %broadcast_in_dim3A_274 = arith.constant 0.000000e+00 : f32
    %broadcast_in_dim3A_275 = vector.broadcast %broadcast_in_dim3A_274 : f32 to vector<16xf32>
    %swap3A_276 = arith.constant 608 : index
    %swap3A_277 = tpu.vector_load %arg8[%swap3A_276] {strides = array<i32>} : memref<640xf32, #tpu.memory_space<vmem>>, vector<16xf32>,
    %swap3A_278 = vector.shape_cast %swap3A_277 : vector<16xf32> to vector<16xf32>
    %swap3A_279 = vector.shape_cast %broadcast_in_dim3A_275 : vector<16xf32> to vector<16xf32>
    tpu.vector_store %arg8[%swap3A_276], %swap3A_279 {strides = array<i32>} : memref<640xf32, #tpu.memory_space<vmem>>, vector<16xf32>,
    %broadcast_in_dim3A_280 = arith.constant 0.000000e+00 : f32
    %broadcast_in_dim3A_281 = vector.broadcast %broadcast_in_dim3A_280 : f32 to vector<16xf32>
    %swap3A_282 = arith.constant 624 : index
    %swap3A_283 = tpu.vector_load %arg8[%swap3A_282] {strides = array<i32>} : memref<640xf32, #tpu.memory_space<vmem>>, vector<16xf32>,
    %swap3A_284 = vector.shape_cast %swap3A_283 : vector<16xf32> to vector<16xf32>
    %swap3A_285 = vector.shape_cast %broadcast_in_dim3A_281 : vector<16xf32> to vector<16xf32>
    tpu.vector_store %arg8[%swap3A_282], %swap3A_285 {strides = array<i32>} : memref<640xf32, #tpu.memory_space<vmem>>, vector<16xf32>,
    %mul3A = arith.constant 640 : i32
    %mul3A_286 = arith.muli %arg1, %mul3A : i32
    "tpu.region"() ({
      %run_scoped3A_304 = tpu.sem_alloc : memref<!tpu.dma_semaphore, #tpu.memory_space<semaphore_mem>>
      %dma_start3A = tpu.memref_slice %arg9[%mul3A_286] : memref<10240xf32, #tpu.memory_space<vmem_shared>> -> memref<640xf32, #tpu.memory_space<vmem_shared>>
      %dma_start3A_305 = tpu.memref_slice %arg9[%mul3A_286] : memref<10240xf32, #tpu.memory_space<vmem_shared>> -> memref<640xf32, #tpu.memory_space<vmem_shared>>
      tpu.enqueue_dma source(%arg8 : memref<640xf32, #tpu.memory_space<vmem>>) target(%dma_start3A_305 : memref<640xf32, #tpu.memory_space<vmem_shared>>) target_semaphore(%run_scoped3A_304 : memref<!tpu.dma_semaphore, #tpu.memory_space<semaphore_mem>>)
      %dma_wait3A = tpu.memref_slice %arg9[%mul3A_286] : memref<10240xf32, #tpu.memory_space<vmem_shared>> -> memref<640xf32, #tpu.memory_space<vmem_shared>>
      %dma_wait3A_306 = tpu.memref_slice %arg9[%mul3A_286] : memref<10240xf32, #tpu.memory_space<vmem_shared>> -> memref<640xf32, #tpu.memory_space<vmem_shared>>
      tpu.wait_dma2 semaphore(%run_scoped3A_304 : memref<!tpu.dma_semaphore, #tpu.memory_space<semaphore_mem>>) src(%arg8 : memref<640xf32, #tpu.memory_space<vmem>>) dst(%dma_wait3A_306 : memref<640xf32, #tpu.memory_space<vmem_shared>>)
      tpu.yield
    }) : () -> ()
    %mul3A_287 = arith.constant 640 : i32
    %mul3A_288 = arith.muli %arg1, %mul3A_287 : i32
    "tpu.region"() ({
      %run_scoped3A_304 = tpu.sem_alloc : memref<!tpu.dma_semaphore, #tpu.memory_space<semaphore_mem>>
      %dma_start3A = tpu.memref_slice %arg10[%mul3A_288] : memref<10240xf32, #tpu.memory_space<vmem_shared>> -> memref<640xf32, #tpu.memory_space<vmem_shared>>
      %dma_start3A_305 = tpu.memref_slice %arg10[%mul3A_288] : memref<10240xf32, #tpu.memory_space<vmem_shared>> -> memref<640xf32, #tpu.memory_space<vmem_shared>>
      tpu.enqueue_dma source(%arg8 : memref<640xf32, #tpu.memory_space<vmem>>) target(%dma_start3A_305 : memref<640xf32, #tpu.memory_space<vmem_shared>>) target_semaphore(%run_scoped3A_304 : memref<!tpu.dma_semaphore, #tpu.memory_space<semaphore_mem>>)
      %dma_wait3A = tpu.memref_slice %arg10[%mul3A_288] : memref<10240xf32, #tpu.memory_space<vmem_shared>> -> memref<640xf32, #tpu.memory_space<vmem_shared>>
      %dma_wait3A_306 = tpu.memref_slice %arg10[%mul3A_288] : memref<10240xf32, #tpu.memory_space<vmem_shared>> -> memref<640xf32, #tpu.memory_space<vmem_shared>>
      tpu.wait_dma2 semaphore(%run_scoped3A_304 : memref<!tpu.dma_semaphore, #tpu.memory_space<semaphore_mem>>) src(%arg8 : memref<640xf32, #tpu.memory_space<vmem>>) dst(%dma_wait3A_306 : memref<640xf32, #tpu.memory_space<vmem_shared>>)
      tpu.yield
    }) : () -> ()
    %barrier3A = arith.constant 0 : index
    tpu.barrier barrier_id(%barrier3A)
    %scan3A = arith.constant 0 : i32
    %scan3A_289 = arith.constant 0 : i32
    %scan3A_290 = arith.constant 10 : i32
    %scan3A_291 = arith.addi %scan3A_289, %scan3A_290 : i32
    %scan3A_292 = arith.constant 1 : i32
    scf.for %scan3A_304 = %scan3A_289 to %scan3A_291 step %scan3A_292  : i32 {
      "tpu.region"() ({
        %run_scoped3A_310 = tpu.sem_alloc : memref<!tpu.dma_semaphore, #tpu.memory_space<semaphore_mem>>
        %dma_start3A = arith.constant 0 : i32
        %dma_start3A_311 = arith.constant 0 : i32
        %dma_start3A_312 = tpu.memref_slice %arg2[%arg0, %arg1, %scan3A_304, %dma_start3A, %dma_start3A_311] : memref<2x16x10x8x128xi32, #tpu.memory_space<hbm>> -> memref<1x1x1x8x128xi32, #tpu.memory_space<hbm>>
        %dma_start3A_313 = tpu.memref_squeeze %dma_start3A_312 : memref<1x1x1x8x128xi32, #tpu.memory_space<hbm>> -> memref<8x128xi32, #tpu.memory_space<hbm>>
        %dma_start3A_314 = arith.constant 0 : i32
        %dma_start3A_315 = arith.constant 0 : i32
        %dma_start3A_316 = tpu.memref_slice %arg2[%arg0, %arg1, %scan3A_304, %dma_start3A_314, %dma_start3A_315] : memref<2x16x10x8x128xi32, #tpu.memory_space<hbm>> -> memref<1x1x1x8x128xi32, #tpu.memory_space<hbm>>
        %dma_start3A_317 = tpu.memref_squeeze %dma_start3A_316 : memref<1x1x1x8x128xi32, #tpu.memory_space<hbm>> -> memref<8x128xi32, #tpu.memory_space<hbm>>
        tpu.enqueue_dma source(%dma_start3A_317 : memref<8x128xi32, #tpu.memory_space<hbm>>) target(%arg5 : memref<8x128xi32, #tpu.memory_space<vmem>>) target_semaphore(%run_scoped3A_310 : memref<!tpu.dma_semaphore, #tpu.memory_space<semaphore_mem>>)
        %dma_wait3A = arith.constant 0 : i32
        %dma_wait3A_318 = arith.constant 0 : i32
        %dma_wait3A_319 = tpu.memref_slice %arg2[%arg0, %arg1, %scan3A_304, %dma_wait3A, %dma_wait3A_318] : memref<2x16x10x8x128xi32, #tpu.memory_space<hbm>> -> memref<1x1x1x8x128xi32, #tpu.memory_space<hbm>>
        %dma_wait3A_320 = tpu.memref_squeeze %dma_wait3A_319 : memref<1x1x1x8x128xi32, #tpu.memory_space<hbm>> -> memref<8x128xi32, #tpu.memory_space<hbm>>
        %dma_wait3A_321 = arith.constant 0 : i32
        %dma_wait3A_322 = arith.constant 0 : i32
        %dma_wait3A_323 = tpu.memref_slice %arg2[%arg0, %arg1, %scan3A_304, %dma_wait3A_321, %dma_wait3A_322] : memref<2x16x10x8x128xi32, #tpu.memory_space<hbm>> -> memref<1x1x1x8x128xi32, #tpu.memory_space<hbm>>
        %dma_wait3A_324 = tpu.memref_squeeze %dma_wait3A_323 : memref<1x1x1x8x128xi32, #tpu.memory_space<hbm>> -> memref<8x128xi32, #tpu.memory_space<hbm>>
        tpu.wait_dma2 semaphore(%run_scoped3A_310 : memref<!tpu.dma_semaphore, #tpu.memory_space<semaphore_mem>>) src(%dma_wait3A_324 : memref<8x128xi32, #tpu.memory_space<hbm>>) dst(%arg5 : memref<8x128xi32, #tpu.memory_space<vmem>>)
        tpu.yield
      }) : () -> ()
      "tpu.region"() ({
        %run_scoped3A_310 = tpu.sem_alloc : memref<!tpu.dma_semaphore, #tpu.memory_space<semaphore_mem>>
        %dma_start3A = arith.constant 0 : i32
        %dma_start3A_311 = arith.constant 0 : i32
        %dma_start3A_312 = tpu.memref_slice %arg3[%arg0, %arg1, %scan3A_304, %dma_start3A, %dma_start3A_311] : memref<2x16x10x8x128xi32, #tpu.memory_space<hbm>> -> memref<1x1x1x8x128xi32, #tpu.memory_space<hbm>>
        %dma_start3A_313 = tpu.memref_squeeze %dma_start3A_312 : memref<1x1x1x8x128xi32, #tpu.memory_space<hbm>> -> memref<8x128xi32, #tpu.memory_space<hbm>>
        %dma_start3A_314 = arith.constant 0 : i32
        %dma_start3A_315 = arith.constant 0 : i32
        %dma_start3A_316 = tpu.memref_slice %arg3[%arg0, %arg1, %scan3A_304, %dma_start3A_314, %dma_start3A_315] : memref<2x16x10x8x128xi32, #tpu.memory_space<hbm>> -> memref<1x1x1x8x128xi32, #tpu.memory_space<hbm>>
        %dma_start3A_317 = tpu.memref_squeeze %dma_start3A_316 : memref<1x1x1x8x128xi32, #tpu.memory_space<hbm>> -> memref<8x128xi32, #tpu.memory_space<hbm>>
        tpu.enqueue_dma source(%dma_start3A_317 : memref<8x128xi32, #tpu.memory_space<hbm>>) target(%arg6 : memref<8x128xi32, #tpu.memory_space<vmem>>) target_semaphore(%run_scoped3A_310 : memref<!tpu.dma_semaphore, #tpu.memory_space<semaphore_mem>>)
        %dma_wait3A = arith.constant 0 : i32
        %dma_wait3A_318 = arith.constant 0 : i32
        %dma_wait3A_319 = tpu.memref_slice %arg3[%arg0, %arg1, %scan3A_304, %dma_wait3A, %dma_wait3A_318] : memref<2x16x10x8x128xi32, #tpu.memory_space<hbm>> -> memref<1x1x1x8x128xi32, #tpu.memory_space<hbm>>
        %dma_wait3A_320 = tpu.memref_squeeze %dma_wait3A_319 : memref<1x1x1x8x128xi32, #tpu.memory_space<hbm>> -> memref<8x128xi32, #tpu.memory_space<hbm>>
        %dma_wait3A_321 = arith.constant 0 : i32
        %dma_wait3A_322 = arith.constant 0 : i32
        %dma_wait3A_323 = tpu.memref_slice %arg3[%arg0, %arg1, %scan3A_304, %dma_wait3A_321, %dma_wait3A_322] : memref<2x16x10x8x128xi32, #tpu.memory_space<hbm>> -> memref<1x1x1x8x128xi32, #tpu.memory_space<hbm>>
        %dma_wait3A_324 = tpu.memref_squeeze %dma_wait3A_323 : memref<1x1x1x8x128xi32, #tpu.memory_space<hbm>> -> memref<8x128xi32, #tpu.memory_space<hbm>>
        tpu.wait_dma2 semaphore(%run_scoped3A_310 : memref<!tpu.dma_semaphore, #tpu.memory_space<semaphore_mem>>) src(%dma_wait3A_324 : memref<8x128xi32, #tpu.memory_space<hbm>>) dst(%arg6 : memref<8x128xi32, #tpu.memory_space<vmem>>)
        tpu.yield
      }) : () -> ()
      %scan3A_305 = arith.constant 0 : i32
      %scan3A_306 = arith.constant 8 : i32
      %scan3A_307 = arith.addi %scan3A_305, %scan3A_306 : i32
      %scan3A_308 = arith.constant 1 : i32
      scf.for %scan3A_310 = %scan3A_305 to %scan3A_307 step %scan3A_308  : i32 {
        "tpu.region"() ({
          %run_scoped3A_311 = tpu.sem_alloc : memref<!tpu.dma_semaphore, #tpu.memory_space<semaphore_mem>>
          %dma_start3A = arith.constant 0 : i32
          %dma_start3A_312 = tpu.memref_slice %arg5[%scan3A_310, %dma_start3A] : memref<8x128xi32, #tpu.memory_space<vmem>> -> memref<1x128xi32, #tpu.memory_space<vmem>>
          %dma_start3A_313 = tpu.memref_squeeze %dma_start3A_312 : memref<1x128xi32, #tpu.memory_space<vmem>> -> memref<128xi32, #tpu.memory_space<vmem>>
          %dma_start3A_314 = arith.constant 0 : i32
          %dma_start3A_315 = tpu.memref_slice %arg9[%dma_start3A_314] : memref<10240xf32, #tpu.memory_space<vmem_shared>> -> memref<10240xf32, #tpu.memory_space<vmem_shared>>
          tpu.enqueue_indirect_dma source(%arg7 : memref<128xf32, #tpu.memory_space<vmem>>) target(%dma_start3A_315 : memref<10240xf32, #tpu.memory_space<vmem_shared>>) offsets(%dma_start3A_313 : memref<128xi32, #tpu.memory_space<vmem>>) semaphore(%run_scoped3A_311 : memref<!tpu.dma_semaphore, #tpu.memory_space<semaphore_mem>>) {add = true}
          %dma_wait3A = arith.constant 0 : i32
          %dma_wait3A_316 = tpu.memref_slice %arg5[%scan3A_310, %dma_wait3A] : memref<8x128xi32, #tpu.memory_space<vmem>> -> memref<1x128xi32, #tpu.memory_space<vmem>>
          %dma_wait3A_317 = tpu.memref_squeeze %dma_wait3A_316 : memref<1x128xi32, #tpu.memory_space<vmem>> -> memref<128xi32, #tpu.memory_space<vmem>>
          %dma_wait3A_318 = arith.constant 0 : i32
          %dma_wait3A_319 = tpu.memref_slice %arg9[%dma_wait3A_318] : memref<10240xf32, #tpu.memory_space<vmem_shared>> -> memref<10240xf32, #tpu.memory_space<vmem_shared>>
          tpu.wait_indirect_dma semaphore(%run_scoped3A_311 : memref<!tpu.dma_semaphore, #tpu.memory_space<semaphore_mem>>) src(%arg7 : memref<128xf32, #tpu.memory_space<vmem>>) dst(%dma_wait3A_319 : memref<10240xf32, #tpu.memory_space<vmem_shared>>)
          tpu.yield
        }) : () -> ()
        "tpu.region"() ({
          %run_scoped3A_311 = tpu.sem_alloc : memref<!tpu.dma_semaphore, #tpu.memory_space<semaphore_mem>>
          %dma_start3A = arith.constant 0 : i32
          %dma_start3A_312 = tpu.memref_slice %arg6[%scan3A_310, %dma_start3A] : memref<8x128xi32, #tpu.memory_space<vmem>> -> memref<1x128xi32, #tpu.memory_space<vmem>>
          %dma_start3A_313 = tpu.memref_squeeze %dma_start3A_312 : memref<1x128xi32, #tpu.memory_space<vmem>> -> memref<128xi32, #tpu.memory_space<vmem>>
          %dma_start3A_314 = arith.constant 0 : i32
          %dma_start3A_315 = tpu.memref_slice %arg10[%dma_start3A_314] : memref<10240xf32, #tpu.memory_space<vmem_shared>> -> memref<10240xf32, #tpu.memory_space<vmem_shared>>
          tpu.enqueue_indirect_dma source(%arg7 : memref<128xf32, #tpu.memory_space<vmem>>) target(%dma_start3A_315 : memref<10240xf32, #tpu.memory_space<vmem_shared>>) offsets(%dma_start3A_313 : memref<128xi32, #tpu.memory_space<vmem>>) semaphore(%run_scoped3A_311 : memref<!tpu.dma_semaphore, #tpu.memory_space<semaphore_mem>>) {add = true}
          %dma_wait3A = arith.constant 0 : i32
          %dma_wait3A_316 = tpu.memref_slice %arg6[%scan3A_310, %dma_wait3A] : memref<8x128xi32, #tpu.memory_space<vmem>> -> memref<1x128xi32, #tpu.memory_space<vmem>>
          %dma_wait3A_317 = tpu.memref_squeeze %dma_wait3A_316 : memref<1x128xi32, #tpu.memory_space<vmem>> -> memref<128xi32, #tpu.memory_space<vmem>>
          %dma_wait3A_318 = arith.constant 0 : i32
          %dma_wait3A_319 = tpu.memref_slice %arg10[%dma_wait3A_318] : memref<10240xf32, #tpu.memory_space<vmem_shared>> -> memref<10240xf32, #tpu.memory_space<vmem_shared>>
          tpu.wait_indirect_dma semaphore(%run_scoped3A_311 : memref<!tpu.dma_semaphore, #tpu.memory_space<semaphore_mem>>) src(%arg7 : memref<128xf32, #tpu.memory_space<vmem>>) dst(%dma_wait3A_319 : memref<10240xf32, #tpu.memory_space<vmem_shared>>)
          tpu.yield
        }) : () -> ()
      }
      %scan3A_309 = arith.constant 8 : i32
    }
    %scan3A_293 = arith.constant 10 : i32
    %barrier3A_294 = arith.constant 0 : index
    tpu.barrier barrier_id(%barrier3A_294)
    %mul3A_295 = arith.constant 640 : i32
    %mul3A_296 = arith.muli %arg1, %mul3A_295 : i32
    %mul3A_297 = arith.constant 640 : i32
    %mul3A_298 = arith.muli %arg1, %mul3A_297 : i32
    %run_scoped3A = arith.constant 0 : i32
    "tpu.region"() ({
      %run_scoped3A_304 = tpu.sem_alloc : memref<!tpu.dma_semaphore, #tpu.memory_space<semaphore_mem>>
      %dma_start3A = tpu.memref_slice %arg4[%arg0, %run_scoped3A, %mul3A_298] : memref<2x2x10240xf32, #tpu.memory_space<hbm>> -> memref<1x1x640xf32, #tpu.memory_space<hbm>>
      %dma_start3A_305 = tpu.memref_squeeze %dma_start3A : memref<1x1x640xf32, #tpu.memory_space<hbm>> -> memref<640xf32, #tpu.memory_space<hbm>>
      %dma_start3A_306 = tpu.memref_slice %arg9[%mul3A_296] : memref<10240xf32, #tpu.memory_space<vmem_shared>> -> memref<640xf32, #tpu.memory_space<vmem_shared>>
      tpu.enqueue_dma source(%dma_start3A_306 : memref<640xf32, #tpu.memory_space<vmem_shared>>) target(%dma_start3A_305 : memref<640xf32, #tpu.memory_space<hbm>>) target_semaphore(%run_scoped3A_304 : memref<!tpu.dma_semaphore, #tpu.memory_space<semaphore_mem>>)
      %dma_wait3A = tpu.memref_slice %arg4[%arg0, %run_scoped3A, %mul3A_298] : memref<2x2x10240xf32, #tpu.memory_space<hbm>> -> memref<1x1x640xf32, #tpu.memory_space<hbm>>
      %dma_wait3A_307 = tpu.memref_squeeze %dma_wait3A : memref<1x1x640xf32, #tpu.memory_space<hbm>> -> memref<640xf32, #tpu.memory_space<hbm>>
      %dma_wait3A_308 = tpu.memref_slice %arg9[%mul3A_296] : memref<10240xf32, #tpu.memory_space<vmem_shared>> -> memref<640xf32, #tpu.memory_space<vmem_shared>>
      tpu.wait_dma2 semaphore(%run_scoped3A_304 : memref<!tpu.dma_semaphore, #tpu.memory_space<semaphore_mem>>) src(%dma_wait3A_308 : memref<640xf32, #tpu.memory_space<vmem_shared>>) dst(%dma_wait3A_307 : memref<640xf32, #tpu.memory_space<hbm>>)
      tpu.yield
    }) : () -> ()
    %mul3A_299 = arith.constant 640 : i32
    %mul3A_300 = arith.muli %arg1, %mul3A_299 : i32
    %mul3A_301 = arith.constant 640 : i32
    %mul3A_302 = arith.muli %arg1, %mul3A_301 : i32
    %run_scoped3A_303 = arith.constant 1 : i32
    "tpu.region"() ({
      %run_scoped3A_304 = tpu.sem_alloc : memref<!tpu.dma_semaphore, #tpu.memory_space<semaphore_mem>>
      %dma_start3A = tpu.memref_slice %arg4[%arg0, %run_scoped3A_303, %mul3A_302] : memref<2x2x10240xf32, #tpu.memory_space<hbm>> -> memref<1x1x640xf32, #tpu.memory_space<hbm>>
      %dma_start3A_305 = tpu.memref_squeeze %dma_start3A : memref<1x1x640xf32, #tpu.memory_space<hbm>> -> memref<640xf32, #tpu.memory_space<hbm>>
      %dma_start3A_306 = tpu.memref_slice %arg10[%mul3A_300] : memref<10240xf32, #tpu.memory_space<vmem_shared>> -> memref<640xf32, #tpu.memory_space<vmem_shared>>
      tpu.enqueue_dma source(%dma_start3A_306 : memref<640xf32, #tpu.memory_space<vmem_shared>>) target(%dma_start3A_305 : memref<640xf32, #tpu.memory_space<hbm>>) target_semaphore(%run_scoped3A_304 : memref<!tpu.dma_semaphore, #tpu.memory_space<semaphore_mem>>)
      %dma_wait3A = tpu.memref_slice %arg4[%arg0, %run_scoped3A_303, %mul3A_302] : memref<2x2x10240xf32, #tpu.memory_space<hbm>> -> memref<1x1x640xf32, #tpu.memory_space<hbm>>
      %dma_wait3A_307 = tpu.memref_squeeze %dma_wait3A : memref<1x1x640xf32, #tpu.memory_space<hbm>> -> memref<640xf32, #tpu.memory_space<hbm>>
      %dma_wait3A_308 = tpu.memref_slice %arg10[%mul3A_300] : memref<10240xf32, #tpu.memory_space<vmem_shared>> -> memref<640xf32, #tpu.memory_space<vmem_shared>>
      tpu.wait_dma2 semaphore(%run_scoped3A_304 : memref<!tpu.dma_semaphore, #tpu.memory_space<semaphore_mem>>) src(%dma_wait3A_308 : memref<640xf32, #tpu.memory_space<vmem_shared>>) dst(%dma_wait3A_307 : memref<640xf32, #tpu.memory_space<hbm>>)
      tpu.yield
    }) : () -> ()
    return
  }
}

module attributes {stable_mosaic.version = 14 : i64} {
  func.func @_l1_body(%arg0: memref<10240x128xf32, #tpu.memory_space<vmem>>, %arg1: memref<128x128xf32, #tpu.memory_space<vmem>>, %arg2: memref<10240x4xf32, #tpu.memory_space<vmem>>, %arg3: memref<10240x128xf32, #tpu.memory_space<vmem>>) attributes {dimension_semantics = [], scalar_prefetch = 0 : i64, scratch_operands = 0 : i64, tpu.core_type = #tpu.core_type<tc>} {
    %get3A = arith.constant 0 : index
    %get3A_0 = arith.constant 0 : index
    %get3A_1 = vector.load %arg0[%get3A, %get3A_0] : memref<10240x128xf32, #tpu.memory_space<vmem>>, vector<10240x128xf32>
    %get3A_2 = arith.constant 0 : index
    %get3A_3 = arith.constant 0 : index
    %get3A_4 = vector.load %arg1[%get3A_2, %get3A_3] : memref<128x128xf32, #tpu.memory_space<vmem>>, vector<128x128xf32>
    %dot_general3A = arith.constant dense<0.000000e+00> : vector<10240x128xf32>
    %dot_general3A_5 = tpu.matmul %get3A_1, %get3A_4, %dot_general3A {dimension_numbers = #tpu.dot_dimension_numbers<[1], [0], [0], [1], [0, 0, 1, 1], [], []>, transpose_lhs_hint = false} : vector<10240x128xf32>, vector<128x128xf32>, vector<10240x128xf32> -> vector<10240x128xf32>
    %get3A_6 = arith.constant 0 : index
    %get3A_7 = arith.constant 0 : index
    %get3A_8 = vector.load %arg2[%get3A_6, %get3A_7] : memref<10240x4xf32, #tpu.memory_space<vmem>>, vector<10240x4xf32>
    %slice3A = vector.extract_strided_slice %get3A_8 {offsets = [0, 0], sizes = [10240, 1], strides = [1, 1]} : vector<10240x4xf32> to vector<10240x1xf32>
    %slice3A_9 = vector.extract_strided_slice %get3A_8 {offsets = [0, 2], sizes = [10240, 1], strides = [1, 1]} : vector<10240x4xf32> to vector<10240x1xf32>
    %add3A = arith.addf %slice3A, %slice3A_9 : vector<10240x1xf32>
    %max3A = arith.constant 1.000000e+00 : f32
    %max3A_10 = vector.broadcast %max3A : f32 to vector<10240x1xf32>
    %max3A_11 = arith.maximumf %add3A, %max3A_10 : vector<10240x1xf32>
    %rsqrt3A = math.rsqrt %max3A_11 : vector<10240x1xf32>
    %mul3A = vector.broadcast %rsqrt3A : vector<10240x1xf32> to vector<10240x128xf32>
    %mul3A_12 = arith.mulf %dot_general3A_5, %mul3A : vector<10240x128xf32>
    %swap3A = arith.constant 0 : index
    %swap3A_13 = arith.constant 0 : index
    %swap3A_14 = vector.load %arg3[%swap3A, %swap3A_13] : memref<10240x128xf32, #tpu.memory_space<vmem>>, vector<10240x128xf32>
    tpu.vector_store %arg3[%swap3A, %swap3A_13], %mul3A_12 {strides = array<i32>} : memref<10240x128xf32, #tpu.memory_space<vmem>>, vector<10240x128xf32>,
    return
  }
}

module attributes {stable_mosaic.version = 14 : i64} {
  func.func @_mid_body(%arg0: memref<10240x128xf32, #tpu.memory_space<vmem>>, %arg1: memref<10240x4xf32, #tpu.memory_space<vmem>>, %arg2: memref<1x128xf32, #tpu.memory_space<vmem>>, %arg3: memref<128x64xf32, #tpu.memory_space<vmem>>, %arg4: memref<10240x64xf32, #tpu.memory_space<vmem>>) attributes {dimension_semantics = [], scalar_prefetch = 0 : i64, scratch_operands = 0 : i64, tpu.core_type = #tpu.core_type<tc>} {
    %get3A = arith.constant 0 : index
    %get3A_0 = arith.constant 0 : index
    %get3A_1 = vector.load %arg1[%get3A, %get3A_0] : memref<10240x4xf32, #tpu.memory_space<vmem>>, vector<10240x4xf32>
    %get3A_2 = arith.constant 0 : index
    %get3A_3 = arith.constant 0 : index
    %get3A_4 = vector.load %arg0[%get3A_2, %get3A_3] : memref<10240x128xf32, #tpu.memory_space<vmem>>, vector<10240x128xf32>
    %slice3A = vector.extract_strided_slice %get3A_1 {offsets = [0, 1], sizes = [10240, 1], strides = [1, 1]} : vector<10240x4xf32> to vector<10240x1xf32>
    %slice3A_5 = vector.extract_strided_slice %get3A_1 {offsets = [0, 3], sizes = [10240, 1], strides = [1, 1]} : vector<10240x4xf32> to vector<10240x1xf32>
    %add3A = arith.addf %slice3A, %slice3A_5 : vector<10240x1xf32>
    %max3A = arith.constant 1.000000e+00 : f32
    %max3A_6 = vector.broadcast %max3A : f32 to vector<10240x1xf32>
    %max3A_7 = arith.maximumf %add3A, %max3A_6 : vector<10240x1xf32>
    %rsqrt3A = math.rsqrt %max3A_7 : vector<10240x1xf32>
    %mul3A = vector.broadcast %rsqrt3A : vector<10240x1xf32> to vector<10240x128xf32>
    %mul3A_8 = arith.mulf %get3A_4, %mul3A : vector<10240x128xf32>
    %get3A_9 = arith.constant 0 : index
    %get3A_10 = arith.constant 0 : index
    %get3A_11 = vector.load %arg2[%get3A_9, %get3A_10] : memref<1x128xf32, #tpu.memory_space<vmem>>, vector<1x128xf32>
    %add3A_12 = vector.broadcast %get3A_11 : vector<1x128xf32> to vector<10240x128xf32>
    %add3A_13 = arith.addf %mul3A_8, %add3A_12 : vector<10240x128xf32>
    %max3A_14 = arith.constant 0.000000e+00 : f32
    %max3A_15 = vector.broadcast %max3A_14 : f32 to vector<10240x128xf32>
    %max3A_16 = arith.maximumf %add3A_13, %max3A_15 : vector<10240x128xf32>
    %slice3A_17 = vector.extract_strided_slice %get3A_1 {offsets = [0, 0], sizes = [10240, 1], strides = [1, 1]} : vector<10240x4xf32> to vector<10240x1xf32>
    %slice3A_18 = vector.extract_strided_slice %get3A_1 {offsets = [0, 2], sizes = [10240, 1], strides = [1, 1]} : vector<10240x4xf32> to vector<10240x1xf32>
    %add3A_19 = arith.addf %slice3A_17, %slice3A_18 : vector<10240x1xf32>
    %max3A_20 = arith.constant 1.000000e+00 : f32
    %max3A_21 = vector.broadcast %max3A_20 : f32 to vector<10240x1xf32>
    %max3A_22 = arith.maximumf %add3A_19, %max3A_21 : vector<10240x1xf32>
    %rsqrt3A_23 = math.rsqrt %max3A_22 : vector<10240x1xf32>
    %mul3A_24 = vector.broadcast %rsqrt3A_23 : vector<10240x1xf32> to vector<10240x128xf32>
    %mul3A_25 = arith.mulf %max3A_16, %mul3A_24 : vector<10240x128xf32>
    %get3A_26 = arith.constant 0 : index
    %get3A_27 = arith.constant 0 : index
    %get3A_28 = vector.load %arg3[%get3A_26, %get3A_27] : memref<128x64xf32, #tpu.memory_space<vmem>>, vector<128x64xf32>
    %dot_general3A = arith.constant dense<0.000000e+00> : vector<10240x64xf32>
    %dot_general3A_29 = tpu.matmul %mul3A_25, %get3A_28, %dot_general3A {dimension_numbers = #tpu.dot_dimension_numbers<[1], [0], [0], [1], [0, 0, 1, 1], [], []>, transpose_lhs_hint = false} : vector<10240x128xf32>, vector<128x64xf32>, vector<10240x64xf32> -> vector<10240x64xf32>
    %swap3A = arith.constant 0 : index
    %swap3A_30 = arith.constant 0 : index
    %swap3A_31 = vector.load %arg4[%swap3A, %swap3A_30] : memref<10240x64xf32, #tpu.memory_space<vmem>>, vector<10240x64xf32>
    tpu.vector_store %arg4[%swap3A, %swap3A_30], %dot_general3A_29 {strides = array<i32>} : memref<10240x64xf32, #tpu.memory_space<vmem>>, vector<10240x64xf32>,
    return
  }
}

module attributes {stable_mosaic.version = 14 : i64} {
  func.func @_out_body(%arg0: memref<2x10240x64xf32, #tpu.memory_space<vmem>>, %arg1: memref<10240x4xf32, #tpu.memory_space<vmem>>, %arg2: memref<1x64xf32, #tpu.memory_space<vmem>>, %arg3: memref<10240x64xf32, #tpu.memory_space<vmem>>) attributes {dimension_semantics = [], scalar_prefetch = 0 : i64, scratch_operands = 0 : i64, tpu.core_type = #tpu.core_type<tc>} {
    %get3A = arith.constant 0 : index
    %get3A_0 = arith.constant 0 : index
    %get3A_1 = arith.constant 0 : index
    %get3A_2 = vector.load %arg0[%get3A, %get3A_0, %get3A_1] : memref<2x10240x64xf32, #tpu.memory_space<vmem>>, vector<1x10240x64xf32>
    %get3A_3 = vector.shape_cast %get3A_2 : vector<1x10240x64xf32> to vector<10240x64xf32>
    %get3A_4 = arith.constant 1 : index
    %get3A_5 = arith.constant 0 : index
    %get3A_6 = arith.constant 0 : index
    %get3A_7 = vector.load %arg0[%get3A_4, %get3A_5, %get3A_6] : memref<2x10240x64xf32, #tpu.memory_space<vmem>>, vector<1x10240x64xf32>
    %get3A_8 = vector.shape_cast %get3A_7 : vector<1x10240x64xf32> to vector<10240x64xf32>
    %add3A = arith.addf %get3A_3, %get3A_8 : vector<10240x64xf32>
    %get3A_9 = arith.constant 0 : index
    %get3A_10 = arith.constant 0 : index
    %get3A_11 = vector.load %arg1[%get3A_9, %get3A_10] : memref<10240x4xf32, #tpu.memory_space<vmem>>, vector<10240x4xf32>
    %slice3A = vector.extract_strided_slice %get3A_11 {offsets = [0, 1], sizes = [10240, 1], strides = [1, 1]} : vector<10240x4xf32> to vector<10240x1xf32>
    %slice3A_12 = vector.extract_strided_slice %get3A_11 {offsets = [0, 3], sizes = [10240, 1], strides = [1, 1]} : vector<10240x4xf32> to vector<10240x1xf32>
    %add3A_13 = arith.addf %slice3A, %slice3A_12 : vector<10240x1xf32>
    %max3A = arith.constant 1.000000e+00 : f32
    %max3A_14 = vector.broadcast %max3A : f32 to vector<10240x1xf32>
    %max3A_15 = arith.maximumf %add3A_13, %max3A_14 : vector<10240x1xf32>
    %rsqrt3A = math.rsqrt %max3A_15 : vector<10240x1xf32>
    %mul3A = vector.broadcast %rsqrt3A : vector<10240x1xf32> to vector<10240x64xf32>
    %mul3A_16 = arith.mulf %add3A, %mul3A : vector<10240x64xf32>
    %get3A_17 = arith.constant 0 : index
    %get3A_18 = arith.constant 0 : index
    %get3A_19 = vector.load %arg2[%get3A_17, %get3A_18] : memref<1x64xf32, #tpu.memory_space<vmem>>, vector<1x64xf32>
    %add3A_20 = vector.broadcast %get3A_19 : vector<1x64xf32> to vector<10240x64xf32>
    %add3A_21 = arith.addf %mul3A_16, %add3A_20 : vector<10240x64xf32>
    %swap3A = arith.constant 0 : index
    %swap3A_22 = arith.constant 0 : index
    %swap3A_23 = vector.load %arg3[%swap3A, %swap3A_22] : memref<10240x64xf32, #tpu.memory_space<vmem>>, vector<10240x64xf32>
    tpu.vector_store %arg3[%swap3A, %swap3A_22], %add3A_21 {strides = array<i32>} : memref<10240x64xf32, #tpu.memory_space<vmem>>, vector<10240x64xf32>,
    return
  }
}

</mosaic_0001>

<sc_bundles>
// kernel: kernel.11.cloned.1.call-start
scs
__scs_entry_jumppad:
0x0: {  	(pc) =	sbr.rel $0x88, $3  }
0x1: {  	(tag) =	ssettag $0x0;
	lr =	simm.s32 $0x1  }
0x2: {  	[smem:$0x3F9B] =	sst lr;
	_ =	strace $0xD0000000  }
0x3: {  	_ = 	snop  }
0x4: {  	_ = 	snop  }
0x5: {  	_ = 	snop  }
0x6: {  	_ = 	snop  }
0x7: {  	_ = 	snop  }
__scs_overlays_trampoline_lowered:
0x8: {  	[smem:$0x3FAA] =	sst s0  }
0x9: {  	[smem:$0x3FAB] =	sst s1  }
0xa: {  	[smem:$0x3FAC] =	sst s2  }
0xb: {  	[smem:$0x3FAD] =	sst s3  }
0xc: {  	[smem:$0x3FAE] =	sst s4  }
0xd: {  	[smem:$0x3FAF] =	sst s5  }
0xe: {  	[smem:$0x3FB0] =	sst s6  }
0xf: {  	[smem:$0x3FB1] =	sst s7  }
0x10: {  	[smem:$0x3FB2] =	sst s8  }
0x11: {  	[smem:$0x3FB3] =	sst s9;
	s0 =	simm.s32 @!p0 $0x0  }
0x12: {  	s1 =	sld [smem:$0x3F99];
	s0 =	simm.s32 @p0 $0x1  }
0x13: {  	[smem:$0x3FB4] =	sst s0;
	s0 =	simm.s32 @!p1 $0x0  }
0x14: {  	s2 =	sld [smem:$0x3F98];
	s0 =	simm.s32 @p1 $0x1  }
0x15: {  	[smem:$0x3FB5] =	sst s0;
	s0 =	simm.s32 @!p2 $0x0  }
0x16: {  	s3 =	sld [smem:$0x3FDB];
	s0 =	simm.s32 @p2 $0x1  }
0x17: {  	s4 =	simm.s32 $0x1BF5;
	[smem:$0x3FB7] =	sst s0  }
0x18: {  	s0 =	sld [smem:$0x3F9A];
	_ =	swait.ge [sflag:s4], $0x0  }
0x19: {  	s7 =	sld [smem:$0x3F9B]  }
0x1a: {  	s8 =	sadd.s32 $0xFFFFE003, lr  }
0x1b: {  	s9 =	sadd.s32 $0xFFFFFEF7, lr;
	s5 =	simm.s32 $0xFFFFFFFF;
	p2 =	slt.u32 s8, $0xFFFFF086  }
0x1c: {  	p1 =	slt.u32 s9, $0xF7A;
	s5 =	simm.s32 @!p2 $0x0  }
0x1d: {  	s5 =	simm.s32 @p1 $0x1;
	p0 =	seq.s32 s7, s2  }
0x1e: {  	s7 =	smul.u32 @!p0 $0xF7A, s2;
	p2 =	seq.s32 @!p0 s5, $0x0  }
0x1f: {  	s9 =	smul.u32 $0xF7A, s1;
	s8 =	simm.s32 @!p0 $0x1BF5;
	p2 =	por !p2, p0  }
0x20: {  	[sflag:s8] =	ssyncset.s32 @!p0 $0xFFFFF086;
	s6 =	sadd.s32 @!p0 s3, s7;
	s7 =	simm.s32 @!p0 $0x108  }
0x21: {  	s3 =	sadd.s32 s3, s9;
	s6 =	sadd.s32 @!p0 $0x88, s6;
	s7 =	simm.s32 @p2 $0x1082  }
0x22: {  	[simem:s7], [sflag:s8] =	dma.local @!p0 [hbm:s6], $0xF7A  }
0x23: {  	s9 =	sor.u32 $0xD0000000, s2;
	s6 =	simm.s32 $0x108;
	_ =	swait.ge @!p0 [sflag:s8], $0x0  }
0x24: {  	s3 =	sadd.s32 $0x88, s3;
	s6 =	simm.s32 @!p1 $0x1082;
	[sflag:s4] =	ssyncset.s32 $0xFFFFF086  }
0x25: {  	[simem:s6], [sflag:s4] =	dma.local [hbm:s3], $0xF7A  }
0x26: {  	[smem:$0x3F9B] =	sst s1;
	(tag) =	ssettag s2;
	_ =	strace s9  }
0x27: {  	s1 =	sld [smem:$0x3FAB]  }
0x28: {  	s2 =	sld [smem:$0x3FAC]  }
0x29: {  	s4 =	sld [smem:$0x3FAE]  }
0x2a: {  	p0 =	seq.s32 s5, $0x0;
	s5 =	sld [smem:$0x3FAF]  }
0x2b: {  	s6 =	sld [smem:$0x3FB0]  }
0x2c: {  	s7 =	sld [smem:$0x3FB1]  }
0x2d: {  	s3 =	simm.s32 $0x108;
	s8 =	sld [smem:$0x3FB2]  }
0x2e: {  	s3 =	simm.s32 @!p0 $0x1082;
	s9 =	sld [smem:$0x3FB3]  }
0x2f: {  	lr =	sadd.s32 s0, s3;
	s0 =	sld [smem:$0x3FAA]  }
0x30: {  	s3 =	sld [smem:$0x3FAD]  }
0x31: {  	[smem:$0x3FB6] =	sst s10  }
0x32: {  	s10 =	sld [smem:$0x3FB4];
	_ =	sdelay $0x3  }
0x33: {  	p0 =	seq.s32 s10, $0x1;
	s10 =	sld [smem:$0x3FB6];
	_ =	sdelay $0x3  }
0x34: {  	[smem:$0x3FB6] =	sst s10  }
0x35: {  	s10 =	sld [smem:$0x3FB5];
	_ =	sdelay $0x3  }
0x36: {  	p1 =	seq.s32 s10, $0x1;
	s10 =	sld [smem:$0x3FB6];
	_ =	sdelay $0x3  }
0x37: {  	[smem:$0x3FB6] =	sst s10  }
0x38: {  	s10 =	sld [smem:$0x3FB7]  }
0x39: {  	_ = 	snop;
	(pc) =	sbr.ind lr, $3  }
0x3a: {  	_ = 	snop  }
0x3b: {  	_ = 	snop  }
0x3c: {  	p2 =	seq.s32 s10, $0x1;
	s10 =	sld [smem:$0x3FB6]  }
0x3d: {  	_ =	shalt  }
0x3e: {  	_ =	shalt  }
0x3f: {  	_ =	shalt  }
0x40: {  	_ =	shalt  }
0x41: {  	_ =	shalt  }
0x42: {  	_ =	shalt  }
0x43: {  	_ =	shalt  }
0x44: {  	_ =	shalt  }
0x45: {  	_ =	shalt  }
0x46: {  	_ =	shalt  }
0x47: {  	_ =	shalt  }
0x48: {  	_ =	shalt  }
0x49: {  	_ =	shalt  }
0x4a: {  	_ =	shalt  }
0x4b: {  	_ =	shalt  }
0x4c: {  	_ =	shalt  }
0x4d: {  	_ =	shalt  }
0x4e: {  	_ =	shalt  }
0x4f: {  	_ =	shalt  }
0x50: {  	_ =	shalt  }
0x51: {  	_ =	shalt  }
0x52: {  	_ =	shalt  }
0x53: {  	_ =	shalt  }
0x54: {  	_ =	shalt  }
0x55: {  	_ =	shalt  }
0x56: {  	_ =	shalt  }
0x57: {  	_ =	shalt  }
0x58: {  	_ =	shalt  }
0x59: {  	_ =	shalt  }
0x5a: {  	_ =	shalt  }
0x5b: {  	_ =	shalt  }
0x5c: {  	_ =	shalt  }
0x5d: {  	_ =	shalt  }
0x5e: {  	_ =	shalt  }
0x5f: {  	_ =	shalt  }
0x60: {  	_ =	shalt  }
0x61: {  	_ =	shalt  }
0x62: {  	_ =	shalt  }
0x63: {  	_ =	shalt  }
0x64: {  	_ =	shalt  }
0x65: {  	_ =	shalt  }
0x66: {  	_ =	shalt  }
0x67: {  	_ =	shalt  }
0x68: {  	_ =	shalt  }
0x69: {  	_ =	shalt  }
0x6a: {  	_ =	shalt  }
0x6b: {  	_ =	shalt  }
0x6c: {  	_ =	shalt  }
0x6d: {  	_ =	shalt  }
0x6e: {  	_ =	shalt  }
0x6f: {  	_ =	shalt  }
0x70: {  	_ =	shalt  }
0x71: {  	_ =	shalt  }
0x72: {  	_ =	shalt  }
0x73: {  	_ =	shalt  }
0x74: {  	_ =	shalt  }
0x75: {  	_ =	shalt  }
0x76: {  	_ =	shalt  }
0x77: {  	_ =	shalt  }
0x78: {  	_ =	shalt  }
0x79: {  	_ =	shalt  }
0x7a: {  	_ =	shalt  }
0x7b: {  	_ =	shalt  }
0x7c: {  	_ =	shalt  }
0x7d: {  	_ =	shalt  }
0x7e: {  	_ =	shalt  }
0x7f: {  	_ =	shalt  }
0x80: {  	_ =	shalt  }
0x81: {  	_ =	shalt  }
0x82: {  	_ =	shalt  }
0x83: {  	_ =	shalt  }
0x84: {  	_ =	shalt  }
0x85: {  	_ =	shalt  }
0x86: {  	_ =	shalt  }
0x87: {  	_ =	shalt  }
.Lfunc_end0:
.L_simem_size_0:
called_computation.1_lowered:
.L_overlay_start_0:
0x88: {  	s2 =	sld [smem:$0x3FD9]  }
0x89: {  	s3 =	sld [smem:$0x3FFE];
	_ =	sdelay $0x1  }
0x8a: {  	s1 =	srdreg.scid  }
0x8b: {  	s0 =	sand.u32 $0x1, s1  }
0x8c: {  	s17 =	sshll.u32 s0, $0xA;
	s2 =	sadd.s32 s3, s2  }
0x8d: {  	s2 =	sadd.s32 s2, s17  }
0x8e: {  	[smem:$0x3FC2] =	sst s2  }
0x8f: {  	_ = 	snop  }
0x90: {  	s2 =	sld [smem:$0x3FD0];
	(tm) =	ssettm $0x1  }
0x91: {  	s18 =	sld [smem:$0x3FFB];
	_ =	sdelay $0x3  }
0x92: {  	_ =	strace s18  }
0x93: {  	s3 =	sld [smem:$0x3FFC];
	_ =	sdelay $0x3  }
0x94: {  	_ =	strace s3  }
0x95: {  	s3 =	sld [smem:$0x3FFD];
	_ =	sdelay $0x3  }
0x96: {  	_ =	strace s3  }
0x97: {  	_ =	strace $0x8FFFFFFF  }
0x98: {  	s19 =	sld [smem:$0x3FDB];
	_ =	sdelay $0x1  }
0x99: {  	s4 =	simm.s32 $_scs_section_size  }
0x9a: {  	s5 =	simm.s32 $_size__tile_overlayer_lowered;
	s6 =	simm.s32 $_tile_overlayer_lowered  }
0x9b: {  	s22 =	simm.s32 $0x1BFF;
	s21 =	sshll.u32 s6, $0x1;
	s3 =	sadd.s32 s4, s19  }
0x9c: {  	s7 =	simm.s32 $0x0;
	s20 =	sshll.u32 s5, $0x1;
	s5 =	sadd.s32 s21, s3  }
0x9d: {  	[timem:s7], [sflag:s22] =	dma.local [hbm:s5], s20  }
0x9e: {  	_ =	swait.ge [sflag:s22], s20  }
0x9f: {  	s4 =	ssub.s32 $0x0, s20;
	[sflag:s22] =	ssyncset.done $0x0  }
0xa0: {  	[sflag:s22] =	ssyncadd.s32 s4;
	_ =	sdelay $0x1  }
0xa1: {  	s23 =	simm.s32 $0x1B8B  }
0xa2: {  	_ =	swait.ge [sflag:s23], $0x1  }
0xa3: {  	[sflag:s23] =	ssyncset.done $0x0  }
0xa4: {  	s25 =	simm.s32 $0x1B8E;
	s24 =	sld [smem:$0x3FFE];
	[sflag:s23] =	ssyncadd.s32 $0xFFFFFFFF  }
0xa5: {  	s26 =	simm.s32 $execute0_lowered;
	[smem:$0x3FD2] =	sst s25  }
0xa6: {  	s5 =	sshll.u32 s26, $0x1;
	_ =	strace $0x80000049;
	[dreg:$0x1] =	wrdreg $0xFFFFFFFF  }
0xa7: {  	s28 =	simm.s32 $_size_execute0_lowered;
	s3 =	sadd.s32 s3, s5;
	[dreg:$0x0] =	wrdreg $0x0  }
0xa8: {  	s5 =	sshll.u32 s28, $0x1;
	[dreg:$0x2] =	wrdreg s3  }
0xa9: {  	[dreg:$0x3] =	wrdreg s5  }
0xaa: {  	[dreg:$0x4] =	wrdreg $0xC0  }
0xab: {  	_ =	task [dreg:s7], $0x5FFFF  }
0xac: {  	[dreg:$0x1] =	wrdreg $0xFFFFFFFF  }
0xad: {  	[dreg:$0x0] =	wrdreg $0x60  }
0xae: {  	[dreg:$0x2] =	wrdreg s24  }
0xaf: {  	[dreg:$0x3] =	wrdreg s2  }
0xb0: {  	[dreg:$0x4] =	wrdreg $0x0  }
0xb1: {  	[dreg:$0x5] =	wrdreg $0x110000  }
0xb2: {  	[dreg:$0x6] =	wrdreg $0x9  }
0xb3: {  	_ =	task.clear_ibuf [dreg:s7], $0x7FFFF;
	_ =	strace $0x90000049  }
0xb4: {  	s29 =	simm.s32 $0x9;
	_ =	strace $0x8000004B  }
0xb5: {  	_ =	swait.ge [sflag:s29], $0x1  }
0xb6: {  	[sflag:s29] =	ssyncadd.s32 $0xFFFFFFFF  }
0xb7: {  	_ =	strace $0x9000004B  }
0xb8: {  	_ =	sfence  }
0xb9: {  	s30 =	sld [smem:$0x0];
	_ =	sdelay $0x2  }
0xba: {  	s31 =	sshll.u32 s1, $0xD;
	s1 =	sshrl.u32 s1, $0x2  }
0xbb: {  	s3 =	sand.u32 $0x4000, s31;
	s1 =	sadd.s32 s1, s30  }
0xbc: {  	s0 =	sor.u32 s3, s0;
	s1 =	sshll.u32 s1, $0x11  }
0xbd: {  	s0 =	sor.u32 s1, s0  }
0xbe: {  	s0 =	sadd.s32 $0x8F2B, s0  }
0xbf: {  	[sflag:s0] =	ssyncadd.remote.s32 $0x1  }
0xc0: {  	_ =	sfence.sel $0xFFFF  }
0xc1: {  	[dreg:$0x0] =	wrdreg $0xFFFFFFFF;
	(pc) =	sbr.abs _section_cstart, $3  }
0xc2: {  	[dreg:$0x1] =	wrdreg $0xFFFFFFFF  }
0xc3: {  	_ =	task.clear_ibuf [dreg:s7], $0x2FFFF;
	_ =	strace $0x9FFFFFFF  }
0xc4: {  	(tm) =	ssettm $0x7FFFFFFF  }
0xc5: {  	_ =	shalt  }
tec
execute0_lowered:
.L_overlay_start_1:
0x0: {  	(tag) =	ssettag $0x1  }
0x1: {  	s0 =	rddreg [dreg:$0x0]  }
0x2: {  	s1 =	rddreg [dreg:$0x1]  }
0x3: {  	s2 =	rddreg [dreg:$0x3];
	s4 =	srdreg.scid  }
0x4: {  	s3 =	simm.s32 $0x0;
	s11 =	stileid.u32;
	[dreg:$0x6] =	wrdreg s1  }
0x5: {  	s1 =	rddreg [dreg:$0x2];
	s4 =	sand.u32 $0x1, s4;
	s12 =	smul.u32 $0xA000, s11  }
0x6: {  	[smem:$0x7FF] =	sst s3;
	s7 =	sadd.s32 $0x1400, s0;
	s18 =	smul.u32 $0x5000, s11  }
0x7: {  	s17 =	sshll.u32 s11, $0x6;
	s5 =	smul.u32 $0xA0000, s4;
	s4 =	ssub.s32 $0x2, s4  }
0x8: {  	_ =	strace $0x8000004A;
	[dreg:$0x7] =	wrdreg s7;
	s16 =	sshrl.u32 s4, $0x1  }
0x9: {  	s8 =	sshrl.u32 s12, $0x3;
	s13 =	sadd.s32 s12, s1;
	s7 =	sadd.s32 s12, s2  }
0xa: {  	s14 =	sadd.s32 $0x2000, s12;
	s15 =	sadd.s32 $0x4000, s12;
	[dreg:$0x5] =	wrdreg s18  }
0xb: {  	s6 =	sshrl.u32 s5, $0x3;
	s4 =	ssub.s32 s4, s16;
	s22 =	sadd.s32 s14, s2  }
0xc: {  	s23 =	sadd.s32 s15, s2;
	s16 =	sadd.s32 $0x6000, s12;
	s14 =	sadd.s32 s5, s14  }
0xd: {  	s20 =	sadd.s32 s5, s15;
	s31 =	sshrl.u32 s13, $0x3;
	s6 =	sadd.s32 s6, s0  }
0xe: {  	s0 =	sadd.s32 $0x33400, s0;
	s24 =	sadd.s32 s16, s2;
	s14 =	sshrl.u32 s14, $0x3  }
0xf: {  	s21 =	sadd.s32 s5, s16;
	s30 =	smax.u32 s4, $0x1;
	[dreg:$0x10] =	wrdreg s31  }
0x10: {  	s6 =	sadd.s32 s8, s6;
	s19 =	sadd.s32 s0, s14;
	[dreg:$0xf] =	wrdreg s30  }
0x11: {  	s28 =	sshrl.u32 s21, $0x3;
	s6 =	sadd.s32 $0xB400, s6;
	[dreg:$0xb] =	wrdreg s19  }
0x12: {  	s29 =	sadd.s32 s0, s28;
	[dreg:$0x8] =	wrdreg s6;
	s6 =	sor.u32 $0x1C07, s17  }
0x13: {  	s17 =	sadd.s32 $0x8000, s12;
	s12 =	sadd.s32 s12, s5;
	[dreg:$0xd] =	wrdreg s29  }
0x14: {  	s25 =	sadd.s32 s17, s2;
	s12 =	sshrl.u32 s12, $0x3;
	s5 =	sadd.s32 s5, s17  }
0x15: {  	s18 =	sadd.s32 s0, s12;
	s12 =	sshrl.u32 s20, $0x3;
	[dreg:$0x9] =	wrdreg s25  }
0x16: {  	s5 =	sshrl.u32 s5, $0x3;
	[dreg:$0xa] =	wrdreg s18;
	s26 =	sadd.s32 s0, s12  }
0x17: {  	s21 =	simm.s32 $0x80;
	s0 =	sadd.s32 s0, s5;
	[dreg:$0xc] =	wrdreg s26  }
0x18: {  	v0 =	vimm.f32 $0.0e+00;
	s19 =	simm.s32 $0x7;
	s20 =	simm.s32 $0xB000;
	[dreg:$0xe] =	wrdreg s0  }
.LBB2_1:
0x19: {  	s0 =	rddreg [dreg:$0x8]  }
0x1a: {  	s4 =	rddreg [dreg:$0x10]  }
0x1b: {  	[spmem:s4], [sflag:s6] =	dma.local [hbm:s0], $0x1400  }
0x1c: {  	_ =	swait.ge [sflag:s19], $0x1400  }
0x1d: {  	[sflag:s19] =	ssyncset.done $0x0  }
0x1e: {  	s4 =	simm.s32 $0x100;
	s0 =	simm.s32 $0x0;
	[sflag:s19] =	ssyncadd.s32 $0xFFFFEC00  }
.LBB2_2:
0x1f: {  	p0 =	sne.s32 s4, $0x7F00;
	[tilespmem:s0+$0xB030] =	vst v0;
	s5 =	smov.u32 s4;
	s4 =	sadd.s32 $0x100, s4  }
.Ltmp0:
0x20: {  	[tilespmem:s0+$0xB020] =	vst v0;
	(pc) =	sbr.rel @p0 .LBB2_2-.Ltmp0, $3  }
0x21: {  	[tilespmem:s0+$0xB000] =	vst v0  }
0x22: {  	[tilespmem:s0+$0xB010] =	vst v0;
	_ =	sdelay $0x1  }
0x23: {  	s0 =	sshra.s32 s5, $0x2  }
0x24: {  	[tilespmem:s0+$0xB030] =	vst v0  }
0x25: {  	[tilespmem:s0+$0xB020] =	vst v0  }
0x26: {  	[tilespmem:s0+$0xB000] =	vst v0  }
0x27: {  	[tilespmem:s0+$0xB010] =	vst v0  }
0x28: {  	[spmem:s7] =	stream.linear.scatter [tilespmem:s20], [sflag:$0x7], $0x2000, $0x38;
	[tilespmem:$0x1B000] =	vst v63  }
0x29: {  	_ =	swait.ge [sflag:s19], $0x2000  }
0x2a: {  	[sflag:s19] =	ssyncset.done $0x0  }
0x2b: {  	[sflag:s19] =	ssyncadd.s32 $0xFFFFE000  }
0x2c: {  	[spmem:s22] =	stream.linear.scatter [tilespmem:s20], [sflag:$0x7], $0x2000, $0x38;
	[tilespmem:$0x1B000] =	vst v63  }
0x2d: {  	_ =	swait.ge [sflag:s19], $0x2000  }
0x2e: {  	[sflag:s19] =	ssyncset.done $0x0  }
0x2f: {  	[sflag:s19] =	ssyncadd.s32 $0xFFFFE000  }
0x30: {  	[spmem:s23] =	stream.linear.scatter [tilespmem:s20], [sflag:$0x7], $0x2000, $0x38;
	[tilespmem:$0x1B000] =	vst v63  }
0x31: {  	_ =	swait.ge [sflag:s19], $0x2000  }
0x32: {  	[sflag:s19] =	ssyncset.done $0x0  }
0x33: {  	[sflag:s19] =	ssyncadd.s32 $0xFFFFE000  }
0x34: {  	[spmem:s24] =	stream.linear.scatter [tilespmem:s20], [sflag:$0x7], $0x2000, $0x38;
	[tilespmem:$0x1B000] =	vst v63  }
0x35: {  	_ =	swait.ge [sflag:s19], $0x2000  }
0x36: {  	[sflag:s19] =	ssyncset.done $0x0  }
0x37: {  	s30 =	simm.s32 $0x0;
	[sflag:s19] =	ssyncadd.s32 $0xFFFFE000  }
0x38: {  	[spmem:s25] =	stream.linear.scatter [tilespmem:s20], [sflag:$0x7], $0x2000, $0x38;
	[tilespmem:$0x1B000] =	vst v63  }
0x39: {  	s8 =	smov.u32 s7;
	s25 =	smul.u32 $0xAB, s30  }
0x3a: {  	s9 =	smov.u32 s22;
	s10 =	smov.u32 s23;
	s11 =	smov.u32 s24  }
0x3b: {  	s29 =	simm.s32 $0xFFFFFFFF;
	s4 =	simm.s32 $0x0;
	s0 =	sshrl.u32 s25, $0x9  }
0x3c: {  	s5 =	simm.s32 $0x0;
	p0 =	por $0x1, $0x1;
	s0 =	sand.u32 $0x7F, s0  }
0x3d: {  	s12 =	sand.u32 $0x7, s30;
	s5 =	sand.u32 $0x1, s5;
	s0 =	smul.u32 $0x3, s0  }
0x3e: {  	s4 =	sand.u32 $0xE00, s4;
	s13 =	sshll.u32 s5, $0xA;
	_ =	swait.ge [sflag:s19], $0x2000  }
0x3f: {  	s26 =	sshrl.u32 s4, $0x2;
	[sflag:s19] =	ssyncset.done $0x0;
	s0 =	ssub.s32 $0x0, s0  }
0x40: {  	p1 =	sne.s32 s12, $0x0;
	[sflag:s19] =	ssyncadd.s32 $0xFFFFE000;
	s31 =	sand.u32 $0xFF, s0  }
0x41: {  	s5 =	sshll.u32 @!p1 s5, $0xA;
	[bflag:$0x0] =	sbarrier.arrive $0xFFFF;
	s4 =	sadd.s32 @!p0 $0x4, s31  }
0x42: {  	s28 =	simm.s32 $0xA780;
	s14 =	sor.u32 @!p1 $0xA000, s5;
	_ =	swait.ge @!p0 [sflag:s4], $0x2000  }
0x43: {  	s5 =	sor.u32 @!p1 $0xA800, s5;
	s0 =	sor.u32 s26, s13;
	s13 =	rddreg [dreg:$0x5]  }
0x44: {  	s23 =	simm.s32 @!p1 $0x0;
	[sflag:s4] =	ssyncset.done @!p0 $0x0;
	s12 =	rddreg [dreg:$0x6]  }
0x45: {  	[sflag:s4] =	ssyncadd.s32 @!p0 $0xFFFFE000;
	s4 =	sor.u32 $0xA000, s0;
	p0 =	por $0x1, $0x1  }
0x46: {  	s0 =	sadd.s32 @!p1 $0x0, s13;
	s13 =	sshll.u32 s31, $0xD;
	s16 =	sand.u32 @!p0 $0xFF, s29  }
0x47: {  	s15 =	sshrl.u32 @!p1 s0, $0x3;
	s0 =	simm.s32 $0x200;
	s16 =	smul.u32 @!p0 $0xAB, s16  }
.LBB2_4:
0x48: {  	s12 =	sadd.s32 @!p1 s12, s15  }
0x49: {  	s17 =	simm.s32 @!p1 $0x7;
	s18 =	smov.u32 s30;
	s30 =	sadd.s32 $0x1, s30  }
0x4a: {  	[tilespmem:s14], [sflag:$0x7] =	stream.linear.gather @!p1 [hbm4b:s12+s23], $0x400, $0x38;
	[tilespmem:$0x1B000] =	vst v63  }
0x4b: {  	s25 =	sand.u32 $0xE00, s0;
	s13 =	sadd.s32 $0xB000, s13;
	s12 =	sshrl.u32 s30, $0x3  }
0x4c: {  	s14 =	sand.u32 $0x7, s30;
	s16 =	sshrl.u32 @!p0 s16, $0x9;
	s26 =	smul.u32 $0xAB, s30  }
0x4d: {  	s25 =	sshrl.u32 s25, $0x2;
	p2 =	sne.s32 s30, $0x9F;
	p3 =	slt.u32 s30, $0x3  }
0x4e: {  	_ =	swait.ge @!p1 [sflag:s17], $0x400;
	s22 =	sand.u32 $0x1, s12;
	s16 =	smul.u32 @!p0 $0x3, s16  }
0x4f: {  	s24 =	rddreg [dreg:$0x7];
	[sflag:s17] =	ssyncset.done @!p1 $0x0;
	s7 =	sshll.u32 s22, $0xA  }
0x50: {  	s26 =	sshrl.u32 s26, $0x9;
	[sflag:s17] =	ssyncadd.s32 @!p1 $0xFFFFFC00;
	s15 =	sadd.s32 @!p1 s24, s15  }
0x51: {  	s16 =	ssub.s32 @!p0 s29, s16;
	s7 =	sor.u32 s25, s7;
	s24 =	sand.u32 $0x7F, s26  }
0x52: {  	s25 =	sadd.s32 $0x1, s31;
	s16 =	sand.u32 @!p0 $0xFF, s16;
	s24 =	smul.u32 $0x3, s24  }
0x53: {  	[tilespmem:s5], [sflag:$0x7] =	stream.linear.gather @!p1 [hbm4b:s15+s23], $0x400, $0x38;
	[tilespmem:$0x1B000] =	vst v63  }
0x54: {  	s5 =	sshll.u32 s29, $0x9;
	s29 =	smov.u32 s18;
	s26 =	sshll.u32 @!p0 s16, $0xD  }
0x55: {  	_ =	swait.ge @!p1 [sflag:s17], $0x400;
	s15 =	sor.u32 @!p0 $0x4, s16;
	s16 =	sadd.s32 @!p0 $0x1, s16  }
0x56: {  	s26 =	sadd.s32 @!p0 $0xB000, s26;
	s23 =	ssub.s32 s30, s24;
	s24 =	sand.u32 $0xFFFFF000, s5  }
0x57: {  	[sflag:s17] =	ssyncset.done @!p1 $0x0;
	s5 =	sand.u32 $0x1000, s5;
	s31 =	sand.u32 $0xFF, s23  }
0x58: {  	[sflag:s17] =	ssyncadd.s32 @!p1 $0xFFFFFC00;
	s5 =	ssub.s32 s5, s24;
	s17 =	simm.s32 @!p0 $0x80  }
0x59: {  	[tilespmem:s13], [sflag:s25] =	stream.indirect.gather [spmem:s1], $0x40, s4, s21, $0xb8;
	[tilespmem:$0x1B000] =	vst v63  }
0x5a: {  	p1 =	sne.s32 s14, $0x0;
	s5 =	sshra.s32 s5, $0x2;
	s4 =	sadd.s32 @!p3 $0x4, s31  }
0x5b: {  	s13 =	sshll.u32 @!p1 s22, $0xA;
	s18 =	sshll.u32 @!p1 s12, $0xA;
	_ =	swait.ge @!p0 [sflag:s16], $0x2000  }
0x5c: {  	s23 =	simm.s32 @!p1 $0x0;
	s14 =	sor.u32 @!p1 $0xA000, s13;
	[sflag:s16] =	ssyncset.done @!p0 $0x0  }
0x5d: {  	s5 =	sadd.s32 s5, s28;
	s28 =	sadd.s32 $0x80, s28;
	[sflag:s16] =	ssyncadd.s32 @!p0 $0xFFFFE000  }
0x5e: {  	[spmem:s2] =	stream.indirect.scatter.add.f32 @!p0 [tilespmem:s26], [sflag:s15], $0x40, s5, s17, $0xb8;
	[tilespmem:$0x1B000] =	vst v63  }
.Ltmp1:
0x5f: {  	s5 =	sor.u32 @!p1 $0xA800, s13;
	_ =	swait.ge @!p3 [sflag:s4], $0x2000;
	(pc) =	sbr.rel @p2 .LBB2_4-.Ltmp1, $4  }
0x60: {  	p0 =	seq.s32 s0, $0x0;
	s0 =	sadd.s32 $0x200, s0;
	s13 =	rddreg [dreg:$0x5]  }
0x61: {  	s16 =	sand.u32 @!p0 $0xFF, s29;
	[sflag:s4] =	ssyncset.done @!p3 $0x0;
	s12 =	rddreg [dreg:$0x6]  }
0x62: {  	[sflag:s4] =	ssyncadd.s32 @!p3 $0xFFFFE000;
	s4 =	sor.u32 $0xA000, s7;
	s7 =	sadd.s32 @!p1 s13, s18  }
0x63: {  	s16 =	smul.u32 @!p0 $0xAB, s16;
	s13 =	sshll.u32 s31, $0xD;
	s15 =	sshrl.u32 @!p1 s7, $0x3  }
0x64: {  	s0 =	sadd.s32 @!p1 s12, s15  }
0x65: {  	[tilespmem:s14], [sflag:$0x7] =	stream.linear.gather @!p1 [hbm4b:s0+s23], $0x400, $0x38;
	[tilespmem:$0x1B000] =	vst v63  }
0x66: {  	s0 =	simm.s32 @!p1 $0x7  }
0x67: {  	_ =	swait.ge @!p1 [sflag:s0], $0x400  }
0x68: {  	s7 =	rddreg [dreg:$0x7];
	[sflag:s0] =	ssyncset.done @!p1 $0x0  }
0x69: {  	s7 =	sadd.s32 @!p1 s7, s15;
	[sflag:s0] =	ssyncadd.s32 @!p1 $0xFFFFFC00  }
0x6a: {  	[tilespmem:s5], [sflag:$0x7] =	stream.linear.gather @!p1 [hbm4b:s7+s23], $0x400, $0x38;
	[tilespmem:$0x1B000] =	vst v63  }
0x6b: {  	_ =	swait.ge @!p1 [sflag:s0], $0x400  }
0x6c: {  	[sflag:s0] =	ssyncset.done @!p1 $0x0  }
0x6d: {  	s25 =	sadd.s32 $0x1, s31;
	[sflag:s0] =	ssyncadd.s32 @!p1 $0xFFFFFC00;
	s0 =	sshrl.u32 @!p0 s16, $0x9  }
0x6e: {  	s26 =	sadd.s32 $0xB000, s13;
	s30 =	sshll.u32 s29, $0x9;
	s0 =	smul.u32 @!p0 $0x3, s0  }
0x6f: {  	[tilespmem:s26], [sflag:s25] =	stream.indirect.gather [spmem:s1], $0x40, s4, s21, $0xb8;
	[tilespmem:$0x1B000] =	vst v63  }
0x70: {  	s31 =	sand.u32 $0xFFFFF000, s30;
	s4 =	sand.u32 $0x1000, s30;
	s0 =	ssub.s32 @!p0 s29, s0  }
0x71: {  	s4 =	ssub.s32 s4, s31;
	s0 =	sand.u32 @!p0 $0xFF, s0  }
0x72: {  	s4 =	sshra.s32 s4, $0x2;
	s5 =	sadd.s32 @!p0 $0x1, s0  }
0x73: {  	s4 =	sadd.s32 s4, s28;
	_ =	swait.ge @!p0 [sflag:s5], $0x2000  }
0x74: {  	s7 =	sshll.u32 @!p0 s0, $0xD;
	s0 =	sor.u32 @!p0 $0x4, s0;
	[sflag:s5] =	ssyncset.done @!p0 $0x0  }
0x75: {  	s7 =	sadd.s32 @!p0 $0xB000, s7;
	[sflag:s5] =	ssyncadd.s32 @!p0 $0xFFFFE000;
	s5 =	simm.s32 @!p0 $0x80  }
0x76: {  	[spmem:s2] =	stream.indirect.scatter.add.f32 @!p0 [tilespmem:s7], [sflag:s0], $0x40, s4, s5, $0xb8;
	[tilespmem:$0x1B000] =	vst v63  }
0x77: {  	s7 =	simm.s32 $0x1  }
0x78: {  	_ =	swait.ge [sflag:s7], $0x2000  }
0x79: {  	[sflag:s7] =	ssyncset.done $0x0  }
0x7a: {  	s12 =	simm.s32 $0xAF80;
	s13 =	simm.s32 $0x4;
	[sflag:s7] =	ssyncadd.s32 $0xFFFFE000  }
0x7b: {  	[spmem:s2] =	stream.indirect.scatter.add.f32 [tilespmem:s20], [sflag:$0x4], $0x40, s12, s21, $0xb8;
	[tilespmem:$0x1B000] =	vst v63  }
0x7c: {  	_ =	swait.ge [sflag:s13], $0x2000  }
0x7d: {  	[sflag:s13] =	ssyncset.done $0x0  }
0x7e: {  	s14 =	simm.s32 $0x6;
	[sflag:s13] =	ssyncadd.s32 $0xFFFFE000  }
0x7f: {  	_ =	swait.ge [sflag:s14], $0x2000  }
0x80: {  	[sflag:s14] =	ssyncset.done $0x0  }
0x81: {  	s15 =	simm.s32 $0x5;
	[sflag:s14] =	ssyncadd.s32 $0xFFFFE000  }
0x82: {  	_ =	swait.ge [sflag:s15], $0x2000  }
0x83: {  	[sflag:s15] =	ssyncset.done $0x0  }
0x84: {  	[sflag:s15] =	ssyncadd.s32 $0xFFFFE000  }
0x85: {  	[bflag:$0x0] =	sbarrier.arrive $0xFFFF  }
0x86: {  	s16 =	sshrl.u32 s8, $0x3;
	s17 =	rddreg [dreg:$0xa]  }
0x87: {  	[hbm:s17], [sflag:s6] =	dma.local [spmem:s16], $0x400  }
0x88: {  	_ =	swait.ge [sflag:s19], $0x400  }
0x89: {  	[sflag:s19] =	ssyncset.done $0x0  }
0x8a: {  	s18 =	sshrl.u32 s9, $0x3;
	s23 =	rddreg [dreg:$0xb];
	[sflag:s19] =	ssyncadd.s32 $0xFFFFFC00  }
0x8b: {  	[hbm:s23], [sflag:s6] =	dma.local [spmem:s18], $0x400  }
0x8c: {  	_ =	swait.ge [sflag:s19], $0x400  }
0x8d: {  	[sflag:s19] =	ssyncset.done $0x0  }
0x8e: {  	s24 =	sshrl.u32 s10, $0x3;
	s25 =	rddreg [dreg:$0xc];
	[sflag:s19] =	ssyncadd.s32 $0xFFFFFC00  }
0x8f: {  	[hbm:s25], [sflag:s6] =	dma.local [spmem:s24], $0x400  }
0x90: {  	_ =	swait.ge [sflag:s19], $0x400  }
0x91: {  	[sflag:s19] =	ssyncset.done $0x0  }
0x92: {  	s26 =	sshrl.u32 s11, $0x3;
	s28 =	rddreg [dreg:$0xd];
	[sflag:s19] =	ssyncadd.s32 $0xFFFFFC00  }
0x93: {  	[hbm:s28], [sflag:s6] =	dma.local [spmem:s26], $0x400  }
0x94: {  	_ =	swait.ge [sflag:s19], $0x400  }
0x95: {  	[sflag:s19] =	ssyncset.done $0x0;
	s25 =	rddreg [dreg:$0x9]  }
0x96: {  	s30 =	rddreg [dreg:$0xe];
	[sflag:s19] =	ssyncadd.s32 $0xFFFFFC00;
	s29 =	sshrl.u32 s25, $0x3  }
0x97: {  	[hbm:s30], [sflag:s6] =	dma.local [spmem:s29], $0x400  }
0x98: {  	_ =	swait.ge [sflag:s19], $0x400  }
0x99: {  	s3 =	sadd.s32 $0x1, s3;
	s31 =	rddreg [dreg:$0xf]  }
0x9a: {  	p0 =	sne.s32 s3, s31  }
.Ltmp2:
0x9b: {  	_ = 	snop;
	(pc) =	sbr.rel @p0 .LBB2_1-.Ltmp2, $3  }
0x9c: {  	_ =	sdelay $0x1  }
0x9d: {  	s22 =	smov.u32 s9;
	s7 =	smov.u32 s8;
	[sflag:s19] =	ssyncset.done $0x0  }
0x9e: {  	s23 =	smov.u32 s10;
	s24 =	smov.u32 s11;
	[sflag:s19] =	ssyncadd.s32 $0xFFFFFC00  }
0x9f: {  	_ =	sfence.sel $0x180000  }
0xa0: {  	[bflag:$0x0] =	sbarrier.arrive $0xFFFF  }
0xa1: {  	_ =	strace $0x9000004A  }
0xa2: {  	s0 =	stileid.u32;
	[bflag:$0x2] =	sbarrier.arrive $0xFFFF  }
0xa3: {  	p0 =	sne.s32 s0, $0x0;
	s0 =	rddreg [dreg:$0x4]  }
0xa4: {  	s0 =	sadd.s32 @!p0 $0x100000, s0  }
0xa5: {  	[sflag:s0] =	ssyncadd.tile.s32 @!p0 $0x1;
	_ =	shalt  }
.Lfunc_end2:
_tile_overlayer_lowered:
.L_overlay_start_2:
0xa6: {  	(tag) =	ssettag $0x2  }
0xa7: {  	s0 =	rddreg [dreg:$0x0];
	s2 =	stileid.u32  }
0xa8: {  	s1 =	rddreg [dreg:$0x1];
	p0 =	sne.s32 s2, $0x0  }
0xa9: {  	s3 =	rddreg [dreg:$0x2];
	[bflag:$0x3] =	sbarrier.arrive $0xFFFF;
	s2 =	simm.s32 @!p0 $0x1C07  }
0xaa: {  	[timem:s3], [sflag:s2] =	dma.local @!p0 [hbm:s0], s1  }
0xab: {  	s0 =	simm.s32 @!p0 $0x7  }
0xac: {  	_ =	swait.ge @!p0 [sflag:s0], s1  }
0xad: {  	s1 =	ssub.s32 @!p0 $0x0, s1;
	[sflag:s0] =	ssyncset.done @!p0 $0x0  }
0xae: {  	[sflag:s0] =	ssyncadd.s32 @!p0 s1  }
0xaf: {  	[bflag:$0x3] =	sbarrier.arrive $0xFFFF  }
0xb0: {  	_ =	shalt  }

// kernel: kernel.14.cloned.1.call-start
scs
__scs_entry_jumppad:
0x0: {  	(pc) =	sbr.rel $0x88, $3  }
0x1: {  	(tag) =	ssettag $0x0;
	lr =	simm.s32 $0x1  }
0x2: {  	[smem:$0x3F9B] =	sst lr;
	_ =	strace $0xD0000000  }
0x3: {  	_ = 	snop  }
0x4: {  	_ = 	snop  }
0x5: {  	_ = 	snop  }
0x6: {  	_ = 	snop  }
0x7: {  	_ = 	snop  }
__scs_overlays_trampoline_lowered:
0x8: {  	[smem:$0x3FAA] =	sst s0  }
0x9: {  	[smem:$0x3FAB] =	sst s1  }
0xa: {  	[smem:$0x3FAC] =	sst s2  }
0xb: {  	[smem:$0x3FAD] =	sst s3  }
0xc: {  	[smem:$0x3FAE] =	sst s4  }
0xd: {  	[smem:$0x3FAF] =	sst s5  }
0xe: {  	[smem:$0x3FB0] =	sst s6  }
0xf: {  	[smem:$0x3FB1] =	sst s7  }
0x10: {  	[smem:$0x3FB2] =	sst s8  }
0x11: {  	[smem:$0x3FB3] =	sst s9;
	s0 =	simm.s32 @!p0 $0x0  }
0x12: {  	s1 =	sld [smem:$0x3F99];
	s0 =	simm.s32 @p0 $0x1  }
0x13: {  	[smem:$0x3FB4] =	sst s0;
	s0 =	simm.s32 @!p1 $0x0  }
0x14: {  	s2 =	sld [smem:$0x3F98];
	s0 =	simm.s32 @p1 $0x1  }
0x15: {  	[smem:$0x3FB5] =	sst s0;
	s0 =	simm.s32 @!p2 $0x0  }
0x16: {  	s3 =	sld [smem:$0x3FDB];
	s0 =	simm.s32 @p2 $0x1  }
0x17: {  	s4 =	simm.s32 $0x1BF5;
	[smem:$0x3FB7] =	sst s0  }
0x18: {  	s0 =	sld [smem:$0x3F9A];
	_ =	swait.ge [sflag:s4], $0x0  }
0x19: {  	s7 =	sld [smem:$0x3F9B]  }
0x1a: {  	s8 =	sadd.s32 $0xFFFFE003, lr  }
0x1b: {  	s9 =	sadd.s32 $0xFFFFFEF7, lr;
	s5 =	simm.s32 $0xFFFFFFFF;
	p2 =	slt.u32 s8, $0xFFFFF086  }
0x1c: {  	p1 =	slt.u32 s9, $0xF7A;
	s5 =	simm.s32 @!p2 $0x0  }
0x1d: {  	s5 =	simm.s32 @p1 $0x1;
	p0 =	seq.s32 s7, s2  }
0x1e: {  	s7 =	smul.u32 @!p0 $0xF7A, s2;
	p2 =	seq.s32 @!p0 s5, $0x0  }
0x1f: {  	s9 =	smul.u32 $0xF7A, s1;
	s8 =	simm.s32 @!p0 $0x1BF5;
	p2 =	por !p2, p0  }
0x20: {  	[sflag:s8] =	ssyncset.s32 @!p0 $0xFFFFF086;
	s6 =	sadd.s32 @!p0 s3, s7;
	s7 =	simm.s32 @!p0 $0x108  }
0x21: {  	s3 =	sadd.s32 s3, s9;
	s6 =	sadd.s32 @!p0 $0x88, s6;
	s7 =	simm.s32 @p2 $0x1082  }
0x22: {  	[simem:s7], [sflag:s8] =	dma.local @!p0 [hbm:s6], $0xF7A  }
0x23: {  	s9 =	sor.u32 $0xD0000000, s2;
	s6 =	simm.s32 $0x108;
	_ =	swait.ge @!p0 [sflag:s8], $0x0  }
0x24: {  	s3 =	sadd.s32 $0x88, s3;
	s6 =	simm.s32 @!p1 $0x1082;
	[sflag:s4] =	ssyncset.s32 $0xFFFFF086  }
0x25: {  	[simem:s6], [sflag:s4] =	dma.local [hbm:s3], $0xF7A  }
0x26: {  	[smem:$0x3F9B] =	sst s1;
	(tag) =	ssettag s2;
	_ =	strace s9  }
0x27: {  	s1 =	sld [smem:$0x3FAB]  }
0x28: {  	s2 =	sld [smem:$0x3FAC]  }
0x29: {  	s4 =	sld [smem:$0x3FAE]  }
0x2a: {  	p0 =	seq.s32 s5, $0x0;
	s5 =	sld [smem:$0x3FAF]  }
0x2b: {  	s6 =	sld [smem:$0x3FB0]  }
0x2c: {  	s7 =	sld [smem:$0x3FB1]  }
0x2d: {  	s3 =	simm.s32 $0x108;
	s8 =	sld [smem:$0x3FB2]  }
0x2e: {  	s3 =	simm.s32 @!p0 $0x1082;
	s9 =	sld [smem:$0x3FB3]  }
0x2f: {  	lr =	sadd.s32 s0, s3;
	s0 =	sld [smem:$0x3FAA]  }
0x30: {  	s3 =	sld [smem:$0x3FAD]  }
0x31: {  	[smem:$0x3FB6] =	sst s10  }
0x32: {  	s10 =	sld [smem:$0x3FB4];
	_ =	sdelay $0x3  }
0x33: {  	p0 =	seq.s32 s10, $0x1;
	s10 =	sld [smem:$0x3FB6];
	_ =	sdelay $0x3  }
0x34: {  	[smem:$0x3FB6] =	sst s10  }
0x35: {  	s10 =	sld [smem:$0x3FB5];
	_ =	sdelay $0x3  }
0x36: {  	p1 =	seq.s32 s10, $0x1;
	s10 =	sld [smem:$0x3FB6];
	_ =	sdelay $0x3  }
0x37: {  	[smem:$0x3FB6] =	sst s10  }
0x38: {  	s10 =	sld [smem:$0x3FB7]  }
0x39: {  	_ = 	snop;
	(pc) =	sbr.ind lr, $3  }
0x3a: {  	_ = 	snop  }
0x3b: {  	_ = 	snop  }
0x3c: {  	p2 =	seq.s32 s10, $0x1;
	s10 =	sld [smem:$0x3FB6]  }
0x3d: {  	_ =	shalt  }
0x3e: {  	_ =	shalt  }
0x3f: {  	_ =	shalt  }
0x40: {  	_ =	shalt  }
0x41: {  	_ =	shalt  }
0x42: {  	_ =	shalt  }
0x43: {  	_ =	shalt  }
0x44: {  	_ =	shalt  }
0x45: {  	_ =	shalt  }
0x46: {  	_ =	shalt  }
0x47: {  	_ =	shalt  }
0x48: {  	_ =	shalt  }
0x49: {  	_ =	shalt  }
0x4a: {  	_ =	shalt  }
0x4b: {  	_ =	shalt  }
0x4c: {  	_ =	shalt  }
0x4d: {  	_ =	shalt  }
0x4e: {  	_ =	shalt  }
0x4f: {  	_ =	shalt  }
0x50: {  	_ =	shalt  }
0x51: {  	_ =	shalt  }
0x52: {  	_ =	shalt  }
0x53: {  	_ =	shalt  }
0x54: {  	_ =	shalt  }
0x55: {  	_ =	shalt  }
0x56: {  	_ =	shalt  }
0x57: {  	_ =	shalt  }
0x58: {  	_ =	shalt  }
0x59: {  	_ =	shalt  }
0x5a: {  	_ =	shalt  }
0x5b: {  	_ =	shalt  }
0x5c: {  	_ =	shalt  }
0x5d: {  	_ =	shalt  }
0x5e: {  	_ =	shalt  }
0x5f: {  	_ =	shalt  }
0x60: {  	_ =	shalt  }
0x61: {  	_ =	shalt  }
0x62: {  	_ =	shalt  }
0x63: {  	_ =	shalt  }
0x64: {  	_ =	shalt  }
0x65: {  	_ =	shalt  }
0x66: {  	_ =	shalt  }
0x67: {  	_ =	shalt  }
0x68: {  	_ =	shalt  }
0x69: {  	_ =	shalt  }
0x6a: {  	_ =	shalt  }
0x6b: {  	_ =	shalt  }
0x6c: {  	_ =	shalt  }
0x6d: {  	_ =	shalt  }
0x6e: {  	_ =	shalt  }
0x6f: {  	_ =	shalt  }
0x70: {  	_ =	shalt  }
0x71: {  	_ =	shalt  }
0x72: {  	_ =	shalt  }
0x73: {  	_ =	shalt  }
0x74: {  	_ =	shalt  }
0x75: {  	_ =	shalt  }
0x76: {  	_ =	shalt  }
0x77: {  	_ =	shalt  }
0x78: {  	_ =	shalt  }
0x79: {  	_ =	shalt  }
0x7a: {  	_ =	shalt  }
0x7b: {  	_ =	shalt  }
0x7c: {  	_ =	shalt  }
0x7d: {  	_ =	shalt  }
0x7e: {  	_ =	shalt  }
0x7f: {  	_ =	shalt  }
0x80: {  	_ =	shalt  }
0x81: {  	_ =	shalt  }
0x82: {  	_ =	shalt  }
0x83: {  	_ =	shalt  }
0x84: {  	_ =	shalt  }
0x85: {  	_ =	shalt  }
0x86: {  	_ =	shalt  }
0x87: {  	_ =	shalt  }
.Lfunc_end0:
.L_simem_size_0:
called_computation.2_lowered:
.L_overlay_start_0:
0x88: {  	s2 =	sld [smem:$0x3FD9]  }
0x89: {  	s3 =	sld [smem:$0x3FFE];
	_ =	sdelay $0x1  }
0x8a: {  	s1 =	srdreg.scid  }
0x8b: {  	s0 =	sand.u32 $0x1, s1  }
0x8c: {  	s17 =	sshll.u32 s0, $0xA;
	s2 =	sadd.s32 s3, s2  }
0x8d: {  	s2 =	sadd.s32 s2, s17  }
0x8e: {  	[smem:$0x3FC2] =	sst s2  }
0x8f: {  	_ = 	snop  }
0x90: {  	s2 =	sld [smem:$0x3FD0];
	(tm) =	ssettm $0x1  }
0x91: {  	s18 =	sld [smem:$0x3FFB];
	_ =	sdelay $0x3  }
0x92: {  	_ =	strace s18  }
0x93: {  	s3 =	sld [smem:$0x3FFC];
	_ =	sdelay $0x3  }
0x94: {  	_ =	strace s3  }
0x95: {  	s3 =	sld [smem:$0x3FFD];
	_ =	sdelay $0x3  }
0x96: {  	_ =	strace s3  }
0x97: {  	_ =	strace $0x8FFFFFFF  }
0x98: {  	s19 =	sld [smem:$0x3FDB];
	_ =	sdelay $0x1  }
0x99: {  	s4 =	simm.s32 $_scs_section_size  }
0x9a: {  	s5 =	simm.s32 $_size__tile_overlayer_lowered;
	s6 =	simm.s32 $_tile_overlayer_lowered  }
0x9b: {  	s22 =	simm.s32 $0x1BFF;
	s21 =	sshll.u32 s6, $0x1;
	s3 =	sadd.s32 s4, s19  }
0x9c: {  	s7 =	simm.s32 $0x0;
	s20 =	sshll.u32 s5, $0x1;
	s5 =	sadd.s32 s21, s3  }
0x9d: {  	[timem:s7], [sflag:s22] =	dma.local [hbm:s5], s20  }
0x9e: {  	_ =	swait.ge [sflag:s22], s20  }
0x9f: {  	s4 =	ssub.s32 $0x0, s20;
	[sflag:s22] =	ssyncset.done $0x0  }
0xa0: {  	[sflag:s22] =	ssyncadd.s32 s4;
	_ =	sdelay $0x1  }
0xa1: {  	s23 =	simm.s32 $0x1B8B  }
0xa2: {  	_ =	swait.ge [sflag:s23], $0x1  }
0xa3: {  	[sflag:s23] =	ssyncset.done $0x0  }
0xa4: {  	s25 =	simm.s32 $0x1B8E;
	s24 =	sld [smem:$0x3FFE];
	[sflag:s23] =	ssyncadd.s32 $0xFFFFFFFF  }
0xa5: {  	s26 =	simm.s32 $execute0_lowered;
	[smem:$0x3FD2] =	sst s25  }
0xa6: {  	s5 =	sshll.u32 s26, $0x1;
	_ =	strace $0x8000004C;
	[dreg:$0x1] =	wrdreg $0xFFFFFFFF  }
0xa7: {  	s28 =	simm.s32 $_size_execute0_lowered;
	s3 =	sadd.s32 s3, s5;
	[dreg:$0x0] =	wrdreg $0x0  }
0xa8: {  	s5 =	sshll.u32 s28, $0x1;
	[dreg:$0x2] =	wrdreg s3  }
0xa9: {  	[dreg:$0x3] =	wrdreg s5  }
0xaa: {  	[dreg:$0x4] =	wrdreg $0xC0  }
0xab: {  	_ =	task [dreg:s7], $0x5FFFF  }
0xac: {  	[dreg:$0x1] =	wrdreg $0xFFFFFFFF  }
0xad: {  	[dreg:$0x0] =	wrdreg $0x60  }
0xae: {  	[dreg:$0x2] =	wrdreg s24  }
0xaf: {  	[dreg:$0x3] =	wrdreg s2  }
0xb0: {  	[dreg:$0x4] =	wrdreg $0x0  }
0xb1: {  	[dreg:$0x5] =	wrdreg $0x110000  }
0xb2: {  	[dreg:$0x6] =	wrdreg $0x9  }
0xb3: {  	_ =	task.clear_ibuf [dreg:s7], $0x7FFFF;
	_ =	strace $0x9000004C  }
0xb4: {  	s29 =	simm.s32 $0x9;
	_ =	strace $0x8000004E  }
0xb5: {  	_ =	swait.ge [sflag:s29], $0x1  }
0xb6: {  	[sflag:s29] =	ssyncadd.s32 $0xFFFFFFFF  }
0xb7: {  	_ =	strace $0x9000004E  }
0xb8: {  	_ =	sfence  }
0xb9: {  	s30 =	sld [smem:$0x0];
	_ =	sdelay $0x2  }
0xba: {  	s31 =	sshll.u32 s1, $0xD;
	s1 =	sshrl.u32 s1, $0x2  }
0xbb: {  	s3 =	sand.u32 $0x4000, s31;
	s1 =	sadd.s32 s1, s30  }
0xbc: {  	s0 =	sor.u32 s3, s0;
	s1 =	sshll.u32 s1, $0x11  }
0xbd: {  	s0 =	sor.u32 s1, s0  }
0xbe: {  	s0 =	sadd.s32 $0x8F2B, s0  }
0xbf: {  	[sflag:s0] =	ssyncadd.remote.s32 $0x1  }
0xc0: {  	_ =	sfence.sel $0xFFFF  }
0xc1: {  	[dreg:$0x0] =	wrdreg $0xFFFFFFFF;
	(pc) =	sbr.abs _section_cstart, $3  }
0xc2: {  	[dreg:$0x1] =	wrdreg $0xFFFFFFFF  }
0xc3: {  	_ =	task.clear_ibuf [dreg:s7], $0x2FFFF;
	_ =	strace $0x9FFFFFFF  }
0xc4: {  	(tm) =	ssettm $0x7FFFFFFF  }
0xc5: {  	_ =	shalt  }
tec
execute0_lowered:
.L_overlay_start_1:
0x0: {  	(tag) =	ssettag $0x1  }
0x1: {  	s0 =	rddreg [dreg:$0x0]  }
0x2: {  	s1 =	rddreg [dreg:$0x1]  }
0x3: {  	s2 =	rddreg [dreg:$0x2]  }
0x4: {  	s3 =	rddreg [dreg:$0x3];
	s10 =	stileid.u32  }
0x5: {  	s4 =	simm.s32 $0x0;
	s5 =	srdreg.scid;
	[dreg:$0x6] =	wrdreg s1  }
0x6: {  	s11 =	smul.u32 $0xA000, s10;
	[smem:$0x7FF] =	sst s4;
	s5 =	sand.u32 $0x1, s5  }
0x7: {  	s7 =	sadd.s32 $0x1400, s0;
	s19 =	sshll.u32 s10, $0x6;
	_ =	strace $0x8000004D  }
0x8: {  	s8 =	ssub.s32 $0x2, s5;
	[dreg:$0x7] =	wrdreg s7;
	s16 =	smul.u32 $0x28000, s5  }
0x9: {  	s5 =	smul.u32 $0xA0000, s5;
	s6 =	sshrl.u32 s11, $0x3;
	s18 =	sshrl.u32 s8, $0x1  }
0xa: {  	s13 =	sadd.s32 s11, s2;
	s7 =	sadd.s32 s11, s3;
	s14 =	sadd.s32 $0x2000, s11  }
0xb: {  	s15 =	sadd.s32 $0x4000, s11;
	s17 =	sadd.s32 $0x6000, s11;
	s6 =	sadd.s32 s6, s0  }
0xc: {  	s0 =	sadd.s32 $0x1F400, s0;
	s12 =	ssub.s32 s8, s18;
	s22 =	sadd.s32 s14, s3  }
0xd: {  	s23 =	sadd.s32 s15, s3;
	s18 =	sadd.s32 $0x8000, s11;
	s24 =	sadd.s32 s17, s3  }
0xe: {  	s1 =	sadd.s32 s11, s5;
	s14 =	sadd.s32 s5, s14;
	s21 =	sadd.s32 s5, s15  }
0xf: {  	s26 =	sadd.s32 s5, s17;
	s31 =	sshrl.u32 s13, $0x3;
	s6 =	sadd.s32 $0xB400, s6  }
0x10: {  	s1 =	sshrl.u32 s1, $0x3;
	s20 =	sshrl.u32 s14, $0x3;
	[dreg:$0xf] =	wrdreg s31  }
0x11: {  	s14 =	sshrl.u32 s26, $0x3;
	s30 =	smax.u32 s12, $0x1;
	[dreg:$0x8] =	wrdreg s6  }
0x12: {  	s6 =	sor.u32 $0x1C07, s19;
	s1 =	sadd.s32 s0, s1;
	[dreg:$0xe] =	wrdreg s30  }
0x13: {  	s19 =	smul.u32 $0x2800, s10;
	s28 =	sadd.s32 s0, s14;
	[dreg:$0x9] =	wrdreg s1  }
0x14: {  	s5 =	sadd.s32 s5, s18;
	s1 =	sadd.s32 s0, s20;
	[dreg:$0xc] =	wrdreg s28  }
0x15: {  	s16 =	sadd.s32 s19, s16;
	[dreg:$0xa] =	wrdreg s1;
	s1 =	sshrl.u32 s21, $0x3  }
0x16: {  	s29 =	sshrl.u32 s5, $0x3;
	[dreg:$0x5] =	wrdreg s16;
	s1 =	sadd.s32 s0, s1  }
0x17: {  	s25 =	sadd.s32 s18, s3;
	s0 =	sadd.s32 s0, s29;
	[dreg:$0xb] =	wrdreg s1  }
0x18: {  	v0 =	vimm.f32 $0.0e+00;
	s19 =	simm.s32 $0x7;
	s21 =	simm.s32 $0x80;
	[dreg:$0xd] =	wrdreg s0  }
.LBB2_1:
0x19: {  	s0 =	rddreg [dreg:$0x8]  }
0x1a: {  	s1 =	rddreg [dreg:$0xf]  }
0x1b: {  	[spmem:s1], [sflag:s6] =	dma.local [hbm:s0], $0x1400  }
0x1c: {  	_ =	swait.ge [sflag:s19], $0x1400  }
0x1d: {  	[sflag:s19] =	ssyncset.done $0x0  }
0x1e: {  	s1 =	simm.s32 $0x100;
	s0 =	simm.s32 $0x0;
	[sflag:s19] =	ssyncadd.s32 $0xFFFFEC00  }
.LBB2_2:
0x1f: {  	p0 =	sne.s32 s1, $0x7F00;
	[tilespmem:s0+$0xB030] =	vst v0;
	s5 =	smov.u32 s1;
	s1 =	sadd.s32 $0x100, s1  }
.Ltmp0:
0x20: {  	[tilespmem:s0+$0xB020] =	vst v0;
	(pc) =	sbr.rel @p0 .LBB2_2-.Ltmp0, $3  }
0x21: {  	[tilespmem:s0+$0xB000] =	vst v0  }
0x22: {  	[tilespmem:s0+$0xB010] =	vst v0;
	_ =	sdelay $0x1  }
0x23: {  	s0 =	sshra.s32 s5, $0x2  }
0x24: {  	[tilespmem:s0+$0xB030] =	vst v0  }
0x25: {  	[tilespmem:s0+$0xB020] =	vst v0  }
0x26: {  	[tilespmem:s0+$0xB000] =	vst v0  }
0x27: {  	[tilespmem:s0+$0xB010] =	vst v0;
	s26 =	simm.s32 $0xB000  }
0x28: {  	[spmem:s7] =	stream.linear.scatter [tilespmem:s26], [sflag:$0x7], $0x2000, $0x38;
	[tilespmem:$0x1B000] =	vst v63  }
0x29: {  	_ =	swait.ge [sflag:s19], $0x2000  }
0x2a: {  	[sflag:s19] =	ssyncset.done $0x0  }
0x2b: {  	s8 =	smov.u32 s7;
	[sflag:s19] =	ssyncadd.s32 $0xFFFFE000  }
0x2c: {  	[spmem:s22] =	stream.linear.scatter [tilespmem:s26], [sflag:$0x7], $0x2000, $0x38;
	[tilespmem:$0x1B000] =	vst v63  }
0x2d: {  	s9 =	smov.u32 s22;
	s10 =	smov.u32 s23;
	_ =	swait.ge [sflag:s19], $0x2000  }
0x2e: {  	s11 =	smov.u32 s24;
	s20 =	smov.u32 s25;
	[sflag:s19] =	ssyncset.done $0x0  }
0x2f: {  	s31 =	simm.s32 $0x0;
	s30 =	simm.s32 $0xFFFFFFFF;
	[sflag:s19] =	ssyncadd.s32 $0xFFFFE000  }
0x30: {  	[spmem:s23] =	stream.linear.scatter [tilespmem:s26], [sflag:$0x7], $0x2000, $0x38;
	[tilespmem:$0x1B000] =	vst v63  }
0x31: {  	s29 =	simm.s32 $0xA780;
	s1 =	simm.s32 $0x0;
	_ =	swait.ge [sflag:s19], $0x2000  }
0x32: {  	s5 =	simm.s32 $0x0;
	p0 =	por $0x1, $0x1;
	[sflag:s19] =	ssyncset.done $0x0  }
0x33: {  	s28 =	smul.u32 $0xAB, s31;
	s12 =	sand.u32 $0x7, s31;
	[sflag:s19] =	ssyncadd.s32 $0xFFFFE000  }
0x34: {  	[spmem:s24] =	stream.linear.scatter [tilespmem:s26], [sflag:$0x7], $0x2000, $0x38;
	[tilespmem:$0x1B000] =	vst v63  }
0x35: {  	s5 =	sand.u32 $0x1, s5;
	s0 =	sshrl.u32 s28, $0x9;
	_ =	swait.ge [sflag:s19], $0x2000  }
0x36: {  	s1 =	sand.u32 $0xE00, s1;
	s0 =	sand.u32 $0x7F, s0;
	[sflag:s19] =	ssyncset.done $0x0  }
0x37: {  	s13 =	sshll.u32 s5, $0xA;
	s0 =	smul.u32 $0x3, s0;
	[sflag:s19] =	ssyncadd.s32 $0xFFFFE000  }
0x38: {  	[spmem:s25] =	stream.linear.scatter [tilespmem:s26], [sflag:$0x7], $0x2000, $0x38;
	[tilespmem:$0x1B000] =	vst v63  }
0x39: {  	s1 =	sshrl.u32 s1, $0x2;
	p1 =	sne.s32 s12, $0x0;
	_ =	swait.ge [sflag:s19], $0x2000  }
0x3a: {  	s1 =	sor.u32 s1, s13;
	s0 =	ssub.s32 $0x0, s0;
	[sflag:s19] =	ssyncset.done $0x0  }
0x3b: {  	s5 =	sshll.u32 @!p1 s5, $0xA;
	s0 =	sand.u32 $0xFF, s0;
	[sflag:s19] =	ssyncadd.s32 $0xFFFFE000  }
0x3c: {  	s14 =	sor.u32 @!p1 $0xA000, s5;
	s12 =	sadd.s32 @!p0 $0x4, s0;
	[bflag:$0x0] =	sbarrier.arrive $0xFFFF  }
0x3d: {  	s5 =	sor.u32 @!p1 $0xA800, s5;
	s23 =	sor.u32 $0xA000, s1;
	_ =	swait.ge @!p0 [sflag:s12], $0x2000  }
0x3e: {  	s24 =	simm.s32 @!p1 $0x0;
	[sflag:s12] =	ssyncset.done @!p0 $0x0;
	s13 =	rddreg [dreg:$0x5]  }
0x3f: {  	[sflag:s12] =	ssyncadd.s32 @!p0 $0xFFFFE000;
	s12 =	rddreg [dreg:$0x6];
	p0 =	por $0x1, $0x1  }
0x40: {  	s1 =	sadd.s32 @!p1 $0x0, s13;
	s13 =	sshll.u32 s0, $0xD;
	s16 =	sand.u32 @!p0 $0xFF, s30  }
0x41: {  	s15 =	sshrl.u32 @!p1 s1, $0x3;
	s1 =	simm.s32 $0x200;
	s16 =	smul.u32 @!p0 $0xAB, s16  }
.LBB2_4:
0x42: {  	s12 =	sadd.s32 @!p1 s12, s15  }
0x43: {  	s17 =	simm.s32 @!p1 $0x7;
	s18 =	smov.u32 s31;
	s31 =	sadd.s32 $0x1, s31  }
0x44: {  	[tilespmem:s14], [sflag:$0x7] =	stream.linear.gather @!p1 [hbm4b:s12+s24], $0x400, $0x38;
	[tilespmem:$0x1B000] =	vst v63  }
0x45: {  	s26 =	sand.u32 $0xE00, s1;
	s13 =	sadd.s32 $0xB000, s13;
	s12 =	sshrl.u32 s31, $0x3  }
0x46: {  	s14 =	sand.u32 $0x7, s31;
	s16 =	sshrl.u32 @!p0 s16, $0x9;
	s28 =	smul.u32 $0xAB, s31  }
0x47: {  	s26 =	sshrl.u32 s26, $0x2;
	p2 =	sne.s32 s31, $0x4F;
	p3 =	slt.u32 s31, $0x3  }
0x48: {  	_ =	swait.ge @!p1 [sflag:s17], $0x400;
	s22 =	sand.u32 $0x1, s12;
	s16 =	smul.u32 @!p0 $0x3, s16  }
0x49: {  	s25 =	rddreg [dreg:$0x7];
	[sflag:s17] =	ssyncset.done @!p1 $0x0;
	s7 =	sshll.u32 s22, $0xA  }
0x4a: {  	s28 =	sshrl.u32 s28, $0x9;
	[sflag:s17] =	ssyncadd.s32 @!p1 $0xFFFFFC00;
	s15 =	sadd.s32 @!p1 s25, s15  }
0x4b: {  	s16 =	ssub.s32 @!p0 s30, s16;
	s7 =	sor.u32 s26, s7;
	s25 =	sand.u32 $0x7F, s28  }
0x4c: {  	s26 =	sadd.s32 $0x1, s0;
	s16 =	sand.u32 @!p0 $0xFF, s16;
	s25 =	smul.u32 $0x3, s25  }
0x4d: {  	[tilespmem:s5], [sflag:$0x7] =	stream.linear.gather @!p1 [hbm4b:s15+s24], $0x400, $0x38;
	[tilespmem:$0x1B000] =	vst v63  }
0x4e: {  	s5 =	sshll.u32 s30, $0x9;
	s30 =	smov.u32 s18;
	s0 =	sshll.u32 @!p0 s16, $0xD  }
0x4f: {  	_ =	swait.ge @!p1 [sflag:s17], $0x400;
	s15 =	sor.u32 @!p0 $0x4, s16;
	s16 =	sadd.s32 @!p0 $0x1, s16  }
0x50: {  	s28 =	sadd.s32 @!p0 $0xB000, s0;
	s24 =	ssub.s32 s31, s25;
	s25 =	sand.u32 $0xFFFFF000, s5  }
0x51: {  	[sflag:s17] =	ssyncset.done @!p1 $0x0;
	s5 =	sand.u32 $0x1000, s5;
	s0 =	sand.u32 $0xFF, s24  }
0x52: {  	[sflag:s17] =	ssyncadd.s32 @!p1 $0xFFFFFC00;
	s5 =	ssub.s32 s5, s25;
	s17 =	simm.s32 @!p0 $0x80  }
0x53: {  	[tilespmem:s13], [sflag:s26] =	stream.indirect.gather [spmem:s2], $0x40, s23, s21, $0xb8;
	[tilespmem:$0x1B000] =	vst v63  }
0x54: {  	p1 =	sne.s32 s14, $0x0;
	s5 =	sshra.s32 s5, $0x2;
	s13 =	sadd.s32 @!p3 $0x4, s0  }
0x55: {  	s18 =	sshll.u32 @!p1 s22, $0xA;
	s22 =	sshll.u32 @!p1 s12, $0xA;
	_ =	swait.ge @!p0 [sflag:s16], $0x2000  }
0x56: {  	s24 =	simm.s32 @!p1 $0x0;
	s23 =	sor.u32 $0xA000, s7;
	[sflag:s16] =	ssyncset.done @!p0 $0x0  }
0x57: {  	s14 =	sor.u32 @!p1 $0xA000, s18;
	s5 =	sadd.s32 s5, s29;
	[sflag:s16] =	ssyncadd.s32 @!p0 $0xFFFFE000  }
0x58: {  	[spmem:s3] =	stream.indirect.scatter.add.f32 @!p0 [tilespmem:s28], [sflag:s15], $0x40, s5, s17, $0xb8;
	[tilespmem:$0x1B000] =	vst v63  }
.Ltmp1:
0x59: {  	s29 =	sadd.s32 $0x80, s29;
	s5 =	sor.u32 @!p1 $0xA800, s18;
	(pc) =	sbr.rel @p2 .LBB2_4-.Ltmp1, $4  }
0x5a: {  	p0 =	seq.s32 s1, $0x0;
	s1 =	sadd.s32 $0x200, s1;
	_ =	swait.ge @!p3 [sflag:s13], $0x2000  }
0x5b: {  	s16 =	sand.u32 @!p0 $0xFF, s30;
	[sflag:s13] =	ssyncset.done @!p3 $0x0;
	s15 =	rddreg [dreg:$0x5]  }
0x5c: {  	s12 =	rddreg [dreg:$0x6];
	s16 =	smul.u32 @!p0 $0xAB, s16;
	s7 =	sadd.s32 @!p1 s22, s15  }
0x5d: {  	[sflag:s13] =	ssyncadd.s32 @!p3 $0xFFFFE000;
	s13 =	sshll.u32 s0, $0xD;
	s15 =	sshrl.u32 @!p1 s7, $0x3  }
0x5e: {  	s1 =	sadd.s32 @!p1 s12, s15  }
0x5f: {  	[tilespmem:s14], [sflag:$0x7] =	stream.linear.gather @!p1 [hbm4b:s1+s24], $0x400, $0x38;
	[tilespmem:$0x1B000] =	vst v63  }
0x60: {  	s1 =	simm.s32 @!p1 $0x7  }
0x61: {  	_ =	swait.ge @!p1 [sflag:s1], $0x400  }
0x62: {  	s7 =	rddreg [dreg:$0x7];
	[sflag:s1] =	ssyncset.done @!p1 $0x0  }
0x63: {  	s7 =	sadd.s32 @!p1 s7, s15;
	[sflag:s1] =	ssyncadd.s32 @!p1 $0xFFFFFC00  }
0x64: {  	[tilespmem:s5], [sflag:$0x7] =	stream.linear.gather @!p1 [hbm4b:s7+s24], $0x400, $0x38;
	[tilespmem:$0x1B000] =	vst v63  }
0x65: {  	_ =	swait.ge @!p1 [sflag:s1], $0x400  }
0x66: {  	[sflag:s1] =	ssyncset.done @!p1 $0x0  }
0x67: {  	[sflag:s1] =	ssyncadd.s32 @!p1 $0xFFFFFC00;
	s1 =	sshrl.u32 @!p0 s16, $0x9  }
0x68: {  	s0 =	sadd.s32 $0x1, s0;
	s28 =	sadd.s32 $0xB000, s13;
	s1 =	smul.u32 @!p0 $0x3, s1  }
0x69: {  	[tilespmem:s28], [sflag:s0] =	stream.indirect.gather [spmem:s2], $0x40, s23, s21, $0xb8;
	[tilespmem:$0x1B000] =	vst v63  }
0x6a: {  	s0 =	ssub.s32 @!p0 s30, s1;
	s30 =	sshll.u32 s30, $0x9  }
0x6b: {  	s0 =	sand.u32 @!p0 $0xFF, s0;
	s31 =	sand.u32 $0xFFFFF000, s30;
	s1 =	sand.u32 $0x1000, s30  }
0x6c: {  	s1 =	ssub.s32 s1, s31;
	s5 =	sadd.s32 @!p0 $0x1, s0  }
0x6d: {  	s7 =	sshll.u32 @!p0 s0, $0xD;
	s0 =	sor.u32 @!p0 $0x4, s0;
	_ =	swait.ge @!p0 [sflag:s5], $0x2000  }
0x6e: {  	s1 =	sshra.s32 s1, $0x2;
	s7 =	sadd.s32 @!p0 $0xB000, s7;
	[sflag:s5] =	ssyncset.done @!p0 $0x0  }
0x6f: {  	s1 =	sadd.s32 s1, s29;
	[sflag:s5] =	ssyncadd.s32 @!p0 $0xFFFFE000;
	s5 =	simm.s32 @!p0 $0x80  }
0x70: {  	[spmem:s3] =	stream.indirect.scatter.add.f32 @!p0 [tilespmem:s7], [sflag:s0], $0x40, s1, s5, $0xb8;
	[tilespmem:$0x1B000] =	vst v63  }
0x71: {  	s5 =	simm.s32 $0x2  }
0x72: {  	_ =	swait.ge [sflag:s5], $0x2000  }
0x73: {  	s12 =	simm.s32 $0xD000;
	[sflag:s5] =	ssyncset.done $0x0  }
0x74: {  	s13 =	simm.s32 $0x5;
	s7 =	simm.s32 $0xAF80;
	[sflag:s5] =	ssyncadd.s32 $0xFFFFE000  }
0x75: {  	[spmem:s3] =	stream.indirect.scatter.add.f32 [tilespmem:s12], [sflag:$0x5], $0x40, s7, s21, $0xb8;
	[tilespmem:$0x1B000] =	vst v63  }
0x76: {  	_ =	swait.ge [sflag:s13], $0x2000  }
0x77: {  	[sflag:s13] =	ssyncset.done $0x0  }
0x78: {  	s14 =	simm.s32 $0x4;
	[sflag:s13] =	ssyncadd.s32 $0xFFFFE000  }
0x79: {  	_ =	swait.ge [sflag:s14], $0x2000  }
0x7a: {  	[sflag:s14] =	ssyncset.done $0x0  }
0x7b: {  	s15 =	simm.s32 $0x6;
	[sflag:s14] =	ssyncadd.s32 $0xFFFFE000  }
0x7c: {  	_ =	swait.ge [sflag:s15], $0x2000  }
0x7d: {  	[sflag:s15] =	ssyncset.done $0x0  }
0x7e: {  	[sflag:s15] =	ssyncadd.s32 $0xFFFFE000  }
0x7f: {  	[bflag:$0x0] =	sbarrier.arrive $0xFFFF  }
0x80: {  	s16 =	sshrl.u32 s8, $0x3;
	s17 =	rddreg [dreg:$0x9]  }
0x81: {  	[hbm:s17], [sflag:s6] =	dma.local [spmem:s16], $0x400  }
0x82: {  	_ =	swait.ge [sflag:s19], $0x400  }
0x83: {  	[sflag:s19] =	ssyncset.done $0x0  }
0x84: {  	s18 =	sshrl.u32 s9, $0x3;
	s23 =	rddreg [dreg:$0xa];
	[sflag:s19] =	ssyncadd.s32 $0xFFFFFC00  }
0x85: {  	[hbm:s23], [sflag:s6] =	dma.local [spmem:s18], $0x400  }
0x86: {  	_ =	swait.ge [sflag:s19], $0x400  }
0x87: {  	[sflag:s19] =	ssyncset.done $0x0  }
0x88: {  	s24 =	sshrl.u32 s10, $0x3;
	s25 =	rddreg [dreg:$0xb];
	[sflag:s19] =	ssyncadd.s32 $0xFFFFFC00  }
0x89: {  	[hbm:s25], [sflag:s6] =	dma.local [spmem:s24], $0x400  }
0x8a: {  	_ =	swait.ge [sflag:s19], $0x400  }
0x8b: {  	[sflag:s19] =	ssyncset.done $0x0  }
0x8c: {  	s26 =	sshrl.u32 s11, $0x3;
	s28 =	rddreg [dreg:$0xc];
	[sflag:s19] =	ssyncadd.s32 $0xFFFFFC00  }
0x8d: {  	[hbm:s28], [sflag:s6] =	dma.local [spmem:s26], $0x400  }
0x8e: {  	_ =	swait.ge [sflag:s19], $0x400  }
0x8f: {  	[sflag:s19] =	ssyncset.done $0x0  }
0x90: {  	s29 =	sshrl.u32 s20, $0x3;
	s30 =	rddreg [dreg:$0xd];
	[sflag:s19] =	ssyncadd.s32 $0xFFFFFC00  }
0x91: {  	[hbm:s30], [sflag:s6] =	dma.local [spmem:s29], $0x400  }
0x92: {  	_ =	swait.ge [sflag:s19], $0x400  }
0x93: {  	s4 =	sadd.s32 $0x1, s4;
	s31 =	rddreg [dreg:$0xe]  }
0x94: {  	p0 =	sne.s32 s4, s31  }
.Ltmp2:
0x95: {  	_ = 	snop;
	(pc) =	sbr.rel @p0 .LBB2_1-.Ltmp2, $4  }
0x96: {  	_ = 	snop  }
0x97: {  	s22 =	smov.u32 s9  }
0x98: {  	s7 =	smov.u32 s8;
	s23 =	smov.u32 s10;
	[sflag:s19] =	ssyncset.done $0x0  }
0x99: {  	s24 =	smov.u32 s11;
	s25 =	smov.u32 s20;
	[sflag:s19] =	ssyncadd.s32 $0xFFFFFC00  }
0x9a: {  	_ =	sfence.sel $0x180000  }
0x9b: {  	[bflag:$0x0] =	sbarrier.arrive $0xFFFF  }
0x9c: {  	_ =	strace $0x9000004D  }
0x9d: {  	s0 =	stileid.u32;
	[bflag:$0x2] =	sbarrier.arrive $0xFFFF  }
0x9e: {  	p0 =	sne.s32 s0, $0x0;
	s0 =	rddreg [dreg:$0x4]  }
0x9f: {  	s0 =	sadd.s32 @!p0 $0x100000, s0  }
0xa0: {  	[sflag:s0] =	ssyncadd.tile.s32 @!p0 $0x1;
	_ =	shalt  }
.Lfunc_end2:
_tile_overlayer_lowered:
.L_overlay_start_2:
0xa1: {  	(tag) =	ssettag $0x2  }
0xa2: {  	s0 =	rddreg [dreg:$0x0];
	s2 =	stileid.u32  }
0xa3: {  	s1 =	rddreg [dreg:$0x1];
	p0 =	sne.s32 s2, $0x0  }
0xa4: {  	s3 =	rddreg [dreg:$0x2];
	[bflag:$0x3] =	sbarrier.arrive $0xFFFF;
	s2 =	simm.s32 @!p0 $0x1C07  }
0xa5: {  	[timem:s3], [sflag:s2] =	dma.local @!p0 [hbm:s0], s1  }
0xa6: {  	s0 =	simm.s32 @!p0 $0x7  }
0xa7: {  	_ =	swait.ge @!p0 [sflag:s0], s1  }
0xa8: {  	s1 =	ssub.s32 @!p0 $0x0, s1;
	[sflag:s0] =	ssyncset.done @!p0 $0x0  }
0xa9: {  	[sflag:s0] =	ssyncadd.s32 @!p0 s1  }
0xaa: {  	[bflag:$0x3] =	sbarrier.arrive $0xFFFF  }
0xab: {  	_ =	shalt  }

// kernel: kernel.8.cloned.1.call-start
scs
__scs_entry_jumppad:
0x0: {  	(pc) =	sbr.rel $0x88, $3  }
0x1: {  	(tag) =	ssettag $0x0;
	lr =	simm.s32 $0x1  }
0x2: {  	[smem:$0x3F9B] =	sst lr;
	_ =	strace $0xD0000000  }
0x3: {  	_ = 	snop  }
0x4: {  	_ = 	snop  }
0x5: {  	_ = 	snop  }
0x6: {  	_ = 	snop  }
0x7: {  	_ = 	snop  }
__scs_overlays_trampoline_lowered:
0x8: {  	[smem:$0x3FAA] =	sst s0  }
0x9: {  	[smem:$0x3FAB] =	sst s1  }
0xa: {  	[smem:$0x3FAC] =	sst s2  }
0xb: {  	[smem:$0x3FAD] =	sst s3  }
0xc: {  	[smem:$0x3FAE] =	sst s4  }
0xd: {  	[smem:$0x3FAF] =	sst s5  }
0xe: {  	[smem:$0x3FB0] =	sst s6  }
0xf: {  	[smem:$0x3FB1] =	sst s7  }
0x10: {  	[smem:$0x3FB2] =	sst s8  }
0x11: {  	[smem:$0x3FB3] =	sst s9;
	s0 =	simm.s32 @!p0 $0x0  }
0x12: {  	s1 =	sld [smem:$0x3F99];
	s0 =	simm.s32 @p0 $0x1  }
0x13: {  	[smem:$0x3FB4] =	sst s0;
	s0 =	simm.s32 @!p1 $0x0  }
0x14: {  	s2 =	sld [smem:$0x3F98];
	s0 =	simm.s32 @p1 $0x1  }
0x15: {  	[smem:$0x3FB5] =	sst s0;
	s0 =	simm.s32 @!p2 $0x0  }
0x16: {  	s3 =	sld [smem:$0x3FDB];
	s0 =	simm.s32 @p2 $0x1  }
0x17: {  	s4 =	simm.s32 $0x1BF5;
	[smem:$0x3FB7] =	sst s0  }
0x18: {  	s0 =	sld [smem:$0x3F9A];
	_ =	swait.ge [sflag:s4], $0x0  }
0x19: {  	s7 =	sld [smem:$0x3F9B]  }
0x1a: {  	s8 =	sadd.s32 $0xFFFFE003, lr  }
0x1b: {  	s9 =	sadd.s32 $0xFFFFFEF7, lr;
	s5 =	simm.s32 $0xFFFFFFFF;
	p2 =	slt.u32 s8, $0xFFFFF086  }
0x1c: {  	p1 =	slt.u32 s9, $0xF7A;
	s5 =	simm.s32 @!p2 $0x0  }
0x1d: {  	s5 =	simm.s32 @p1 $0x1;
	p0 =	seq.s32 s7, s2  }
0x1e: {  	s7 =	smul.u32 @!p0 $0xF7A, s2;
	p2 =	seq.s32 @!p0 s5, $0x0  }
0x1f: {  	s9 =	smul.u32 $0xF7A, s1;
	s8 =	simm.s32 @!p0 $0x1BF5;
	p2 =	por !p2, p0  }
0x20: {  	[sflag:s8] =	ssyncset.s32 @!p0 $0xFFFFF086;
	s6 =	sadd.s32 @!p0 s3, s7;
	s7 =	simm.s32 @!p0 $0x108  }
0x21: {  	s3 =	sadd.s32 s3, s9;
	s6 =	sadd.s32 @!p0 $0x88, s6;
	s7 =	simm.s32 @p2 $0x1082  }
0x22: {  	[simem:s7], [sflag:s8] =	dma.local @!p0 [hbm:s6], $0xF7A  }
0x23: {  	s9 =	sor.u32 $0xD0000000, s2;
	s6 =	simm.s32 $0x108;
	_ =	swait.ge @!p0 [sflag:s8], $0x0  }
0x24: {  	s3 =	sadd.s32 $0x88, s3;
	s6 =	simm.s32 @!p1 $0x1082;
	[sflag:s4] =	ssyncset.s32 $0xFFFFF086  }
0x25: {  	[simem:s6], [sflag:s4] =	dma.local [hbm:s3], $0xF7A  }
0x26: {  	[smem:$0x3F9B] =	sst s1;
	(tag) =	ssettag s2;
	_ =	strace s9  }
0x27: {  	s1 =	sld [smem:$0x3FAB]  }
0x28: {  	s2 =	sld [smem:$0x3FAC]  }
0x29: {  	s4 =	sld [smem:$0x3FAE]  }
0x2a: {  	p0 =	seq.s32 s5, $0x0;
	s5 =	sld [smem:$0x3FAF]  }
0x2b: {  	s6 =	sld [smem:$0x3FB0]  }
0x2c: {  	s7 =	sld [smem:$0x3FB1]  }
0x2d: {  	s3 =	simm.s32 $0x108;
	s8 =	sld [smem:$0x3FB2]  }
0x2e: {  	s3 =	simm.s32 @!p0 $0x1082;
	s9 =	sld [smem:$0x3FB3]  }
0x2f: {  	lr =	sadd.s32 s0, s3;
	s0 =	sld [smem:$0x3FAA]  }
0x30: {  	s3 =	sld [smem:$0x3FAD]  }
0x31: {  	[smem:$0x3FB6] =	sst s10  }
0x32: {  	s10 =	sld [smem:$0x3FB4];
	_ =	sdelay $0x3  }
0x33: {  	p0 =	seq.s32 s10, $0x1;
	s10 =	sld [smem:$0x3FB6];
	_ =	sdelay $0x3  }
0x34: {  	[smem:$0x3FB6] =	sst s10  }
0x35: {  	s10 =	sld [smem:$0x3FB5];
	_ =	sdelay $0x3  }
0x36: {  	p1 =	seq.s32 s10, $0x1;
	s10 =	sld [smem:$0x3FB6];
	_ =	sdelay $0x3  }
0x37: {  	[smem:$0x3FB6] =	sst s10  }
0x38: {  	s10 =	sld [smem:$0x3FB7]  }
0x39: {  	_ = 	snop;
	(pc) =	sbr.ind lr, $3  }
0x3a: {  	_ = 	snop  }
0x3b: {  	_ = 	snop  }
0x3c: {  	p2 =	seq.s32 s10, $0x1;
	s10 =	sld [smem:$0x3FB6]  }
0x3d: {  	_ =	shalt  }
0x3e: {  	_ =	shalt  }
0x3f: {  	_ =	shalt  }
0x40: {  	_ =	shalt  }
0x41: {  	_ =	shalt  }
0x42: {  	_ =	shalt  }
0x43: {  	_ =	shalt  }
0x44: {  	_ =	shalt  }
0x45: {  	_ =	shalt  }
0x46: {  	_ =	shalt  }
0x47: {  	_ =	shalt  }
0x48: {  	_ =	shalt  }
0x49: {  	_ =	shalt  }
0x4a: {  	_ =	shalt  }
0x4b: {  	_ =	shalt  }
0x4c: {  	_ =	shalt  }
0x4d: {  	_ =	shalt  }
0x4e: {  	_ =	shalt  }
0x4f: {  	_ =	shalt  }
0x50: {  	_ =	shalt  }
0x51: {  	_ =	shalt  }
0x52: {  	_ =	shalt  }
0x53: {  	_ =	shalt  }
0x54: {  	_ =	shalt  }
0x55: {  	_ =	shalt  }
0x56: {  	_ =	shalt  }
0x57: {  	_ =	shalt  }
0x58: {  	_ =	shalt  }
0x59: {  	_ =	shalt  }
0x5a: {  	_ =	shalt  }
0x5b: {  	_ =	shalt  }
0x5c: {  	_ =	shalt  }
0x5d: {  	_ =	shalt  }
0x5e: {  	_ =	shalt  }
0x5f: {  	_ =	shalt  }
0x60: {  	_ =	shalt  }
0x61: {  	_ =	shalt  }
0x62: {  	_ =	shalt  }
0x63: {  	_ =	shalt  }
0x64: {  	_ =	shalt  }
0x65: {  	_ =	shalt  }
0x66: {  	_ =	shalt  }
0x67: {  	_ =	shalt  }
0x68: {  	_ =	shalt  }
0x69: {  	_ =	shalt  }
0x6a: {  	_ =	shalt  }
0x6b: {  	_ =	shalt  }
0x6c: {  	_ =	shalt  }
0x6d: {  	_ =	shalt  }
0x6e: {  	_ =	shalt  }
0x6f: {  	_ =	shalt  }
0x70: {  	_ =	shalt  }
0x71: {  	_ =	shalt  }
0x72: {  	_ =	shalt  }
0x73: {  	_ =	shalt  }
0x74: {  	_ =	shalt  }
0x75: {  	_ =	shalt  }
0x76: {  	_ =	shalt  }
0x77: {  	_ =	shalt  }
0x78: {  	_ =	shalt  }
0x79: {  	_ =	shalt  }
0x7a: {  	_ =	shalt  }
0x7b: {  	_ =	shalt  }
0x7c: {  	_ =	shalt  }
0x7d: {  	_ =	shalt  }
0x7e: {  	_ =	shalt  }
0x7f: {  	_ =	shalt  }
0x80: {  	_ =	shalt  }
0x81: {  	_ =	shalt  }
0x82: {  	_ =	shalt  }
0x83: {  	_ =	shalt  }
0x84: {  	_ =	shalt  }
0x85: {  	_ =	shalt  }
0x86: {  	_ =	shalt  }
0x87: {  	_ =	shalt  }
.Lfunc_end0:
.L_simem_size_0:
called_computation_lowered:
.L_overlay_start_0:
0x88: {  	s2 =	sld [smem:$0x3FD9]  }
0x89: {  	s3 =	sld [smem:$0x3FFE];
	_ =	sdelay $0x1  }
0x8a: {  	s1 =	srdreg.scid  }
0x8b: {  	s0 =	sand.u32 $0x1, s1  }
0x8c: {  	s17 =	sshll.u32 s0, $0xA;
	s2 =	sadd.s32 s3, s2  }
0x8d: {  	s2 =	sadd.s32 s2, s17  }
0x8e: {  	[smem:$0x3FC2] =	sst s2  }
0x8f: {  	_ = 	snop  }
0x90: {  	s2 =	sld [smem:$0x3FD0];
	(tm) =	ssettm $0x1  }
0x91: {  	s18 =	sld [smem:$0x3FFB];
	_ =	sdelay $0x3  }
0x92: {  	_ =	strace s18  }
0x93: {  	s3 =	sld [smem:$0x3FFC];
	_ =	sdelay $0x3  }
0x94: {  	_ =	strace s3  }
0x95: {  	s3 =	sld [smem:$0x3FFD];
	_ =	sdelay $0x3  }
0x96: {  	_ =	strace s3  }
0x97: {  	_ =	strace $0x8FFFFFFF  }
0x98: {  	s19 =	sld [smem:$0x3FDB];
	_ =	sdelay $0x1  }
0x99: {  	s4 =	simm.s32 $_scs_section_size  }
0x9a: {  	s5 =	simm.s32 $_size__tile_overlayer_lowered;
	s6 =	simm.s32 $_tile_overlayer_lowered  }
0x9b: {  	s22 =	simm.s32 $0x1BFF;
	s21 =	sshll.u32 s6, $0x1;
	s3 =	sadd.s32 s4, s19  }
0x9c: {  	s7 =	simm.s32 $0x0;
	s20 =	sshll.u32 s5, $0x1;
	s5 =	sadd.s32 s21, s3  }
0x9d: {  	[timem:s7], [sflag:s22] =	dma.local [hbm:s5], s20  }
0x9e: {  	_ =	swait.ge [sflag:s22], s20  }
0x9f: {  	s4 =	ssub.s32 $0x0, s20;
	[sflag:s22] =	ssyncset.done $0x0  }
0xa0: {  	[sflag:s22] =	ssyncadd.s32 s4;
	_ =	sdelay $0x1  }
0xa1: {  	s23 =	simm.s32 $0x1B8B  }
0xa2: {  	_ =	swait.ge [sflag:s23], $0x1  }
0xa3: {  	[sflag:s23] =	ssyncset.done $0x0  }
0xa4: {  	s25 =	simm.s32 $0x1B8E;
	s24 =	sld [smem:$0x3FFE];
	[sflag:s23] =	ssyncadd.s32 $0xFFFFFFFF  }
0xa5: {  	s26 =	simm.s32 $execute0_lowered;
	[smem:$0x3FD2] =	sst s25  }
0xa6: {  	s5 =	sshll.u32 s26, $0x1;
	_ =	strace $0x80000046;
	[dreg:$0x1] =	wrdreg $0xFFFFFFFF  }
0xa7: {  	s28 =	simm.s32 $_size_execute0_lowered;
	s3 =	sadd.s32 s3, s5;
	[dreg:$0x0] =	wrdreg $0x0  }
0xa8: {  	s5 =	sshll.u32 s28, $0x1;
	[dreg:$0x2] =	wrdreg s3  }
0xa9: {  	[dreg:$0x3] =	wrdreg s5  }
0xaa: {  	[dreg:$0x4] =	wrdreg $0xC0  }
0xab: {  	_ =	task [dreg:s7], $0x5FFFF  }
0xac: {  	[dreg:$0x1] =	wrdreg $0xFFFFFFFF  }
0xad: {  	[dreg:$0x0] =	wrdreg $0x60  }
0xae: {  	[dreg:$0x2] =	wrdreg s2  }
0xaf: {  	[dreg:$0x3] =	wrdreg s24  }
0xb0: {  	[dreg:$0x4] =	wrdreg $0xB000  }
0xb1: {  	[dreg:$0x5] =	wrdreg $0xD800  }
0xb2: {  	[dreg:$0x6] =	wrdreg $0x9  }
0xb3: {  	_ =	task.clear_ibuf [dreg:s7], $0x7FFFF;
	_ =	strace $0x90000046  }
0xb4: {  	s29 =	simm.s32 $0x9;
	_ =	strace $0x80000048  }
0xb5: {  	_ =	swait.ge [sflag:s29], $0x1  }
0xb6: {  	[sflag:s29] =	ssyncadd.s32 $0xFFFFFFFF  }
0xb7: {  	_ =	strace $0x90000048  }
0xb8: {  	_ =	sfence  }
0xb9: {  	s30 =	sld [smem:$0x0];
	_ =	sdelay $0x2  }
0xba: {  	s31 =	sshll.u32 s1, $0xD;
	s1 =	sshrl.u32 s1, $0x2  }
0xbb: {  	s3 =	sand.u32 $0x4000, s31;
	s1 =	sadd.s32 s1, s30  }
0xbc: {  	s0 =	sor.u32 s3, s0;
	s1 =	sshll.u32 s1, $0x11  }
0xbd: {  	s0 =	sor.u32 s1, s0  }
0xbe: {  	s0 =	sadd.s32 $0x8F2B, s0  }
0xbf: {  	[sflag:s0] =	ssyncadd.remote.s32 $0x1  }
0xc0: {  	_ =	sfence.sel $0xFFFF  }
0xc1: {  	[dreg:$0x0] =	wrdreg $0xFFFFFFFF;
	(pc) =	sbr.abs _section_cstart, $3  }
0xc2: {  	[dreg:$0x1] =	wrdreg $0xFFFFFFFF  }
0xc3: {  	_ =	task.clear_ibuf [dreg:s7], $0x2FFFF;
	_ =	strace $0x9FFFFFFF  }
0xc4: {  	(tm) =	ssettm $0x7FFFFFFF  }
0xc5: {  	_ =	shalt  }
tec
execute0_lowered:
.L_overlay_start_1:
0x0: {  	(tag) =	ssettag $0x1  }
0x1: {  	s0 =	rddreg [dreg:$0x0]  }
0x2: {  	s1 =	srdreg.scid;
	s5 =	rddreg [dreg:$0x1]  }
0x3: {  	s4 =	stileid.u32;
	s2 =	rddreg [dreg:$0x2]  }
0x4: {  	s3 =	rddreg [dreg:$0x3];
	s13 =	simm.s32 $0x1;
	s14 =	simm.s32 $0x400  }
0x5: {  	s15 =	simm.s32 $0x80;
	s16 =	simm.s32 $0x800;
	s17 =	simm.s32 $0x480  }
0x6: {  	s18 =	simm.s32 $0x100;
	s19 =	simm.s32 $0x500;
	s20 =	simm.s32 $0x180  }
0x7: {  	s28 =	simm.s32 $0x700;
	s29 =	simm.s32 $0x380;
	s7 =	smul.u32 $0x2800, s4  }
0x8: {  	s30 =	simm.s32 $0x780;
	s1 =	sand.u32 $0x1, s1;
	s8 =	smul.u32 $0x280, s4  }
0x9: {  	s31 =	simm.s32 $0x0;
	s4 =	simm.s32 $0x0;
	s6 =	smul.u32 $0x28000, s1  }
0xa: {  	s9 =	smul.u32 $0x5000, s1;
	[smem:$0x7FF] =	sst s4;
	s1 =	ssub.s32 $0x2, s1  }
0xb: {  	_ =	strace $0x80000047;
	s24 =	sshrl.u32 s1, $0x1;
	s6 =	sadd.s32 s7, s6  }
0xc: {  	s21 =	sadd.s32 s8, s9;
	s1 =	ssub.s32 s1, s24;
	s24 =	simm.s32 $0x280  }
0xd: {  	s11 =	sshrl.u32 s6, $0x3;
	s22 =	sshrl.u32 s21, $0x3;
	s6 =	sadd.s32 s8, s3  }
0xe: {  	s9 =	smax.u32 s1, $0x1;
	s21 =	simm.s32 $0x580;
	s10 =	sadd.s32 s11, s5  }
0xf: {  	s23 =	sadd.s32 s22, s5;
	s5 =	sadd.s32 s8, s2;
	s11 =	sadd.s32 s11, s0  }
0x10: {  	s22 =	simm.s32 $0x200;
	s25 =	sadd.s32 $0xB400, s23;
	s26 =	sadd.s32 $0xB900, s23  }
0x11: {  	s10 =	sadd.s32 $0x1400, s10;
	s23 =	simm.s32 $0x600;
	[dreg:$0x5] =	wrdreg s25  }
0x12: {  	v0 =	vimm.f32 $1.000000000e+00;
	v1 =	vimm.f32 $0.0e+00;
	[dreg:$0x6] =	wrdreg s26;
	s25 =	simm.s32 $0x680;
	s26 =	simm.s32 $0x300  }
.LBB2_1:
0x13: {  	[tilespmem:$0x800] =	vst v0  }
0x14: {  	[tilespmem:$0x810] =	vst v0  }
0x15: {  	[tilespmem:$0x820] =	vst v0  }
0x16: {  	[tilespmem:$0x830] =	vst v0  }
0x17: {  	[tilespmem:$0x840] =	vst v0  }
0x18: {  	[tilespmem:$0x850] =	vst v0  }
0x19: {  	[tilespmem:$0x860] =	vst v0  }
0x1a: {  	[tilespmem:$0x870] =	vst v0  }
0x1b: {  	[tilespmem:$0x880] =	vst v1  }
0x1c: {  	[tilespmem:$0x890] =	vst v1  }
0x1d: {  	[tilespmem:$0x8A0] =	vst v1  }
0x1e: {  	[tilespmem:$0x8B0] =	vst v1  }
0x1f: {  	[tilespmem:$0x8C0] =	vst v1  }
0x20: {  	[tilespmem:$0x8D0] =	vst v1  }
0x21: {  	[tilespmem:$0x8E0] =	vst v1  }
0x22: {  	[tilespmem:$0x8F0] =	vst v1  }
0x23: {  	[tilespmem:$0x900] =	vst v1  }
0x24: {  	[tilespmem:$0x910] =	vst v1  }
0x25: {  	[tilespmem:$0x920] =	vst v1  }
0x26: {  	[tilespmem:$0x930] =	vst v1  }
0x27: {  	[tilespmem:$0x940] =	vst v1  }
0x28: {  	[tilespmem:$0x950] =	vst v1  }
0x29: {  	[tilespmem:$0x960] =	vst v1  }
0x2a: {  	[tilespmem:$0x970] =	vst v1  }
0x2b: {  	[tilespmem:$0x980] =	vst v1  }
0x2c: {  	[tilespmem:$0x990] =	vst v1  }
0x2d: {  	[tilespmem:$0x9A0] =	vst v1  }
0x2e: {  	[tilespmem:$0x9B0] =	vst v1  }
0x2f: {  	[tilespmem:$0x9C0] =	vst v1  }
0x30: {  	[tilespmem:$0x9D0] =	vst v1  }
0x31: {  	[tilespmem:$0x9E0] =	vst v1  }
0x32: {  	[tilespmem:$0x9F0] =	vst v1  }
0x33: {  	[tilespmem:$0xA00] =	vst v1  }
0x34: {  	[tilespmem:$0xA10] =	vst v1  }
0x35: {  	[tilespmem:$0xA20] =	vst v1  }
0x36: {  	[tilespmem:$0xA30] =	vst v1  }
0x37: {  	[tilespmem:$0xA40] =	vst v1  }
0x38: {  	[tilespmem:$0xA50] =	vst v1  }
0x39: {  	[tilespmem:$0xA60] =	vst v1  }
0x3a: {  	[tilespmem:$0xA70] =	vst v1  }
0x3b: {  	[tilespmem:$0xA80] =	vst v1  }
0x3c: {  	[tilespmem:$0xA90] =	vst v1  }
0x3d: {  	[tilespmem:$0xAA0] =	vst v1  }
0x3e: {  	[tilespmem:$0xAB0] =	vst v1  }
0x3f: {  	[tilespmem:$0xAC0] =	vst v1  }
0x40: {  	[tilespmem:$0xAD0] =	vst v1  }
0x41: {  	[tilespmem:$0xAE0] =	vst v1  }
0x42: {  	[tilespmem:$0xAF0] =	vst v1;
	s0 =	simm.s32 $0x880  }
0x43: {  	[spmem:s5] =	stream.linear.scatter [tilespmem:s0], [sflag:$0x1], $0x280, $0x38;
	[tilespmem:$0x1000] =	vst v63  }
0x44: {  	_ =	swait.ge [sflag:s13], $0x280  }
0x45: {  	[sflag:s13] =	ssyncset.done $0x0  }
0x46: {  	[sflag:s13] =	ssyncadd.s32 $0xFFFFFD80  }
0x47: {  	[spmem:s6] =	stream.linear.scatter [tilespmem:s0], [sflag:$0x1], $0x280, $0x38;
	[tilespmem:$0x1000] =	vst v63  }
0x48: {  	_ =	swait.ge [sflag:s13], $0x280  }
0x49: {  	[sflag:s13] =	ssyncset.done $0x0  }
0x4a: {  	[sflag:s13] =	ssyncadd.s32 $0xFFFFFD80  }
0x4b: {  	s8 =	sadd.s32 $0x0, s11;
	[bflag:$0x0] =	sbarrier.arrive $0xFFFF  }
0x4c: {  	[tilespmem:s4], [sflag:$0x1] =	stream.linear.gather [hbm4b:s8+s4], $0x400, $0x38;
	[tilespmem:$0x1000] =	vst v63  }
0x4d: {  	_ =	swait.ge [sflag:s13], $0x400  }
0x4e: {  	[sflag:s13] =	ssyncset.done $0x0  }
0x4f: {  	s12 =	sadd.s32 $0x0, s10;
	[sflag:s13] =	ssyncadd.s32 $0xFFFFFC00  }
0x50: {  	[tilespmem:s14], [sflag:$0x1] =	stream.linear.gather [hbm4b:s12+s4], $0x400, $0x38;
	[tilespmem:$0x1000] =	vst v63  }
0x51: {  	_ =	swait.ge [sflag:s13], $0x400  }
0x52: {  	[sflag:s13] =	ssyncset.done $0x0  }
0x53: {  	[sflag:s13] =	ssyncadd.s32 $0xFFFFFC00  }
0x54: {  	[spmem:s2] =	stream.indirect.scatter.add.f32 [tilespmem:s16], [sflag:$0x1], $0x1, s4, s15, $0xb8;
	[tilespmem:$0x1000] =	vst v63  }
0x55: {  	_ =	swait.ge [sflag:s13], $0x80  }
0x56: {  	[sflag:s13] =	ssyncset.done $0x0  }
0x57: {  	[sflag:s13] =	ssyncadd.s32 $0xFFFFFF80  }
0x58: {  	[spmem:s3] =	stream.indirect.scatter.add.f32 [tilespmem:s16], [sflag:$0x1], $0x1, s14, s15, $0xb8;
	[tilespmem:$0x1000] =	vst v63  }
0x59: {  	_ =	swait.ge [sflag:s13], $0x80  }
0x5a: {  	[sflag:s13] =	ssyncset.done $0x0  }
0x5b: {  	[sflag:s13] =	ssyncadd.s32 $0xFFFFFF80  }
0x5c: {  	[spmem:s2] =	stream.indirect.scatter.add.f32 [tilespmem:s16], [sflag:$0x1], $0x1, s15, s15, $0xb8;
	[tilespmem:$0x1000] =	vst v63  }
0x5d: {  	_ =	swait.ge [sflag:s13], $0x80  }
0x5e: {  	[sflag:s13] =	ssyncset.done $0x0  }
0x5f: {  	[sflag:s13] =	ssyncadd.s32 $0xFFFFFF80  }
0x60: {  	[spmem:s3] =	stream.indirect.scatter.add.f32 [tilespmem:s16], [sflag:$0x1], $0x1, s17, s15, $0xb8;
	[tilespmem:$0x1000] =	vst v63  }
0x61: {  	_ =	swait.ge [sflag:s13], $0x80  }
0x62: {  	[sflag:s13] =	ssyncset.done $0x0  }
0x63: {  	[sflag:s13] =	ssyncadd.s32 $0xFFFFFF80  }
0x64: {  	[spmem:s2] =	stream.indirect.scatter.add.f32 [tilespmem:s16], [sflag:$0x1], $0x1, s18, s15, $0xb8;
	[tilespmem:$0x1000] =	vst v63  }
0x65: {  	_ =	swait.ge [sflag:s13], $0x80  }
0x66: {  	[sflag:s13] =	ssyncset.done $0x0  }
0x67: {  	[sflag:s13] =	ssyncadd.s32 $0xFFFFFF80  }
0x68: {  	[spmem:s3] =	stream.indirect.scatter.add.f32 [tilespmem:s16], [sflag:$0x1], $0x1, s19, s15, $0xb8;
	[tilespmem:$0x1000] =	vst v63  }
0x69: {  	_ =	swait.ge [sflag:s13], $0x80  }
0x6a: {  	[sflag:s13] =	ssyncset.done $0x0  }
0x6b: {  	[sflag:s13] =	ssyncadd.s32 $0xFFFFFF80  }
0x6c: {  	[spmem:s2] =	stream.indirect.scatter.add.f32 [tilespmem:s16], [sflag:$0x1], $0x1, s20, s15, $0xb8;
	[tilespmem:$0x1000] =	vst v63  }
0x6d: {  	_ =	swait.ge [sflag:s13], $0x80  }
0x6e: {  	[sflag:s13] =	ssyncset.done $0x0  }
0x6f: {  	[sflag:s13] =	ssyncadd.s32 $0xFFFFFF80  }
0x70: {  	[spmem:s3] =	stream.indirect.scatter.add.f32 [tilespmem:s16], [sflag:$0x1], $0x1, s21, s15, $0xb8;
	[tilespmem:$0x1000] =	vst v63  }
0x71: {  	_ =	swait.ge [sflag:s13], $0x80  }
0x72: {  	[sflag:s13] =	ssyncset.done $0x0  }
0x73: {  	[sflag:s13] =	ssyncadd.s32 $0xFFFFFF80  }
0x74: {  	[spmem:s2] =	stream.indirect.scatter.add.f32 [tilespmem:s16], [sflag:$0x1], $0x1, s22, s15, $0xb8;
	[tilespmem:$0x1000] =	vst v63  }
0x75: {  	_ =	swait.ge [sflag:s13], $0x80  }
0x76: {  	[sflag:s13] =	ssyncset.done $0x0  }
0x77: {  	[sflag:s13] =	ssyncadd.s32 $0xFFFFFF80  }
0x78: {  	[spmem:s3] =	stream.indirect.scatter.add.f32 [tilespmem:s16], [sflag:$0x1], $0x1, s23, s15, $0xb8;
	[tilespmem:$0x1000] =	vst v63  }
0x79: {  	_ =	swait.ge [sflag:s13], $0x80  }
0x7a: {  	[sflag:s13] =	ssyncset.done $0x0  }
0x7b: {  	[sflag:s13] =	ssyncadd.s32 $0xFFFFFF80  }
0x7c: {  	[spmem:s2] =	stream.indirect.scatter.add.f32 [tilespmem:s16], [sflag:$0x1], $0x1, s24, s15, $0xb8;
	[tilespmem:$0x1000] =	vst v63  }
0x7d: {  	_ =	swait.ge [sflag:s13], $0x80  }
0x7e: {  	[sflag:s13] =	ssyncset.done $0x0  }
0x7f: {  	[sflag:s13] =	ssyncadd.s32 $0xFFFFFF80  }
0x80: {  	[spmem:s3] =	stream.indirect.scatter.add.f32 [tilespmem:s16], [sflag:$0x1], $0x1, s25, s15, $0xb8;
	[tilespmem:$0x1000] =	vst v63  }
0x81: {  	_ =	swait.ge [sflag:s13], $0x80  }
0x82: {  	[sflag:s13] =	ssyncset.done $0x0  }
0x83: {  	[sflag:s13] =	ssyncadd.s32 $0xFFFFFF80  }
0x84: {  	[spmem:s2] =	stream.indirect.scatter.add.f32 [tilespmem:s16], [sflag:$0x1], $0x1, s26, s15, $0xb8;
	[tilespmem:$0x1000] =	vst v63  }
0x85: {  	_ =	swait.ge [sflag:s13], $0x80  }
0x86: {  	[sflag:s13] =	ssyncset.done $0x0  }
0x87: {  	[sflag:s13] =	ssyncadd.s32 $0xFFFFFF80  }
0x88: {  	[spmem:s3] =	stream.indirect.scatter.add.f32 [tilespmem:s16], [sflag:$0x1], $0x1, s28, s15, $0xb8;
	[tilespmem:$0x1000] =	vst v63  }
0x89: {  	_ =	swait.ge [sflag:s13], $0x80  }
0x8a: {  	[sflag:s13] =	ssyncset.done $0x0  }
0x8b: {  	[sflag:s13] =	ssyncadd.s32 $0xFFFFFF80  }
0x8c: {  	[spmem:s2] =	stream.indirect.scatter.add.f32 [tilespmem:s16], [sflag:$0x1], $0x1, s29, s15, $0xb8;
	[tilespmem:$0x1000] =	vst v63  }
0x8d: {  	_ =	swait.ge [sflag:s13], $0x80  }
0x8e: {  	[sflag:s13] =	ssyncset.done $0x0  }
0x8f: {  	[sflag:s13] =	ssyncadd.s32 $0xFFFFFF80  }
0x90: {  	[spmem:s3] =	stream.indirect.scatter.add.f32 [tilespmem:s16], [sflag:$0x1], $0x1, s30, s15, $0xb8;
	[tilespmem:$0x1000] =	vst v63  }
0x91: {  	_ =	swait.ge [sflag:s13], $0x80  }
0x92: {  	s1 =	simm.s32 $0x80;
	s0 =	simm.s32 $0x100;
	[sflag:s13] =	ssyncset.done $0x0  }
.LBB2_2:
0x93: {  	s7 =	sadd.s32 s1, s11  }
0x94: {  	[sflag:s13] =	ssyncadd.s32 $0xFFFFFF80;
	s8 =	smov.u32 s0;
	s12 =	sadd.s32 $0x80, s0  }
0x95: {  	[tilespmem:s4], [sflag:$0x1] =	stream.linear.gather [hbm4b:s7+s4], $0x400, $0x38;
	[tilespmem:$0x1000] =	vst v63  }
0x96: {  	p0 =	sne.s32 s0, $0x480;
	_ =	swait.ge [sflag:s13], $0x400  }
0x97: {  	[sflag:s13] =	ssyncset.done $0x0  }
0x98: {  	s0 =	sadd.s32 s1, s10;
	s1 =	smov.u32 s8;
	[sflag:s13] =	ssyncadd.s32 $0xFFFFFC00  }
0x99: {  	[tilespmem:s14], [sflag:$0x1] =	stream.linear.gather [hbm4b:s0+s4], $0x400, $0x38;
	[tilespmem:$0x1000] =	vst v63  }
0x9a: {  	_ =	swait.ge [sflag:s13], $0x400  }
0x9b: {  	[sflag:s13] =	ssyncset.done $0x0  }
0x9c: {  	[sflag:s13] =	ssyncadd.s32 $0xFFFFFC00  }
0x9d: {  	[spmem:s2] =	stream.indirect.scatter.add.f32 [tilespmem:s16], [sflag:$0x1], $0x1, s4, s15, $0xb8;
	[tilespmem:$0x1000] =	vst v63  }
0x9e: {  	_ =	swait.ge [sflag:s13], $0x80  }
0x9f: {  	[sflag:s13] =	ssyncset.done $0x0  }
0xa0: {  	[sflag:s13] =	ssyncadd.s32 $0xFFFFFF80  }
0xa1: {  	[spmem:s3] =	stream.indirect.scatter.add.f32 [tilespmem:s16], [sflag:$0x1], $0x1, s14, s15, $0xb8;
	[tilespmem:$0x1000] =	vst v63  }
0xa2: {  	_ =	swait.ge [sflag:s13], $0x80  }
0xa3: {  	[sflag:s13] =	ssyncset.done $0x0  }
0xa4: {  	[sflag:s13] =	ssyncadd.s32 $0xFFFFFF80  }
0xa5: {  	[spmem:s2] =	stream.indirect.scatter.add.f32 [tilespmem:s16], [sflag:$0x1], $0x1, s15, s15, $0xb8;
	[tilespmem:$0x1000] =	vst v63  }
0xa6: {  	_ =	swait.ge [sflag:s13], $0x80  }
0xa7: {  	[sflag:s13] =	ssyncset.done $0x0  }
0xa8: {  	[sflag:s13] =	ssyncadd.s32 $0xFFFFFF80  }
0xa9: {  	[spmem:s3] =	stream.indirect.scatter.add.f32 [tilespmem:s16], [sflag:$0x1], $0x1, s17, s15, $0xb8;
	[tilespmem:$0x1000] =	vst v63  }
0xaa: {  	_ =	swait.ge [sflag:s13], $0x80  }
0xab: {  	[sflag:s13] =	ssyncset.done $0x0  }
0xac: {  	[sflag:s13] =	ssyncadd.s32 $0xFFFFFF80  }
0xad: {  	[spmem:s2] =	stream.indirect.scatter.add.f32 [tilespmem:s16], [sflag:$0x1], $0x1, s18, s15, $0xb8;
	[tilespmem:$0x1000] =	vst v63  }
0xae: {  	_ =	swait.ge [sflag:s13], $0x80  }
0xaf: {  	[sflag:s13] =	ssyncset.done $0x0  }
0xb0: {  	[sflag:s13] =	ssyncadd.s32 $0xFFFFFF80  }
0xb1: {  	[spmem:s3] =	stream.indirect.scatter.add.f32 [tilespmem:s16], [sflag:$0x1], $0x1, s19, s15, $0xb8;
	[tilespmem:$0x1000] =	vst v63  }
0xb2: {  	_ =	swait.ge [sflag:s13], $0x80  }
0xb3: {  	[sflag:s13] =	ssyncset.done $0x0  }
0xb4: {  	[sflag:s13] =	ssyncadd.s32 $0xFFFFFF80  }
0xb5: {  	[spmem:s2] =	stream.indirect.scatter.add.f32 [tilespmem:s16], [sflag:$0x1], $0x1, s20, s15, $0xb8;
	[tilespmem:$0x1000] =	vst v63  }
0xb6: {  	_ =	swait.ge [sflag:s13], $0x80  }
0xb7: {  	[sflag:s13] =	ssyncset.done $0x0  }
0xb8: {  	[sflag:s13] =	ssyncadd.s32 $0xFFFFFF80  }
0xb9: {  	[spmem:s3] =	stream.indirect.scatter.add.f32 [tilespmem:s16], [sflag:$0x1], $0x1, s21, s15, $0xb8;
	[tilespmem:$0x1000] =	vst v63  }
0xba: {  	_ =	swait.ge [sflag:s13], $0x80  }
0xbb: {  	[sflag:s13] =	ssyncset.done $0x0  }
0xbc: {  	[sflag:s13] =	ssyncadd.s32 $0xFFFFFF80  }
0xbd: {  	[spmem:s2] =	stream.indirect.scatter.add.f32 [tilespmem:s16], [sflag:$0x1], $0x1, s22, s15, $0xb8;
	[tilespmem:$0x1000] =	vst v63  }
0xbe: {  	_ =	swait.ge [sflag:s13], $0x80  }
0xbf: {  	[sflag:s13] =	ssyncset.done $0x0  }
0xc0: {  	[sflag:s13] =	ssyncadd.s32 $0xFFFFFF80  }
0xc1: {  	[spmem:s3] =	stream.indirect.scatter.add.f32 [tilespmem:s16], [sflag:$0x1], $0x1, s23, s15, $0xb8;
	[tilespmem:$0x1000] =	vst v63  }
0xc2: {  	_ =	swait.ge [sflag:s13], $0x80  }
0xc3: {  	[sflag:s13] =	ssyncset.done $0x0  }
0xc4: {  	[sflag:s13] =	ssyncadd.s32 $0xFFFFFF80  }
0xc5: {  	[spmem:s2] =	stream.indirect.scatter.add.f32 [tilespmem:s16], [sflag:$0x1], $0x1, s24, s15, $0xb8;
	[tilespmem:$0x1000] =	vst v63  }
0xc6: {  	_ =	swait.ge [sflag:s13], $0x80  }
0xc7: {  	[sflag:s13] =	ssyncset.done $0x0  }
0xc8: {  	[sflag:s13] =	ssyncadd.s32 $0xFFFFFF80  }
0xc9: {  	[spmem:s3] =	stream.indirect.scatter.add.f32 [tilespmem:s16], [sflag:$0x1], $0x1, s25, s15, $0xb8;
	[tilespmem:$0x1000] =	vst v63  }
0xca: {  	_ =	swait.ge [sflag:s13], $0x80  }
0xcb: {  	[sflag:s13] =	ssyncset.done $0x0  }
0xcc: {  	[sflag:s13] =	ssyncadd.s32 $0xFFFFFF80  }
0xcd: {  	[spmem:s2] =	stream.indirect.scatter.add.f32 [tilespmem:s16], [sflag:$0x1], $0x1, s26, s15, $0xb8;
	[tilespmem:$0x1000] =	vst v63  }
0xce: {  	_ =	swait.ge [sflag:s13], $0x80  }
0xcf: {  	[sflag:s13] =	ssyncset.done $0x0  }
0xd0: {  	[sflag:s13] =	ssyncadd.s32 $0xFFFFFF80  }
0xd1: {  	[spmem:s3] =	stream.indirect.scatter.add.f32 [tilespmem:s16], [sflag:$0x1], $0x1, s28, s15, $0xb8;
	[tilespmem:$0x1000] =	vst v63  }
0xd2: {  	_ =	swait.ge [sflag:s13], $0x80  }
0xd3: {  	[sflag:s13] =	ssyncset.done $0x0  }
0xd4: {  	[sflag:s13] =	ssyncadd.s32 $0xFFFFFF80  }
0xd5: {  	[spmem:s2] =	stream.indirect.scatter.add.f32 [tilespmem:s16], [sflag:$0x1], $0x1, s29, s15, $0xb8;
	[tilespmem:$0x1000] =	vst v63  }
0xd6: {  	_ =	swait.ge [sflag:s13], $0x80  }
.Ltmp0:
0xd7: {  	[sflag:s13] =	ssyncset.done $0x0;
	(pc) =	sbr.rel @p0 .LBB2_2-.Ltmp0, $4  }
0xd8: {  	[sflag:s13] =	ssyncadd.s32 $0xFFFFFF80  }
0xd9: {  	[spmem:s3] =	stream.indirect.scatter.add.f32 [tilespmem:s16], [sflag:$0x1], $0x1, s30, s15, $0xb8;
	[tilespmem:$0x1000] =	vst v63  }
0xda: {  	_ =	swait.ge [sflag:s13], $0x80  }
0xdb: {  	s0 =	smov.u32 s12;
	[sflag:s13] =	ssyncset.done $0x0  }
0xdc: {  	s0 =	sadd.s32 s1, s11;
	[sflag:s13] =	ssyncadd.s32 $0xFFFFFF80  }
0xdd: {  	[tilespmem:s4], [sflag:$0x1] =	stream.linear.gather [hbm4b:s0+s4], $0x400, $0x38;
	[tilespmem:$0x1000] =	vst v63  }
0xde: {  	_ =	swait.ge [sflag:s13], $0x400  }
0xdf: {  	[sflag:s13] =	ssyncset.done $0x0  }
0xe0: {  	s7 =	sadd.s32 s1, s10;
	[sflag:s13] =	ssyncadd.s32 $0xFFFFFC00  }
0xe1: {  	[tilespmem:s14], [sflag:$0x1] =	stream.linear.gather [hbm4b:s7+s4], $0x400, $0x38;
	[tilespmem:$0x1000] =	vst v63  }
0xe2: {  	_ =	swait.ge [sflag:s13], $0x400  }
0xe3: {  	[sflag:s13] =	ssyncset.done $0x0  }
0xe4: {  	[sflag:s13] =	ssyncadd.s32 $0xFFFFFC00  }
0xe5: {  	[spmem:s2] =	stream.indirect.scatter.add.f32 [tilespmem:s16], [sflag:$0x1], $0x1, s4, s15, $0xb8;
	[tilespmem:$0x1000] =	vst v63  }
0xe6: {  	_ =	swait.ge [sflag:s13], $0x80  }
0xe7: {  	[sflag:s13] =	ssyncset.done $0x0  }
0xe8: {  	[sflag:s13] =	ssyncadd.s32 $0xFFFFFF80  }
0xe9: {  	[spmem:s3] =	stream.indirect.scatter.add.f32 [tilespmem:s16], [sflag:$0x1], $0x1, s14, s15, $0xb8;
	[tilespmem:$0x1000] =	vst v63  }
0xea: {  	_ =	swait.ge [sflag:s13], $0x80  }
0xeb: {  	[sflag:s13] =	ssyncset.done $0x0  }
0xec: {  	[sflag:s13] =	ssyncadd.s32 $0xFFFFFF80  }
0xed: {  	[spmem:s2] =	stream.indirect.scatter.add.f32 [tilespmem:s16], [sflag:$0x1], $0x1, s15, s15, $0xb8;
	[tilespmem:$0x1000] =	vst v63  }
0xee: {  	_ =	swait.ge [sflag:s13], $0x80  }
0xef: {  	[sflag:s13] =	ssyncset.done $0x0  }
0xf0: {  	[sflag:s13] =	ssyncadd.s32 $0xFFFFFF80  }
0xf1: {  	[spmem:s3] =	stream.indirect.scatter.add.f32 [tilespmem:s16], [sflag:$0x1], $0x1, s17, s15, $0xb8;
	[tilespmem:$0x1000] =	vst v63  }
0xf2: {  	_ =	swait.ge [sflag:s13], $0x80  }
0xf3: {  	[sflag:s13] =	ssyncset.done $0x0  }
0xf4: {  	[sflag:s13] =	ssyncadd.s32 $0xFFFFFF80  }
0xf5: {  	[spmem:s2] =	stream.indirect.scatter.add.f32 [tilespmem:s16], [sflag:$0x1], $0x1, s18, s15, $0xb8;
	[tilespmem:$0x1000] =	vst v63  }
0xf6: {  	_ =	swait.ge [sflag:s13], $0x80  }
0xf7: {  	[sflag:s13] =	ssyncset.done $0x0  }
0xf8: {  	[sflag:s13] =	ssyncadd.s32 $0xFFFFFF80  }
0xf9: {  	[spmem:s3] =	stream.indirect.scatter.add.f32 [tilespmem:s16], [sflag:$0x1], $0x1, s19, s15, $0xb8;
	[tilespmem:$0x1000] =	vst v63  }
0xfa: {  	_ =	swait.ge [sflag:s13], $0x80  }
0xfb: {  	[sflag:s13] =	ssyncset.done $0x0  }
0xfc: {  	[sflag:s13] =	ssyncadd.s32 $0xFFFFFF80  }
0xfd: {  	[spmem:s2] =	stream.indirect.scatter.add.f32 [tilespmem:s16], [sflag:$0x1], $0x1, s20, s15, $0xb8;
	[tilespmem:$0x1000] =	vst v63  }
0xfe: {  	_ =	swait.ge [sflag:s13], $0x80  }
0xff: {  	[sflag:s13] =	ssyncset.done $0x0  }
0x100: {  	[sflag:s13] =	ssyncadd.s32 $0xFFFFFF80  }
0x101: {  	[spmem:s3] =	stream.indirect.scatter.add.f32 [tilespmem:s16], [sflag:$0x1], $0x1, s21, s15, $0xb8;
	[tilespmem:$0x1000] =	vst v63  }
0x102: {  	_ =	swait.ge [sflag:s13], $0x80  }
0x103: {  	[sflag:s13] =	ssyncset.done $0x0  }
0x104: {  	[sflag:s13] =	ssyncadd.s32 $0xFFFFFF80  }
0x105: {  	[spmem:s2] =	stream.indirect.scatter.add.f32 [tilespmem:s16], [sflag:$0x1], $0x1, s22, s15, $0xb8;
	[tilespmem:$0x1000] =	vst v63  }
0x106: {  	_ =	swait.ge [sflag:s13], $0x80  }
0x107: {  	[sflag:s13] =	ssyncset.done $0x0  }
0x108: {  	[sflag:s13] =	ssyncadd.s32 $0xFFFFFF80  }
0x109: {  	[spmem:s3] =	stream.indirect.scatter.add.f32 [tilespmem:s16], [sflag:$0x1], $0x1, s23, s15, $0xb8;
	[tilespmem:$0x1000] =	vst v63  }
0x10a: {  	_ =	swait.ge [sflag:s13], $0x80  }
0x10b: {  	[sflag:s13] =	ssyncset.done $0x0  }
0x10c: {  	[sflag:s13] =	ssyncadd.s32 $0xFFFFFF80  }
0x10d: {  	[spmem:s2] =	stream.indirect.scatter.add.f32 [tilespmem:s16], [sflag:$0x1], $0x1, s24, s15, $0xb8;
	[tilespmem:$0x1000] =	vst v63  }
0x10e: {  	_ =	swait.ge [sflag:s13], $0x80  }
0x10f: {  	[sflag:s13] =	ssyncset.done $0x0  }
0x110: {  	[sflag:s13] =	ssyncadd.s32 $0xFFFFFF80  }
0x111: {  	[spmem:s3] =	stream.indirect.scatter.add.f32 [tilespmem:s16], [sflag:$0x1], $0x1, s25, s15, $0xb8;
	[tilespmem:$0x1000] =	vst v63  }
0x112: {  	_ =	swait.ge [sflag:s13], $0x80  }
0x113: {  	[sflag:s13] =	ssyncset.done $0x0  }
0x114: {  	[sflag:s13] =	ssyncadd.s32 $0xFFFFFF80  }
0x115: {  	[spmem:s2] =	stream.indirect.scatter.add.f32 [tilespmem:s16], [sflag:$0x1], $0x1, s26, s15, $0xb8;
	[tilespmem:$0x1000] =	vst v63  }
0x116: {  	_ =	swait.ge [sflag:s13], $0x80  }
0x117: {  	[sflag:s13] =	ssyncset.done $0x0  }
0x118: {  	[sflag:s13] =	ssyncadd.s32 $0xFFFFFF80  }
0x119: {  	[spmem:s3] =	stream.indirect.scatter.add.f32 [tilespmem:s16], [sflag:$0x1], $0x1, s28, s15, $0xb8;
	[tilespmem:$0x1000] =	vst v63  }
0x11a: {  	_ =	swait.ge [sflag:s13], $0x80  }
0x11b: {  	[sflag:s13] =	ssyncset.done $0x0  }
0x11c: {  	[sflag:s13] =	ssyncadd.s32 $0xFFFFFF80  }
0x11d: {  	[spmem:s2] =	stream.indirect.scatter.add.f32 [tilespmem:s16], [sflag:$0x1], $0x1, s29, s15, $0xb8;
	[tilespmem:$0x1000] =	vst v63  }
0x11e: {  	_ =	swait.ge [sflag:s13], $0x80  }
0x11f: {  	[sflag:s13] =	ssyncset.done $0x0  }
0x120: {  	[sflag:s13] =	ssyncadd.s32 $0xFFFFFF80  }
0x121: {  	[spmem:s3] =	stream.indirect.scatter.add.f32 [tilespmem:s16], [sflag:$0x1], $0x1, s30, s15, $0xb8;
	[tilespmem:$0x1000] =	vst v63  }
0x122: {  	_ =	swait.ge [sflag:s13], $0x80  }
0x123: {  	[sflag:s13] =	ssyncset.done $0x0  }
0x124: {  	s8 =	stileid.u32;
	[sflag:s13] =	ssyncadd.s32 $0xFFFFFF80  }
0x125: {  	s0 =	sshll.u32 s8, $0x6;
	[bflag:$0x0] =	sbarrier.arrive $0xFFFF  }
0x126: {  	s12 =	sshrl.u32 s5, $0x3;
	s0 =	sor.u32 $0x1C01, s0;
	s7 =	rddreg [dreg:$0x5]  }
0x127: {  	[hbm:s7], [sflag:s0] =	dma.local [spmem:s12], $0x50  }
0x128: {  	s31 =	sadd.s32 $0x1, s31;
	_ =	swait.ge [sflag:s13], $0x50  }
0x129: {  	s8 =	sshrl.u32 s6, $0x3;
	p0 =	sne.s32 s31, s9;
	[sflag:s13] =	ssyncset.done $0x0  }
.Ltmp1:
0x12a: {  	s12 =	rddreg [dreg:$0x6];
	[sflag:s13] =	ssyncadd.s32 $0xFFFFFFB0;
	(pc) =	sbr.rel @p0 .LBB2_1-.Ltmp1, $4  }
0x12b: {  	[hbm:s12], [sflag:s0] =	dma.local [spmem:s8], $0x50  }
0x12c: {  	_ =	swait.ge [sflag:s13], $0x50  }
0x12d: {  	[sflag:s13] =	ssyncset.done $0x0  }
0x12e: {  	[sflag:s13] =	ssyncadd.s32 $0xFFFFFFB0  }
0x12f: {  	_ =	sfence.sel $0x180000  }
0x130: {  	[bflag:$0x0] =	sbarrier.arrive $0xFFFF  }
0x131: {  	_ =	strace $0x90000047  }
0x132: {  	s0 =	stileid.u32;
	[bflag:$0x2] =	sbarrier.arrive $0xFFFF  }
0x133: {  	p0 =	sne.s32 s0, $0x0;
	s0 =	rddreg [dreg:$0x4]  }
0x134: {  	s0 =	sadd.s32 @!p0 $0x100000, s0  }
0x135: {  	[sflag:s0] =	ssyncadd.tile.s32 @!p0 $0x1;
	_ =	shalt  }
.Lfunc_end2:
_tile_overlayer_lowered:
.L_overlay_start_2:
0x136: {  	(tag) =	ssettag $0x2  }
0x137: {  	s0 =	rddreg [dreg:$0x0];
	s2 =	stileid.u32  }
0x138: {  	s1 =	rddreg [dreg:$0x1];
	p0 =	sne.s32 s2, $0x0  }
0x139: {  	s3 =	rddreg [dreg:$0x2];
	[bflag:$0x3] =	sbarrier.arrive $0xFFFF;
	s2 =	simm.s32 @!p0 $0x1C01  }
0x13a: {  	[timem:s3], [sflag:s2] =	dma.local @!p0 [hbm:s0], s1  }
0x13b: {  	s0 =	simm.s32 @!p0 $0x1  }
0x13c: {  	_ =	swait.ge @!p0 [sflag:s0], s1  }
0x13d: {  	s1 =	ssub.s32 @!p0 $0x0, s1;
	[sflag:s0] =	ssyncset.done @!p0 $0x0  }
0x13e: {  	[sflag:s0] =	ssyncadd.s32 @!p0 s1  }
0x13f: {  	[bflag:$0x3] =	sbarrier.arrive $0xFFFF  }
0x140: {  	_ =	shalt  }

</sc_bundles>
